<compile_context>
chip_gen: v7x
topology: tpu7x:2x2x1
jax: 0.10.2.dev20260603
libtpu: 0.0.44.dev20260713+nightly
codegen_flags: <defaults>
</compile_context>

<pallas_src>
import functools

import jax
import jax.numpy as jnp
import numpy as np
from jax import lax
from jax.experimental import pallas as pl
from jax.experimental.pallas import tpu as pltpu
from jax.experimental.pallas import tpu_sc as plsc

THRESH_V = float(-np.log(np.float32(0.7)))
N_MIN_V = 262144

_N = 4194304
_ROWS = 4096
_COLS = 1024
_BLK_ROWS = 512
_GRID = _ROWS // _BLK_ROWS

_NW = 32
_PER_W = _N // _NW
_CHUNK = 32768
_NCHUNK = _PER_W // _CHUNK
_UNROLL = 4

_SC_MESH = plsc.VectorSubcoreMesh(core_axis_name="c", subcore_axis_name="s",
                                  num_cores=2, num_subcores=16)



def _bce(p, t):
    log_p = jnp.maximum(jnp.log(p), -100.0)
    log_1mp = jnp.maximum(jnp.log(1.0 - p), -100.0)
    return -(t * log_p + (1.0 - t) * log_1mp)


def _stats_kernel(p_ref, t_ref, stats_ref):
    loss = _bce(p_ref[...], t_ref[...])
    m = loss > THRESH_V
    s = jnp.sum(jnp.where(m, loss, 0.0))
    c = jnp.sum(m.astype(jnp.float32))

    @pl.when(pl.program_id(0) == 0)
    def _init():
        stats_ref[0, 0] = s
        stats_ref[0, 1] = c

    @pl.when(pl.program_id(0) != 0)
    def _acc():
        stats_ref[0, 0] += s
        stats_ref[0, 1] += c


def _masked_stats(p2d, t2d):
    return pl.pallas_call(
        _stats_kernel,
        grid=(_GRID,),
        in_specs=[
            pl.BlockSpec((_BLK_ROWS, _COLS), lambda i: (i, 0)),
            pl.BlockSpec((_BLK_ROWS, _COLS), lambda i: (i, 0)),
        ],
        out_specs=pl.BlockSpec((1, 2), lambda i: (0, 0),
                               memory_space=pltpu.SMEM),
        out_shape=jax.ShapeDtypeStruct((1, 2), jnp.float32),
    )(p2d, t2d)


def _loss_kernel(p_ref, t_ref, loss_ref):
    loss_ref[...] = _bce(p_ref[...], t_ref[...])


def _loss_array(p2d, t2d):
    return pl.pallas_call(
        _loss_kernel,
        grid=(_GRID,),
        in_specs=[
            pl.BlockSpec((_BLK_ROWS, _COLS), lambda i: (i, 0)),
            pl.BlockSpec((_BLK_ROWS, _COLS), lambda i: (i, 0)),
        ],
        out_specs=pl.BlockSpec((_BLK_ROWS, _COLS), lambda i: (i, 0)),
        out_shape=jax.ShapeDtypeStruct((_ROWS, _COLS), jnp.float32),
    )(p2d, t2d)



def _make_hist_kernel(shift, nb, match_shift):

    @functools.partial(
        pl.kernel,
        out_type=jax.ShapeDtypeStruct((_NW, nb), jnp.float32),
        mesh=_SC_MESH,
        compiler_params=pltpu.CompilerParams(needs_layout_passes=False),
        scratch_types=[
            pltpu.VMEM((_CHUNK,), jnp.int32),
            pltpu.VMEM((_CHUNK,), jnp.int32),
            pltpu.VMEM((16,), jnp.int32),
            pltpu.VMEM((16 * nb,), jnp.float32),
            pltpu.VMEM((nb,), jnp.float32),
            pltpu.SemaphoreType.DMA,
            pltpu.SemaphoreType.DMA,
        ],
    )
    def hist_kernel(bits_hbm, pref_hbm, cnt_out,
                    chunk0_v, chunk1_v, pref_v, cnt_v, rcnt_v, sem0, sem1):
        wid = lax.axis_index("s") * 2 + lax.axis_index("c")
        base = wid * _PER_W
        bufs = (chunk0_v, chunk1_v)
        sems = (sem0, sem1)

        pltpu.async_copy(bits_hbm.at[pl.ds(base, _CHUNK)], bufs[0], sems[0])

        zeros16 = jnp.zeros((16,), jnp.float32)

        def zbody(i, carry):
            for j in range(8):
                cnt_v[pl.ds(i * 128 + j * 16, 16)] = zeros16
            return carry

        lax.fori_loop(0, nb // 8, zbody, 0)

        pltpu.sync_copy(pref_hbm, pref_v)
        pref = pref_v[...]
        lane_nb = lax.iota(jnp.int32, 16) * nb
        ones16 = jnp.ones((16,), jnp.float32)

        for c in range(_NCHUNK):
            cur = bufs[c % 2]
            pltpu.make_async_copy(
                bits_hbm.at[pl.ds(base + c * _CHUNK, _CHUNK)],
                cur, sems[c % 2]).wait()
            if c + 1 < _NCHUNK:
                pltpu.async_copy(
                    bits_hbm.at[pl.ds(base + (c + 1) * _CHUNK, _CHUNK)],
                    bufs[(c + 1) % 2], sems[(c + 1) % 2])

            @plsc.parallel_loop(0, _CHUNK // 16, 1, unroll=_UNROLL)
            def _chunk_body(i):
                bits = cur[pl.ds(i * 16, 16)]
                b = jnp.right_shift(bits, shift) & (nb - 1)
                idx = lane_nb + b
                if match_shift is None:
                    plsc.addupdate_scatter(cnt_v, [idx], ones16)
                else:
                    match = jnp.right_shift(bits, match_shift) == pref
                    plsc.addupdate_scatter(cnt_v, [idx], ones16, mask=match)

        def rbody(j, carry):
            ca = cnt_v[pl.ds(j * 16, 16)]
            for l in range(1, 16):
                ca = ca + cnt_v[pl.ds(l * nb + j * 16, 16)]
            rcnt_v[pl.ds(j * 16, 16)] = ca
            return carry

        lax.fori_loop(0, nb // 16, rbody, 0)

        pltpu.sync_copy(rcnt_v, cnt_out.at[wid])

    return hist_kernel


_hist_r0 = _make_hist_kernel(21, 2048, None)
_hist_r1 = _make_hist_kernel(10, 2048, 21)


_NB_F = 1024


@functools.partial(
    pl.kernel,
    out_type=(
        jax.ShapeDtypeStruct((_NW, _NB_F), jnp.float32),
        jax.ShapeDtypeStruct((_NW, 16), jnp.float32),
    ),
    mesh=_SC_MESH,
    compiler_params=pltpu.CompilerParams(needs_layout_passes=False),
    scratch_types=[
        pltpu.VMEM((_CHUNK,), jnp.float32),
        pltpu.VMEM((_CHUNK,), jnp.float32),
        pltpu.VMEM((64,), jnp.float32),
        pltpu.VMEM((16 * _NB_F,), jnp.float32),
        pltpu.VMEM((_NB_F,), jnp.float32),
        pltpu.VMEM((16,), jnp.float32),
        pltpu.SemaphoreType.DMA,
        pltpu.SemaphoreType.DMA,
    ],
)
def _final_kernel(loss_hbm, params_hbm, cnt_out, sum_out,
                  chunk0_v, chunk1_v, params_v, cnt_v, rcnt_v, s_v,
                  sem0, sem1):
    wid = lax.axis_index("s") * 2 + lax.axis_index("c")
    base = wid * _PER_W
    bufs = (chunk0_v, chunk1_v)
    sems = (sem0, sem1)

    pltpu.async_copy(loss_hbm.at[pl.ds(base, _CHUNK)], bufs[0], sems[0])
    pltpu.sync_copy(params_hbm, params_v)
    lo = params_v[pl.ds(0, 16)]
    hi = params_v[pl.ds(16, 16)]
    sc_a = params_v[pl.ds(32, 16)]
    sc_b = params_v[pl.ds(48, 16)]

    zeros16 = jnp.zeros((16,), jnp.float32)
    ones16 = jnp.ones((16,), jnp.float32)
    lane_nb = lax.iota(jnp.int32, 16) * _NB_F
    max_bin = jnp.full((16,), _NB_F - 1, jnp.int32)
    zero_i = jnp.zeros((16,), jnp.int32)

    def zbody(i, carry):
        for j in range(8):
            cnt_v[pl.ds(i * 128 + j * 16, 16)] = zeros16
        return carry

    lax.fori_loop(0, 16 * _NB_F // 128, zbody, 0)

    accs = tuple(zeros16 for _ in range(_UNROLL))
    for c in range(_NCHUNK):
        cur = bufs[c % 2]
        pltpu.make_async_copy(
            loss_hbm.at[pl.ds(base + c * _CHUNK, _CHUNK)],
            cur, sems[c % 2]).wait()
        if c + 1 < _NCHUNK:
            pltpu.async_copy(
                loss_hbm.at[pl.ds(base + (c + 1) * _CHUNK, _CHUNK)],
                bufs[(c + 1) % 2], sems[(c + 1) % 2])

        @plsc.parallel_loop(0, _CHUNK // 16, 1, unroll=_UNROLL)
        def _scatter_body(i):
            x = cur[pl.ds(i * 16, 16)]
            m_in = (x >= lo) & (x < hi)
            u = ((x - lo) * sc_a) * sc_b
            b = jnp.minimum(jnp.maximum(u.astype(jnp.int32), zero_i),
                            max_bin)
            plsc.addupdate_scatter(cnt_v, [lane_nb + b], ones16, mask=m_in)

        def sbody(i, carry):
            out = list(carry)
            for j in range(_UNROLL):
                x = cur[pl.ds(i * (16 * _UNROLL) + j * 16, 16)]
                out[j] = out[j] + jnp.where(x >= hi, x, zeros16)
            return tuple(out)

        accs = lax.fori_loop(0, _CHUNK // (16 * _UNROLL), sbody, accs)

    s_acc = accs[0]
    for j in range(1, _UNROLL):
        s_acc = s_acc + accs[j]

    def rbody(j, carry):
        ca = cnt_v[pl.ds(j * 16, 16)]
        for l in range(1, 16):
            ca = ca + cnt_v[pl.ds(l * _NB_F + j * 16, 16)]
        rcnt_v[pl.ds(j * 16, 16)] = ca
        return carry

    lax.fori_loop(0, _NB_F // 16, rbody, 0)

    s_v[...] = s_acc
    pltpu.sync_copy(rcnt_v, cnt_out.at[wid])
    pltpu.sync_copy(s_v, sum_out.at[wid])


def _pick_bin(cnt_w, nb, k_rem):
    cnt = jnp.sum(cnt_w, axis=0)
    cnt_d = cnt[::-1]
    csum = jnp.cumsum(cnt_d)
    lt = csum < k_rem
    i_star = jnp.minimum(jnp.sum(lt.astype(jnp.int32)), nb - 1)
    b_star = (nb - 1 - i_star).astype(jnp.int32)
    above_cnt = jnp.max(jnp.where(lt, csum, 0.0))
    return b_star, k_rem - above_cnt


def _mean_top_k(pt):
    p2d, t2d = pt
    loss_flat = _loss_array(p2d, t2d).reshape(_N)
    bits_flat = lax.bitcast_convert_type(loss_flat, jnp.int32)
    k = jnp.float32(N_MIN_V)

    pref0 = jnp.zeros((16,), jnp.int32)
    cnt0 = _hist_r0(bits_flat, pref0)
    b0, k_rem = _pick_bin(cnt0, 2048, k)

    pref1 = jnp.broadcast_to(b0, (16,))
    cnt1 = _hist_r1(bits_flat, pref1)
    b1, k_rem = _pick_bin(cnt1, 2048, k_rem)

    prefix22 = b0 * 2048 + b1
    e22 = prefix22 >> 13
    lo_bits = prefix22 << 10
    hi_bits = (prefix22 + 1) << 10
    lo = lax.bitcast_convert_type(lo_bits, jnp.float32)
    hi = lax.bitcast_convert_type(hi_bits, jnp.float32)
    sc_a = jnp.float32(2.0) ** 75
    sc_b = jnp.ldexp(jnp.float32(1.0), 75 - jnp.maximum(e22, 1))
    params = jnp.concatenate([
        jnp.broadcast_to(lo, (16,)),
        jnp.broadcast_to(hi, (16,)),
        jnp.broadcast_to(sc_a, (16,)),
        jnp.broadcast_to(sc_b, (16,)),
    ])

    cnt_w, sum_w = _final_kernel(loss_flat, params)
    cnt2 = jnp.sum(cnt_w, axis=0)
    b2, k_rem = _pick_bin(cnt_w, _NB_F, k_rem)
    vals = lax.bitcast_convert_type(
        lo_bits + jnp.arange(_NB_F, dtype=jnp.int32), jnp.float32)
    ws = jnp.sum(jnp.where(jnp.arange(_NB_F) > b2, cnt2 * vals, 0.0))
    pivot = lax.bitcast_convert_type(lo_bits + b2, jnp.float32)
    s_above = jnp.sum(sum_w)
    return (s_above + ws + k_rem * pivot) / k


def kernel(output, target):
    p2d = output.reshape(_ROWS, _COLS)
    t2d = target.reshape(_ROWS, _COLS)
    stats = _masked_stats(p2d, t2d)
    masked_sum = stats[0, 0]
    count = stats[0, 1]
    mean_masked = masked_sum / jnp.maximum(count, 1.0)
    return lax.cond(count > jnp.float32(N_MIN_V),
                    lambda _: mean_masked,
                    _mean_top_k,
                    (p2d, t2d))

# --- scband reference (transcript-rebuilt; emitter-appended) ---
"""Pipeline reference for scband-ohem-bceloss-75969381532179 (READ-ONLY COPY).

The authoritative reference and input builder live on the scoring server;
editing this copy changes nothing except your own understanding.
"""

import jax, jax.numpy as jnp
import numpy as np

THRESH = float(-np.log(np.float32(0.7)))  # -log(thresh), as in __init__
N_MIN = 262144


def setup_inputs(seed: int = 0) -> dict:
    key = jax.random.key(seed)
    k1, k2 = jax.random.split(key)
    output = jax.random.uniform(k1, (16, 1, 512, 512), dtype=jnp.float32)
    target = jax.random.uniform(k2, (16, 1, 512, 512), dtype=jnp.float32)
    return {"output": output, "target": target}


def _bce_no_reduction(p, t):
    # torch.nn.BCELoss clamps log terms at -100
    log_p = jnp.clip(jnp.log(p), -100.0, None)
    log_1mp = jnp.clip(jnp.log(1.0 - p), -100.0, None)
    return -(t * log_p + (1.0 - t) * log_1mp)


def reference(output, target):
    loss = _bce_no_reduction(output, target).reshape(-1)
    loss = jnp.sort(loss)[::-1]  # descending
    cond = loss[N_MIN] > THRESH
    mask = loss > THRESH
    count = jnp.sum(mask)
    masked_sum = jnp.sum(jnp.where(mask, loss, 0.0))
    mean_masked = masked_sum / jnp.maximum(count, 1).astype(loss.dtype)
    mean_top = jnp.mean(loss[:N_MIN])
    return jnp.where(cond, mean_masked, mean_top)

if __name__ == "__main__":
    import jax
    _d = setup_inputs()
    print(jax.jit(kernel)(*tuple(_d.values())))

</pallas_src>

<mosaic_0001>
#map = affine_map<(d0, d1) -> (0)>
#map1 = affine_map<(d0, d1) -> (0, 0)>
module attributes {stable_mosaic.version = 14 : i64} {
  func.func @hist_kernel(%arg0: i32, %arg1: i32, %arg2: memref<4194304xi32, #tpu.memory_space<hbm>>, %arg3: memref<16xi32, #tpu.memory_space<hbm>>, %arg4: memref<32x2048xf32, #tpu.memory_space<hbm>>, %arg5: memref<32768xi32, #tpu.memory_space<vmem>>, %arg6: memref<32768xi32, #tpu.memory_space<vmem>>, %arg7: memref<16xi32, #tpu.memory_space<vmem>>, %arg8: memref<32768xf32, #tpu.memory_space<vmem>>, %arg9: memref<2048xf32, #tpu.memory_space<vmem>>, %arg10: memref<!tpu.dma_semaphore, #tpu.memory_space<semaphore_mem>>, %arg11: memref<!tpu.dma_semaphore, #tpu.memory_space<semaphore_mem>>) attributes {dimension_semantics = [#tpu.dimension_semantics<core_parallel>, #tpu.dimension_semantics<subcore_parallel>], iteration_bounds = array<i64: 2, 16>, scalar_prefetch = 0 : i64, scratch_operands = 7 : i64, tpu.core_type = #tpu.core_type<sc_vector_subcore>, window_params = [{transform_indices = #map}, {transform_indices = #map}, {transform_indices = #map1}]} {
    %mul3A = arith.constant 2 : i32
    %mul3A_0 = arith.muli %arg1, %mul3A : i32
    %add3A = arith.addi %mul3A_0, %arg0 : i32
    %mul3A_1 = arith.constant 131072 : i32
    %mul3A_2 = arith.muli %add3A, %mul3A_1 : i32
    %dma_start3A = tpu.memref_slice %arg2[%mul3A_2] : memref<4194304xi32, #tpu.memory_space<hbm>> -> memref<32768xi32, #tpu.memory_space<hbm>>
    %dma_start3A_3 = tpu.memref_slice %arg2[%mul3A_2] : memref<4194304xi32, #tpu.memory_space<hbm>> -> memref<32768xi32, #tpu.memory_space<hbm>>
    tpu.enqueue_dma source(%dma_start3A_3 : memref<32768xi32, #tpu.memory_space<hbm>>) target(%arg5 : memref<32768xi32, #tpu.memory_space<vmem>>) target_semaphore(%arg10 : memref<!tpu.dma_semaphore, #tpu.memory_space<semaphore_mem>>)
    %broadcast_in_dim3A = arith.constant 0.000000e+00 : f32
    %broadcast_in_dim3A_4 = vector.broadcast %broadcast_in_dim3A : f32 to vector<16xf32>
    %scan3A = arith.constant 0 : i32
    %scan3A_5 = arith.constant 0 : i32
    %scan3A_6 = arith.constant 256 : i32
    %scan3A_7 = arith.addi %scan3A_5, %scan3A_6 : i32
    %scan3A_8 = arith.constant 1 : i32
    scf.for %scan3A_60 = %scan3A_5 to %scan3A_7 step %scan3A_8  : i32 {
      %mul3A_61 = arith.constant 128 : i32
      %mul3A_62 = arith.muli %scan3A_60, %mul3A_61 : i32
      %add3A_63 = arith.constant 0 : i32
      %add3A_64 = arith.addi %mul3A_62, %add3A_63 : i32
      %swap3A = arith.index_cast %add3A_64 : i32 to index
      %swap3A_65 = tpu.vector_load %arg8[%swap3A] {strides = array<i32>} : memref<32768xf32, #tpu.memory_space<vmem>>, vector<16xf32>,
      tpu.vector_store %arg8[%swap3A], %broadcast_in_dim3A_4 {strides = array<i32>} : memref<32768xf32, #tpu.memory_space<vmem>>, vector<16xf32>,
      %mul3A_66 = arith.constant 128 : i32
      %mul3A_67 = arith.muli %scan3A_60, %mul3A_66 : i32
      %add3A_68 = arith.constant 16 : i32
      %add3A_69 = arith.addi %mul3A_67, %add3A_68 : i32
      %swap3A_70 = arith.index_cast %add3A_69 : i32 to index
      %swap3A_71 = tpu.vector_load %arg8[%swap3A_70] {strides = array<i32>} : memref<32768xf32, #tpu.memory_space<vmem>>, vector<16xf32>,
      tpu.vector_store %arg8[%swap3A_70], %broadcast_in_dim3A_4 {strides = array<i32>} : memref<32768xf32, #tpu.memory_space<vmem>>, vector<16xf32>,
      %mul3A_72 = arith.constant 128 : i32
      %mul3A_73 = arith.muli %scan3A_60, %mul3A_72 : i32
      %add3A_74 = arith.constant 32 : i32
      %add3A_75 = arith.addi %mul3A_73, %add3A_74 : i32
      %swap3A_76 = arith.index_cast %add3A_75 : i32 to index
      %swap3A_77 = tpu.vector_load %arg8[%swap3A_76] {strides = array<i32>} : memref<32768xf32, #tpu.memory_space<vmem>>, vector<16xf32>,
      tpu.vector_store %arg8[%swap3A_76], %broadcast_in_dim3A_4 {strides = array<i32>} : memref<32768xf32, #tpu.memory_space<vmem>>, vector<16xf32>,
      %mul3A_78 = arith.constant 128 : i32
      %mul3A_79 = arith.muli %scan3A_60, %mul3A_78 : i32
      %add3A_80 = arith.constant 48 : i32
      %add3A_81 = arith.addi %mul3A_79, %add3A_80 : i32
      %swap3A_82 = arith.index_cast %add3A_81 : i32 to index
      %swap3A_83 = tpu.vector_load %arg8[%swap3A_82] {strides = array<i32>} : memref<32768xf32, #tpu.memory_space<vmem>>, vector<16xf32>,
      tpu.vector_store %arg8[%swap3A_82], %broadcast_in_dim3A_4 {strides = array<i32>} : memref<32768xf32, #tpu.memory_space<vmem>>, vector<16xf32>,
      %mul3A_84 = arith.constant 128 : i32
      %mul3A_85 = arith.muli %scan3A_60, %mul3A_84 : i32
      %add3A_86 = arith.constant 64 : i32
      %add3A_87 = arith.addi %mul3A_85, %add3A_86 : i32
      %swap3A_88 = arith.index_cast %add3A_87 : i32 to index
      %swap3A_89 = tpu.vector_load %arg8[%swap3A_88] {strides = array<i32>} : memref<32768xf32, #tpu.memory_space<vmem>>, vector<16xf32>,
      tpu.vector_store %arg8[%swap3A_88], %broadcast_in_dim3A_4 {strides = array<i32>} : memref<32768xf32, #tpu.memory_space<vmem>>, vector<16xf32>,
      %mul3A_90 = arith.constant 128 : i32
      %mul3A_91 = arith.muli %scan3A_60, %mul3A_90 : i32
      %add3A_92 = arith.constant 80 : i32
      %add3A_93 = arith.addi %mul3A_91, %add3A_92 : i32
      %swap3A_94 = arith.index_cast %add3A_93 : i32 to index
      %swap3A_95 = tpu.vector_load %arg8[%swap3A_94] {strides = array<i32>} : memref<32768xf32, #tpu.memory_space<vmem>>, vector<16xf32>,
      tpu.vector_store %arg8[%swap3A_94], %broadcast_in_dim3A_4 {strides = array<i32>} : memref<32768xf32, #tpu.memory_space<vmem>>, vector<16xf32>,
      %mul3A_96 = arith.constant 128 : i32
      %mul3A_97 = arith.muli %scan3A_60, %mul3A_96 : i32
      %add3A_98 = arith.constant 96 : i32
      %add3A_99 = arith.addi %mul3A_97, %add3A_98 : i32
      %swap3A_100 = arith.index_cast %add3A_99 : i32 to index
      %swap3A_101 = tpu.vector_load %arg8[%swap3A_100] {strides = array<i32>} : memref<32768xf32, #tpu.memory_space<vmem>>, vector<16xf32>,
      tpu.vector_store %arg8[%swap3A_100], %broadcast_in_dim3A_4 {strides = array<i32>} : memref<32768xf32, #tpu.memory_space<vmem>>, vector<16xf32>,
      %mul3A_102 = arith.constant 128 : i32
      %mul3A_103 = arith.muli %scan3A_60, %mul3A_102 : i32
      %add3A_104 = arith.constant 112 : i32
      %add3A_105 = arith.addi %mul3A_103, %add3A_104 : i32
      %swap3A_106 = arith.index_cast %add3A_105 : i32 to index
      %swap3A_107 = tpu.vector_load %arg8[%swap3A_106] {strides = array<i32>} : memref<32768xf32, #tpu.memory_space<vmem>>, vector<16xf32>,
      tpu.vector_store %arg8[%swap3A_106], %broadcast_in_dim3A_4 {strides = array<i32>} : memref<32768xf32, #tpu.memory_space<vmem>>, vector<16xf32>,
    }
    %scan3A_9 = arith.constant 256 : i32
    "tpu.region"() ({
      %run_scoped3A = tpu.sem_alloc : memref<!tpu.dma_semaphore, #tpu.memory_space<semaphore_mem>>
      tpu.enqueue_dma source(%arg3 : memref<16xi32, #tpu.memory_space<hbm>>) target(%arg7 : memref<16xi32, #tpu.memory_space<vmem>>) target_semaphore(%run_scoped3A : memref<!tpu.dma_semaphore, #tpu.memory_space<semaphore_mem>>)
      tpu.wait_dma2 semaphore(%run_scoped3A : memref<!tpu.dma_semaphore, #tpu.memory_space<semaphore_mem>>) src(%arg3 : memref<16xi32, #tpu.memory_space<hbm>>) dst(%arg7 : memref<16xi32, #tpu.memory_space<vmem>>)
      tpu.yield
    }) : () -> ()
    %get3A = arith.constant 0 : index
    %get3A_10 = tpu.vector_load %arg7[%get3A] {strides = array<i32>} : memref<16xi32, #tpu.memory_space<vmem>>, vector<16xi32>,
    %iota3A = tpu.iota {dimensions = array<i32: 0>} : vector<16xi32>
    %mul3A_11 = arith.constant 2048 : i32
    %mul3A_12 = vector.broadcast %mul3A_11 : i32 to vector<16xi32>
    %mul3A_13 = arith.muli %iota3A, %mul3A_12 : vector<16xi32>
    %broadcast_in_dim3A_14 = arith.constant 1.000000e+00 : f32
    %broadcast_in_dim3A_15 = vector.broadcast %broadcast_in_dim3A_14 : f32 to vector<16xf32>
    %add3A_16 = arith.constant 0 : i32
    %add3A_17 = arith.addi %mul3A_2, %add3A_16 : i32
    %dma_wait3A = tpu.memref_slice %arg2[%add3A_17] : memref<4194304xi32, #tpu.memory_space<hbm>> -> memref<32768xi32, #tpu.memory_space<hbm>>
    %dma_wait3A_18 = tpu.memref_slice %arg2[%add3A_17] : memref<4194304xi32, #tpu.memory_space<hbm>> -> memref<32768xi32, #tpu.memory_space<hbm>>
    tpu.wait_dma2 semaphore(%arg10 : memref<!tpu.dma_semaphore, #tpu.memory_space<semaphore_mem>>) src(%dma_wait3A_18 : memref<32768xi32, #tpu.memory_space<hbm>>) dst(%arg5 : memref<32768xi32, #tpu.memory_space<vmem>>)
    %add3A_19 = arith.constant 32768 : i32
    %add3A_20 = arith.addi %mul3A_2, %add3A_19 : i32
    %dma_start3A_21 = tpu.memref_slice %arg2[%add3A_20] : memref<4194304xi32, #tpu.memory_space<hbm>> -> memref<32768xi32, #tpu.memory_space<hbm>>
    %dma_start3A_22 = tpu.memref_slice %arg2[%add3A_20] : memref<4194304xi32, #tpu.memory_space<hbm>> -> memref<32768xi32, #tpu.memory_space<hbm>>
    tpu.enqueue_dma source(%dma_start3A_22 : memref<32768xi32, #tpu.memory_space<hbm>>) target(%arg6 : memref<32768xi32, #tpu.memory_space<vmem>>) target_semaphore(%arg11 : memref<!tpu.dma_semaphore, #tpu.memory_space<semaphore_mem>>)
    %parallel_loop3A = arith.constant 0 : i32
    %parallel_loop3A_23 = arith.constant 2048 : i32
    %parallel_loop3A_24 = arith.constant 1 : i32
    scf.for %parallel_loop3A_60 = %parallel_loop3A to %parallel_loop3A_23 step %parallel_loop3A_24  : i32 {
      %parallel_loop3A_61 = arith.constant 16 : i32
      %parallel_loop3A_62 = arith.muli %parallel_loop3A_60, %parallel_loop3A_61 : i32
      %parallel_loop3A_63 = arith.index_cast %parallel_loop3A_62 : i32 to index
      %parallel_loop3A_64 = tpu.vector_load %arg5[%parallel_loop3A_63] {strides = array<i32>} : memref<32768xi32, #tpu.memory_space<vmem>>, vector<16xi32>,
      %parallel_loop3A_65 = arith.constant 10 : i32
      %parallel_loop3A_66 = vector.broadcast %parallel_loop3A_65 : i32 to vector<16xi32>
      %parallel_loop3A_67 = arith.shrsi %parallel_loop3A_64, %parallel_loop3A_66 : vector<16xi32>
      %parallel_loop3A_68 = arith.constant 2047 : i32
      %parallel_loop3A_69 = vector.broadcast %parallel_loop3A_68 : i32 to vector<16xi32>
      %parallel_loop3A_70 = arith.andi %parallel_loop3A_67, %parallel_loop3A_69 : vector<16xi32>
      %parallel_loop3A_71 = arith.addi %mul3A_13, %parallel_loop3A_70 : vector<16xi32>
      %parallel_loop3A_72 = arith.constant 21 : i32
      %parallel_loop3A_73 = vector.broadcast %parallel_loop3A_72 : i32 to vector<16xi32>
      %parallel_loop3A_74 = arith.shrsi %parallel_loop3A_64, %parallel_loop3A_73 : vector<16xi32>
      %parallel_loop3A_75 = arith.cmpi eq, %parallel_loop3A_74, %get3A_10 : vector<16xi32>
      tpu.vector_store_idx %arg8[%parallel_loop3A_71], %broadcast_in_dim3A_15 masked %parallel_loop3A_75 {add = true} : memref<32768xf32, #tpu.memory_space<vmem>>[vector<16xi32>], vector<16xf32>, vector<16xi1>
    } {sc.loop_unroll_factor = 4 : i64, sc.parallel_access}
    %add3A_25 = arith.constant 32768 : i32
    %add3A_26 = arith.addi %mul3A_2, %add3A_25 : i32
    %dma_wait3A_27 = tpu.memref_slice %arg2[%add3A_26] : memref<4194304xi32, #tpu.memory_space<hbm>> -> memref<32768xi32, #tpu.memory_space<hbm>>
    %dma_wait3A_28 = tpu.memref_slice %arg2[%add3A_26] : memref<4194304xi32, #tpu.memory_space<hbm>> -> memref<32768xi32, #tpu.memory_space<hbm>>
    tpu.wait_dma2 semaphore(%arg11 : memref<!tpu.dma_semaphore, #tpu.memory_space<semaphore_mem>>) src(%dma_wait3A_28 : memref<32768xi32, #tpu.memory_space<hbm>>) dst(%arg6 : memref<32768xi32, #tpu.memory_space<vmem>>)
    %add3A_29 = arith.constant 65536 : i32
    %add3A_30 = arith.addi %mul3A_2, %add3A_29 : i32
    %dma_start3A_31 = tpu.memref_slice %arg2[%add3A_30] : memref<4194304xi32, #tpu.memory_space<hbm>> -> memref<32768xi32, #tpu.memory_space<hbm>>
    %dma_start3A_32 = tpu.memref_slice %arg2[%add3A_30] : memref<4194304xi32, #tpu.memory_space<hbm>> -> memref<32768xi32, #tpu.memory_space<hbm>>
    tpu.enqueue_dma source(%dma_start3A_32 : memref<32768xi32, #tpu.memory_space<hbm>>) target(%arg5 : memref<32768xi32, #tpu.memory_space<vmem>>) target_semaphore(%arg10 : memref<!tpu.dma_semaphore, #tpu.memory_space<semaphore_mem>>)
    %parallel_loop3A_33 = arith.constant 0 : i32
    %parallel_loop3A_34 = arith.constant 2048 : i32
    %parallel_loop3A_35 = arith.constant 1 : i32
    scf.for %parallel_loop3A_60 = %parallel_loop3A_33 to %parallel_loop3A_34 step %parallel_loop3A_35  : i32 {
      %parallel_loop3A_61 = arith.constant 16 : i32
      %parallel_loop3A_62 = arith.muli %parallel_loop3A_60, %parallel_loop3A_61 : i32
      %parallel_loop3A_63 = arith.index_cast %parallel_loop3A_62 : i32 to index
      %parallel_loop3A_64 = tpu.vector_load %arg6[%parallel_loop3A_63] {strides = array<i32>} : memref<32768xi32, #tpu.memory_space<vmem>>, vector<16xi32>,
      %parallel_loop3A_65 = arith.constant 10 : i32
      %parallel_loop3A_66 = vector.broadcast %parallel_loop3A_65 : i32 to vector<16xi32>
      %parallel_loop3A_67 = arith.shrsi %parallel_loop3A_64, %parallel_loop3A_66 : vector<16xi32>
      %parallel_loop3A_68 = arith.constant 2047 : i32
      %parallel_loop3A_69 = vector.broadcast %parallel_loop3A_68 : i32 to vector<16xi32>
      %parallel_loop3A_70 = arith.andi %parallel_loop3A_67, %parallel_loop3A_69 : vector<16xi32>
      %parallel_loop3A_71 = arith.addi %mul3A_13, %parallel_loop3A_70 : vector<16xi32>
      %parallel_loop3A_72 = arith.constant 21 : i32
      %parallel_loop3A_73 = vector.broadcast %parallel_loop3A_72 : i32 to vector<16xi32>
      %parallel_loop3A_74 = arith.shrsi %parallel_loop3A_64, %parallel_loop3A_73 : vector<16xi32>
      %parallel_loop3A_75 = arith.cmpi eq, %parallel_loop3A_74, %get3A_10 : vector<16xi32>
      tpu.vector_store_idx %arg8[%parallel_loop3A_71], %broadcast_in_dim3A_15 masked %parallel_loop3A_75 {add = true} : memref<32768xf32, #tpu.memory_space<vmem>>[vector<16xi32>], vector<16xf32>, vector<16xi1>
    } {sc.loop_unroll_factor = 4 : i64, sc.parallel_access}
    %add3A_36 = arith.constant 65536 : i32
    %add3A_37 = arith.addi %mul3A_2, %add3A_36 : i32
    %dma_wait3A_38 = tpu.memref_slice %arg2[%add3A_37] : memref<4194304xi32, #tpu.memory_space<hbm>> -> memref<32768xi32, #tpu.memory_space<hbm>>
    %dma_wait3A_39 = tpu.memref_slice %arg2[%add3A_37] : memref<4194304xi32, #tpu.memory_space<hbm>> -> memref<32768xi32, #tpu.memory_space<hbm>>
    tpu.wait_dma2 semaphore(%arg10 : memref<!tpu.dma_semaphore, #tpu.memory_space<semaphore_mem>>) src(%dma_wait3A_39 : memref<32768xi32, #tpu.memory_space<hbm>>) dst(%arg5 : memref<32768xi32, #tpu.memory_space<vmem>>)
    %add3A_40 = arith.constant 98304 : i32
    %add3A_41 = arith.addi %mul3A_2, %add3A_40 : i32
    %dma_start3A_42 = tpu.memref_slice %arg2[%add3A_41] : memref<4194304xi32, #tpu.memory_space<hbm>> -> memref<32768xi32, #tpu.memory_space<hbm>>
    %dma_start3A_43 = tpu.memref_slice %arg2[%add3A_41] : memref<4194304xi32, #tpu.memory_space<hbm>> -> memref<32768xi32, #tpu.memory_space<hbm>>
    tpu.enqueue_dma source(%dma_start3A_43 : memref<32768xi32, #tpu.memory_space<hbm>>) target(%arg6 : memref<32768xi32, #tpu.memory_space<vmem>>) target_semaphore(%arg11 : memref<!tpu.dma_semaphore, #tpu.memory_space<semaphore_mem>>)
    %parallel_loop3A_44 = arith.constant 0 : i32
    %parallel_loop3A_45 = arith.constant 2048 : i32
    %parallel_loop3A_46 = arith.constant 1 : i32
    scf.for %parallel_loop3A_60 = %parallel_loop3A_44 to %parallel_loop3A_45 step %parallel_loop3A_46  : i32 {
      %parallel_loop3A_61 = arith.constant 16 : i32
      %parallel_loop3A_62 = arith.muli %parallel_loop3A_60, %parallel_loop3A_61 : i32
      %parallel_loop3A_63 = arith.index_cast %parallel_loop3A_62 : i32 to index
      %parallel_loop3A_64 = tpu.vector_load %arg5[%parallel_loop3A_63] {strides = array<i32>} : memref<32768xi32, #tpu.memory_space<vmem>>, vector<16xi32>,
      %parallel_loop3A_65 = arith.constant 10 : i32
      %parallel_loop3A_66 = vector.broadcast %parallel_loop3A_65 : i32 to vector<16xi32>
      %parallel_loop3A_67 = arith.shrsi %parallel_loop3A_64, %parallel_loop3A_66 : vector<16xi32>
      %parallel_loop3A_68 = arith.constant 2047 : i32
      %parallel_loop3A_69 = vector.broadcast %parallel_loop3A_68 : i32 to vector<16xi32>
      %parallel_loop3A_70 = arith.andi %parallel_loop3A_67, %parallel_loop3A_69 : vector<16xi32>
      %parallel_loop3A_71 = arith.addi %mul3A_13, %parallel_loop3A_70 : vector<16xi32>
      %parallel_loop3A_72 = arith.constant 21 : i32
      %parallel_loop3A_73 = vector.broadcast %parallel_loop3A_72 : i32 to vector<16xi32>
      %parallel_loop3A_74 = arith.shrsi %parallel_loop3A_64, %parallel_loop3A_73 : vector<16xi32>
      %parallel_loop3A_75 = arith.cmpi eq, %parallel_loop3A_74, %get3A_10 : vector<16xi32>
      tpu.vector_store_idx %arg8[%parallel_loop3A_71], %broadcast_in_dim3A_15 masked %parallel_loop3A_75 {add = true} : memref<32768xf32, #tpu.memory_space<vmem>>[vector<16xi32>], vector<16xf32>, vector<16xi1>
    } {sc.loop_unroll_factor = 4 : i64, sc.parallel_access}
    %add3A_47 = arith.constant 98304 : i32
    %add3A_48 = arith.addi %mul3A_2, %add3A_47 : i32
    %dma_wait3A_49 = tpu.memref_slice %arg2[%add3A_48] : memref<4194304xi32, #tpu.memory_space<hbm>> -> memref<32768xi32, #tpu.memory_space<hbm>>
    %dma_wait3A_50 = tpu.memref_slice %arg2[%add3A_48] : memref<4194304xi32, #tpu.memory_space<hbm>> -> memref<32768xi32, #tpu.memory_space<hbm>>
    tpu.wait_dma2 semaphore(%arg11 : memref<!tpu.dma_semaphore, #tpu.memory_space<semaphore_mem>>) src(%dma_wait3A_50 : memref<32768xi32, #tpu.memory_space<hbm>>) dst(%arg6 : memref<32768xi32, #tpu.memory_space<vmem>>)
    %parallel_loop3A_51 = arith.constant 0 : i32
    %parallel_loop3A_52 = arith.constant 2048 : i32
    %parallel_loop3A_53 = arith.constant 1 : i32
    scf.for %parallel_loop3A_60 = %parallel_loop3A_51 to %parallel_loop3A_52 step %parallel_loop3A_53  : i32 {
      %parallel_loop3A_61 = arith.constant 16 : i32
      %parallel_loop3A_62 = arith.muli %parallel_loop3A_60, %parallel_loop3A_61 : i32
      %parallel_loop3A_63 = arith.index_cast %parallel_loop3A_62 : i32 to index
      %parallel_loop3A_64 = tpu.vector_load %arg6[%parallel_loop3A_63] {strides = array<i32>} : memref<32768xi32, #tpu.memory_space<vmem>>, vector<16xi32>,
      %parallel_loop3A_65 = arith.constant 10 : i32
      %parallel_loop3A_66 = vector.broadcast %parallel_loop3A_65 : i32 to vector<16xi32>
      %parallel_loop3A_67 = arith.shrsi %parallel_loop3A_64, %parallel_loop3A_66 : vector<16xi32>
      %parallel_loop3A_68 = arith.constant 2047 : i32
      %parallel_loop3A_69 = vector.broadcast %parallel_loop3A_68 : i32 to vector<16xi32>
      %parallel_loop3A_70 = arith.andi %parallel_loop3A_67, %parallel_loop3A_69 : vector<16xi32>
      %parallel_loop3A_71 = arith.addi %mul3A_13, %parallel_loop3A_70 : vector<16xi32>
      %parallel_loop3A_72 = arith.constant 21 : i32
      %parallel_loop3A_73 = vector.broadcast %parallel_loop3A_72 : i32 to vector<16xi32>
      %parallel_loop3A_74 = arith.shrsi %parallel_loop3A_64, %parallel_loop3A_73 : vector<16xi32>
      %parallel_loop3A_75 = arith.cmpi eq, %parallel_loop3A_74, %get3A_10 : vector<16xi32>
      tpu.vector_store_idx %arg8[%parallel_loop3A_71], %broadcast_in_dim3A_15 masked %parallel_loop3A_75 {add = true} : memref<32768xf32, #tpu.memory_space<vmem>>[vector<16xi32>], vector<16xf32>, vector<16xi1>
    } {sc.loop_unroll_factor = 4 : i64, sc.parallel_access}
    %scan3A_54 = arith.constant 0 : i32
    %scan3A_55 = arith.constant 0 : i32
    %scan3A_56 = arith.constant 128 : i32
    %scan3A_57 = arith.addi %scan3A_55, %scan3A_56 : i32
    %scan3A_58 = arith.constant 1 : i32
    scf.for %scan3A_60 = %scan3A_55 to %scan3A_57 step %scan3A_58  : i32 {
      %mul3A_61 = arith.constant 16 : i32
      %mul3A_62 = arith.muli %scan3A_60, %mul3A_61 : i32
      %get3A_63 = arith.index_cast %mul3A_62 : i32 to index
      %get3A_64 = tpu.vector_load %arg8[%get3A_63] {strides = array<i32>} : memref<32768xf32, #tpu.memory_space<vmem>>, vector<16xf32>,
      %mul3A_65 = arith.constant 16 : i32
      %mul3A_66 = arith.muli %scan3A_60, %mul3A_65 : i32
      %add3A_67 = arith.constant 2048 : i32
      %add3A_68 = arith.addi %add3A_67, %mul3A_66 : i32
      %get3A_69 = arith.index_cast %add3A_68 : i32 to index
      %get3A_70 = tpu.vector_load %arg8[%get3A_69] {strides = array<i32>} : memref<32768xf32, #tpu.memory_space<vmem>>, vector<16xf32>,
      %add3A_71 = arith.addf %get3A_64, %get3A_70 : vector<16xf32>
      %mul3A_72 = arith.constant 16 : i32
      %mul3A_73 = arith.muli %scan3A_60, %mul3A_72 : i32
      %add3A_74 = arith.constant 4096 : i32
      %add3A_75 = arith.addi %add3A_74, %mul3A_73 : i32
      %get3A_76 = arith.index_cast %add3A_75 : i32 to index
      %get3A_77 = tpu.vector_load %arg8[%get3A_76] {strides = array<i32>} : memref<32768xf32, #tpu.memory_space<vmem>>, vector<16xf32>,
      %add3A_78 = arith.addf %add3A_71, %get3A_77 : vector<16xf32>
      %mul3A_79 = arith.constant 16 : i32
      %mul3A_80 = arith.muli %scan3A_60, %mul3A_79 : i32
      %add3A_81 = arith.constant 6144 : i32
      %add3A_82 = arith.addi %add3A_81, %mul3A_80 : i32
      %get3A_83 = arith.index_cast %add3A_82 : i32 to index
      %get3A_84 = tpu.vector_load %arg8[%get3A_83] {strides = array<i32>} : memref<32768xf32, #tpu.memory_space<vmem>>, vector<16xf32>,
      %add3A_85 = arith.addf %add3A_78, %get3A_84 : vector<16xf32>
      %mul3A_86 = arith.constant 16 : i32
      %mul3A_87 = arith.muli %scan3A_60, %mul3A_86 : i32
      %add3A_88 = arith.constant 8192 : i32
      %add3A_89 = arith.addi %add3A_88, %mul3A_87 : i32
      %get3A_90 = arith.index_cast %add3A_89 : i32 to index
      %get3A_91 = tpu.vector_load %arg8[%get3A_90] {strides = array<i32>} : memref<32768xf32, #tpu.memory_space<vmem>>, vector<16xf32>,
      %add3A_92 = arith.addf %add3A_85, %get3A_91 : vector<16xf32>
      %mul3A_93 = arith.constant 16 : i32
      %mul3A_94 = arith.muli %scan3A_60, %mul3A_93 : i32
      %add3A_95 = arith.constant 10240 : i32
      %add3A_96 = arith.addi %add3A_95, %mul3A_94 : i32
      %get3A_97 = arith.index_cast %add3A_96 : i32 to index
      %get3A_98 = tpu.vector_load %arg8[%get3A_97] {strides = array<i32>} : memref<32768xf32, #tpu.memory_space<vmem>>, vector<16xf32>,
      %add3A_99 = arith.addf %add3A_92, %get3A_98 : vector<16xf32>
      %mul3A_100 = arith.constant 16 : i32
      %mul3A_101 = arith.muli %scan3A_60, %mul3A_100 : i32
      %add3A_102 = arith.constant 12288 : i32
      %add3A_103 = arith.addi %add3A_102, %mul3A_101 : i32
      %get3A_104 = arith.index_cast %add3A_103 : i32 to index
      %get3A_105 = tpu.vector_load %arg8[%get3A_104] {strides = array<i32>} : memref<32768xf32, #tpu.memory_space<vmem>>, vector<16xf32>,
      %add3A_106 = arith.addf %add3A_99, %get3A_105 : vector<16xf32>
      %mul3A_107 = arith.constant 16 : i32
      %mul3A_108 = arith.muli %scan3A_60, %mul3A_107 : i32
      %add3A_109 = arith.constant 14336 : i32
      %add3A_110 = arith.addi %add3A_109, %mul3A_108 : i32
      %get3A_111 = arith.index_cast %add3A_110 : i32 to index
      %get3A_112 = tpu.vector_load %arg8[%get3A_111] {strides = array<i32>} : memref<32768xf32, #tpu.memory_space<vmem>>, vector<16xf32>,
      %add3A_113 = arith.addf %add3A_106, %get3A_112 : vector<16xf32>
      %mul3A_114 = arith.constant 16 : i32
      %mul3A_115 = arith.muli %scan3A_60, %mul3A_114 : i32
      %add3A_116 = arith.constant 16384 : i32
      %add3A_117 = arith.addi %add3A_116, %mul3A_115 : i32
      %get3A_118 = arith.index_cast %add3A_117 : i32 to index
      %get3A_119 = tpu.vector_load %arg8[%get3A_118] {strides = array<i32>} : memref<32768xf32, #tpu.memory_space<vmem>>, vector<16xf32>,
      %add3A_120 = arith.addf %add3A_113, %get3A_119 : vector<16xf32>
      %mul3A_121 = arith.constant 16 : i32
      %mul3A_122 = arith.muli %scan3A_60, %mul3A_121 : i32
      %add3A_123 = arith.constant 18432 : i32
      %add3A_124 = arith.addi %add3A_123, %mul3A_122 : i32
      %get3A_125 = arith.index_cast %add3A_124 : i32 to index
      %get3A_126 = tpu.vector_load %arg8[%get3A_125] {strides = array<i32>} : memref<32768xf32, #tpu.memory_space<vmem>>, vector<16xf32>,
      %add3A_127 = arith.addf %add3A_120, %get3A_126 : vector<16xf32>
      %mul3A_128 = arith.constant 16 : i32
      %mul3A_129 = arith.muli %scan3A_60, %mul3A_128 : i32
      %add3A_130 = arith.constant 20480 : i32
      %add3A_131 = arith.addi %add3A_130, %mul3A_129 : i32
      %get3A_132 = arith.index_cast %add3A_131 : i32 to index
      %get3A_133 = tpu.vector_load %arg8[%get3A_132] {strides = array<i32>} : memref<32768xf32, #tpu.memory_space<vmem>>, vector<16xf32>,
      %add3A_134 = arith.addf %add3A_127, %get3A_133 : vector<16xf32>
      %mul3A_135 = arith.constant 16 : i32
      %mul3A_136 = arith.muli %scan3A_60, %mul3A_135 : i32
      %add3A_137 = arith.constant 22528 : i32
      %add3A_138 = arith.addi %add3A_137, %mul3A_136 : i32
      %get3A_139 = arith.index_cast %add3A_138 : i32 to index
      %get3A_140 = tpu.vector_load %arg8[%get3A_139] {strides = array<i32>} : memref<32768xf32, #tpu.memory_space<vmem>>, vector<16xf32>,
      %add3A_141 = arith.addf %add3A_134, %get3A_140 : vector<16xf32>
      %mul3A_142 = arith.constant 16 : i32
      %mul3A_143 = arith.muli %scan3A_60, %mul3A_142 : i32
      %add3A_144 = arith.constant 24576 : i32
      %add3A_145 = arith.addi %add3A_144, %mul3A_143 : i32
      %get3A_146 = arith.index_cast %add3A_145 : i32 to index
      %get3A_147 = tpu.vector_load %arg8[%get3A_146] {strides = array<i32>} : memref<32768xf32, #tpu.memory_space<vmem>>, vector<16xf32>,
      %add3A_148 = arith.addf %add3A_141, %get3A_147 : vector<16xf32>
      %mul3A_149 = arith.constant 16 : i32
      %mul3A_150 = arith.muli %scan3A_60, %mul3A_149 : i32
      %add3A_151 = arith.constant 26624 : i32
      %add3A_152 = arith.addi %add3A_151, %mul3A_150 : i32
      %get3A_153 = arith.index_cast %add3A_152 : i32 to index
      %get3A_154 = tpu.vector_load %arg8[%get3A_153] {strides = array<i32>} : memref<32768xf32, #tpu.memory_space<vmem>>, vector<16xf32>,
      %add3A_155 = arith.addf %add3A_148, %get3A_154 : vector<16xf32>
      %mul3A_156 = arith.constant 16 : i32
      %mul3A_157 = arith.muli %scan3A_60, %mul3A_156 : i32
      %add3A_158 = arith.constant 28672 : i32
      %add3A_159 = arith.addi %add3A_158, %mul3A_157 : i32
      %get3A_160 = arith.index_cast %add3A_159 : i32 to index
      %get3A_161 = tpu.vector_load %arg8[%get3A_160] {strides = array<i32>} : memref<32768xf32, #tpu.memory_space<vmem>>, vector<16xf32>,
      %add3A_162 = arith.addf %add3A_155, %get3A_161 : vector<16xf32>
      %mul3A_163 = arith.constant 16 : i32
      %mul3A_164 = arith.muli %scan3A_60, %mul3A_163 : i32
      %add3A_165 = arith.constant 30720 : i32
      %add3A_166 = arith.addi %add3A_165, %mul3A_164 : i32
      %get3A_167 = arith.index_cast %add3A_166 : i32 to index
      %get3A_168 = tpu.vector_load %arg8[%get3A_167] {strides = array<i32>} : memref<32768xf32, #tpu.memory_space<vmem>>, vector<16xf32>,
      %add3A_169 = arith.addf %add3A_162, %get3A_168 : vector<16xf32>
      %mul3A_170 = arith.constant 16 : i32
      %mul3A_171 = arith.muli %scan3A_60, %mul3A_170 : i32
      %swap3A = arith.index_cast %mul3A_171 : i32 to index
      %swap3A_172 = tpu.vector_load %arg9[%swap3A] {strides = array<i32>} : memref<2048xf32, #tpu.memory_space<vmem>>, vector<16xf32>,
      tpu.vector_store %arg9[%swap3A], %add3A_169 {strides = array<i32>} : memref<2048xf32, #tpu.memory_space<vmem>>, vector<16xf32>,
    }
    %scan3A_59 = arith.constant 128 : i32
    "tpu.region"() ({
      %run_scoped3A = tpu.sem_alloc : memref<!tpu.dma_semaphore, #tpu.memory_space<semaphore_mem>>
      %dma_start3A_60 = arith.constant 0 : i32
      %dma_start3A_61 = tpu.memref_slice %arg4[%add3A, %dma_start3A_60] : memref<32x2048xf32, #tpu.memory_space<hbm>> -> memref<1x2048xf32, #tpu.memory_space<hbm>>
      %dma_start3A_62 = tpu.memref_squeeze %dma_start3A_61 : memref<1x2048xf32, #tpu.memory_space<hbm>> -> memref<2048xf32, #tpu.memory_space<hbm>>
      %dma_start3A_63 = arith.constant 0 : i32
      %dma_start3A_64 = tpu.memref_slice %arg4[%add3A, %dma_start3A_63] : memref<32x2048xf32, #tpu.memory_space<hbm>> -> memref<1x2048xf32, #tpu.memory_space<hbm>>
      %dma_start3A_65 = tpu.memref_squeeze %dma_start3A_64 : memref<1x2048xf32, #tpu.memory_space<hbm>> -> memref<2048xf32, #tpu.memory_space<hbm>>
      tpu.enqueue_dma source(%arg9 : memref<2048xf32, #tpu.memory_space<vmem>>) target(%dma_start3A_65 : memref<2048xf32, #tpu.memory_space<hbm>>) target_semaphore(%run_scoped3A : memref<!tpu.dma_semaphore, #tpu.memory_space<semaphore_mem>>)
      %dma_wait3A_66 = arith.constant 0 : i32
      %dma_wait3A_67 = tpu.memref_slice %arg4[%add3A, %dma_wait3A_66] : memref<32x2048xf32, #tpu.memory_space<hbm>> -> memref<1x2048xf32, #tpu.memory_space<hbm>>
      %dma_wait3A_68 = tpu.memref_squeeze %dma_wait3A_67 : memref<1x2048xf32, #tpu.memory_space<hbm>> -> memref<2048xf32, #tpu.memory_space<hbm>>
      %dma_wait3A_69 = arith.constant 0 : i32
      %dma_wait3A_70 = tpu.memref_slice %arg4[%add3A, %dma_wait3A_69] : memref<32x2048xf32, #tpu.memory_space<hbm>> -> memref<1x2048xf32, #tpu.memory_space<hbm>>
      %dma_wait3A_71 = tpu.memref_squeeze %dma_wait3A_70 : memref<1x2048xf32, #tpu.memory_space<hbm>> -> memref<2048xf32, #tpu.memory_space<hbm>>
      tpu.wait_dma2 semaphore(%run_scoped3A : memref<!tpu.dma_semaphore, #tpu.memory_space<semaphore_mem>>) src(%arg9 : memref<2048xf32, #tpu.memory_space<vmem>>) dst(%dma_wait3A_71 : memref<2048xf32, #tpu.memory_space<hbm>>)
      tpu.yield
    }) : () -> ()
    return
  }
}

#map = affine_map<(d0, d1) -> (0)>
#map1 = affine_map<(d0, d1) -> (0, 0)>
module attributes {stable_mosaic.version = 14 : i64} {
  func.func @_final_kernel(%arg0: i32, %arg1: i32, %arg2: memref<4194304xf32, #tpu.memory_space<hbm>>, %arg3: memref<64xf32, #tpu.memory_space<hbm>>, %arg4: memref<32x1024xf32, #tpu.memory_space<hbm>>, %arg5: memref<32x16xf32, #tpu.memory_space<hbm>>, %arg6: memref<32768xf32, #tpu.memory_space<vmem>>, %arg7: memref<32768xf32, #tpu.memory_space<vmem>>, %arg8: memref<64xf32, #tpu.memory_space<vmem>>, %arg9: memref<16384xf32, #tpu.memory_space<vmem>>, %arg10: memref<1024xf32, #tpu.memory_space<vmem>>, %arg11: memref<16xf32, #tpu.memory_space<vmem>>, %arg12: memref<!tpu.dma_semaphore, #tpu.memory_space<semaphore_mem>>, %arg13: memref<!tpu.dma_semaphore, #tpu.memory_space<semaphore_mem>>) attributes {dimension_semantics = [#tpu.dimension_semantics<core_parallel>, #tpu.dimension_semantics<subcore_parallel>], iteration_bounds = array<i64: 2, 16>, scalar_prefetch = 0 : i64, scratch_operands = 8 : i64, tpu.core_type = #tpu.core_type<sc_vector_subcore>, window_params = [{transform_indices = #map}, {transform_indices = #map}, {transform_indices = #map1}, {transform_indices = #map1}]} {
    %mul3A = arith.constant 2 : i32
    %mul3A_0 = arith.muli %arg1, %mul3A : i32
    %add3A = arith.addi %mul3A_0, %arg0 : i32
    %mul3A_1 = arith.constant 131072 : i32
    %mul3A_2 = arith.muli %add3A, %mul3A_1 : i32
    %dma_start3A = tpu.memref_slice %arg2[%mul3A_2] : memref<4194304xf32, #tpu.memory_space<hbm>> -> memref<32768xf32, #tpu.memory_space<hbm>>
    %dma_start3A_3 = tpu.memref_slice %arg2[%mul3A_2] : memref<4194304xf32, #tpu.memory_space<hbm>> -> memref<32768xf32, #tpu.memory_space<hbm>>
    tpu.enqueue_dma source(%dma_start3A_3 : memref<32768xf32, #tpu.memory_space<hbm>>) target(%arg6 : memref<32768xf32, #tpu.memory_space<vmem>>) target_semaphore(%arg12 : memref<!tpu.dma_semaphore, #tpu.memory_space<semaphore_mem>>)
    "tpu.region"() ({
      %run_scoped3A = tpu.sem_alloc : memref<!tpu.dma_semaphore, #tpu.memory_space<semaphore_mem>>
      tpu.enqueue_dma source(%arg3 : memref<64xf32, #tpu.memory_space<hbm>>) target(%arg8 : memref<64xf32, #tpu.memory_space<vmem>>) target_semaphore(%run_scoped3A : memref<!tpu.dma_semaphore, #tpu.memory_space<semaphore_mem>>)
      tpu.wait_dma2 semaphore(%run_scoped3A : memref<!tpu.dma_semaphore, #tpu.memory_space<semaphore_mem>>) src(%arg3 : memref<64xf32, #tpu.memory_space<hbm>>) dst(%arg8 : memref<64xf32, #tpu.memory_space<vmem>>)
      tpu.yield
    }) : () -> ()
    %get3A = arith.constant 0 : index
    %get3A_4 = tpu.vector_load %arg8[%get3A] {strides = array<i32>} : memref<64xf32, #tpu.memory_space<vmem>>, vector<16xf32>,
    %get3A_5 = arith.constant 16 : index
    %get3A_6 = tpu.vector_load %arg8[%get3A_5] {strides = array<i32>} : memref<64xf32, #tpu.memory_space<vmem>>, vector<16xf32>,
    %get3A_7 = arith.constant 32 : index
    %get3A_8 = tpu.vector_load %arg8[%get3A_7] {strides = array<i32>} : memref<64xf32, #tpu.memory_space<vmem>>, vector<16xf32>,
    %get3A_9 = arith.constant 48 : index
    %get3A_10 = tpu.vector_load %arg8[%get3A_9] {strides = array<i32>} : memref<64xf32, #tpu.memory_space<vmem>>, vector<16xf32>,
    %broadcast_in_dim3A = arith.constant 0.000000e+00 : f32
    %broadcast_in_dim3A_11 = vector.broadcast %broadcast_in_dim3A : f32 to vector<16xf32>
    %broadcast_in_dim3A_12 = arith.constant 1.000000e+00 : f32
    %broadcast_in_dim3A_13 = vector.broadcast %broadcast_in_dim3A_12 : f32 to vector<16xf32>
    %iota3A = tpu.iota {dimensions = array<i32: 0>} : vector<16xi32>
    %mul3A_14 = arith.constant 1024 : i32
    %mul3A_15 = vector.broadcast %mul3A_14 : i32 to vector<16xi32>
    %mul3A_16 = arith.muli %iota3A, %mul3A_15 : vector<16xi32>
    %broadcast_in_dim3A_17 = arith.constant 1023 : i32
    %broadcast_in_dim3A_18 = vector.broadcast %broadcast_in_dim3A_17 : i32 to vector<16xi32>
    %broadcast_in_dim3A_19 = arith.constant 0 : i32
    %broadcast_in_dim3A_20 = vector.broadcast %broadcast_in_dim3A_19 : i32 to vector<16xi32>
    %scan3A = arith.constant 0 : i32
    %scan3A_21 = arith.constant 0 : i32
    %scan3A_22 = arith.constant 128 : i32
    %scan3A_23 = arith.addi %scan3A_21, %scan3A_22 : i32
    %scan3A_24 = arith.constant 1 : i32
    scf.for %scan3A_98 = %scan3A_21 to %scan3A_23 step %scan3A_24  : i32 {
      %mul3A_99 = arith.constant 128 : i32
      %mul3A_100 = arith.muli %scan3A_98, %mul3A_99 : i32
      %add3A_101 = arith.constant 0 : i32
      %add3A_102 = arith.addi %mul3A_100, %add3A_101 : i32
      %swap3A_103 = arith.index_cast %add3A_102 : i32 to index
      %swap3A_104 = tpu.vector_load %arg9[%swap3A_103] {strides = array<i32>} : memref<16384xf32, #tpu.memory_space<vmem>>, vector<16xf32>,
      tpu.vector_store %arg9[%swap3A_103], %broadcast_in_dim3A_11 {strides = array<i32>} : memref<16384xf32, #tpu.memory_space<vmem>>, vector<16xf32>,
      %mul3A_105 = arith.constant 128 : i32
      %mul3A_106 = arith.muli %scan3A_98, %mul3A_105 : i32
      %add3A_107 = arith.constant 16 : i32
      %add3A_108 = arith.addi %mul3A_106, %add3A_107 : i32
      %swap3A_109 = arith.index_cast %add3A_108 : i32 to index
      %swap3A_110 = tpu.vector_load %arg9[%swap3A_109] {strides = array<i32>} : memref<16384xf32, #tpu.memory_space<vmem>>, vector<16xf32>,
      tpu.vector_store %arg9[%swap3A_109], %broadcast_in_dim3A_11 {strides = array<i32>} : memref<16384xf32, #tpu.memory_space<vmem>>, vector<16xf32>,
      %mul3A_111 = arith.constant 128 : i32
      %mul3A_112 = arith.muli %scan3A_98, %mul3A_111 : i32
      %add3A_113 = arith.constant 32 : i32
      %add3A_114 = arith.addi %mul3A_112, %add3A_113 : i32
      %swap3A_115 = arith.index_cast %add3A_114 : i32 to index
      %swap3A_116 = tpu.vector_load %arg9[%swap3A_115] {strides = array<i32>} : memref<16384xf32, #tpu.memory_space<vmem>>, vector<16xf32>,
      tpu.vector_store %arg9[%swap3A_115], %broadcast_in_dim3A_11 {strides = array<i32>} : memref<16384xf32, #tpu.memory_space<vmem>>, vector<16xf32>,
      %mul3A_117 = arith.constant 128 : i32
      %mul3A_118 = arith.muli %scan3A_98, %mul3A_117 : i32
      %add3A_119 = arith.constant 48 : i32
      %add3A_120 = arith.addi %mul3A_118, %add3A_119 : i32
      %swap3A_121 = arith.index_cast %add3A_120 : i32 to index
      %swap3A_122 = tpu.vector_load %arg9[%swap3A_121] {strides = array<i32>} : memref<16384xf32, #tpu.memory_space<vmem>>, vector<16xf32>,
      tpu.vector_store %arg9[%swap3A_121], %broadcast_in_dim3A_11 {strides = array<i32>} : memref<16384xf32, #tpu.memory_space<vmem>>, vector<16xf32>,
      %mul3A_123 = arith.constant 128 : i32
      %mul3A_124 = arith.muli %scan3A_98, %mul3A_123 : i32
      %add3A_125 = arith.constant 64 : i32
      %add3A_126 = arith.addi %mul3A_124, %add3A_125 : i32
      %swap3A_127 = arith.index_cast %add3A_126 : i32 to index
      %swap3A_128 = tpu.vector_load %arg9[%swap3A_127] {strides = array<i32>} : memref<16384xf32, #tpu.memory_space<vmem>>, vector<16xf32>,
      tpu.vector_store %arg9[%swap3A_127], %broadcast_in_dim3A_11 {strides = array<i32>} : memref<16384xf32, #tpu.memory_space<vmem>>, vector<16xf32>,
      %mul3A_129 = arith.constant 128 : i32
      %mul3A_130 = arith.muli %scan3A_98, %mul3A_129 : i32
      %add3A_131 = arith.constant 80 : i32
      %add3A_132 = arith.addi %mul3A_130, %add3A_131 : i32
      %swap3A_133 = arith.index_cast %add3A_132 : i32 to index
      %swap3A_134 = tpu.vector_load %arg9[%swap3A_133] {strides = array<i32>} : memref<16384xf32, #tpu.memory_space<vmem>>, vector<16xf32>,
      tpu.vector_store %arg9[%swap3A_133], %broadcast_in_dim3A_11 {strides = array<i32>} : memref<16384xf32, #tpu.memory_space<vmem>>, vector<16xf32>,
      %mul3A_135 = arith.constant 128 : i32
      %mul3A_136 = arith.muli %scan3A_98, %mul3A_135 : i32
      %add3A_137 = arith.constant 96 : i32
      %add3A_138 = arith.addi %mul3A_136, %add3A_137 : i32
      %swap3A_139 = arith.index_cast %add3A_138 : i32 to index
      %swap3A_140 = tpu.vector_load %arg9[%swap3A_139] {strides = array<i32>} : memref<16384xf32, #tpu.memory_space<vmem>>, vector<16xf32>,
      tpu.vector_store %arg9[%swap3A_139], %broadcast_in_dim3A_11 {strides = array<i32>} : memref<16384xf32, #tpu.memory_space<vmem>>, vector<16xf32>,
      %mul3A_141 = arith.constant 128 : i32
      %mul3A_142 = arith.muli %scan3A_98, %mul3A_141 : i32
      %add3A_143 = arith.constant 112 : i32
      %add3A_144 = arith.addi %mul3A_142, %add3A_143 : i32
      %swap3A_145 = arith.index_cast %add3A_144 : i32 to index
      %swap3A_146 = tpu.vector_load %arg9[%swap3A_145] {strides = array<i32>} : memref<16384xf32, #tpu.memory_space<vmem>>, vector<16xf32>,
      tpu.vector_store %arg9[%swap3A_145], %broadcast_in_dim3A_11 {strides = array<i32>} : memref<16384xf32, #tpu.memory_space<vmem>>, vector<16xf32>,
    }
    %scan3A_25 = arith.constant 128 : i32
    %add3A_26 = arith.constant 0 : i32
    %add3A_27 = arith.addi %mul3A_2, %add3A_26 : i32
    %dma_wait3A = tpu.memref_slice %arg2[%add3A_27] : memref<4194304xf32, #tpu.memory_space<hbm>> -> memref<32768xf32, #tpu.memory_space<hbm>>
    %dma_wait3A_28 = tpu.memref_slice %arg2[%add3A_27] : memref<4194304xf32, #tpu.memory_space<hbm>> -> memref<32768xf32, #tpu.memory_space<hbm>>
    tpu.wait_dma2 semaphore(%arg12 : memref<!tpu.dma_semaphore, #tpu.memory_space<semaphore_mem>>) src(%dma_wait3A_28 : memref<32768xf32, #tpu.memory_space<hbm>>) dst(%arg6 : memref<32768xf32, #tpu.memory_space<vmem>>)
    %add3A_29 = arith.constant 32768 : i32
    %add3A_30 = arith.addi %mul3A_2, %add3A_29 : i32
    %dma_start3A_31 = tpu.memref_slice %arg2[%add3A_30] : memref<4194304xf32, #tpu.memory_space<hbm>> -> memref<32768xf32, #tpu.memory_space<hbm>>
    %dma_start3A_32 = tpu.memref_slice %arg2[%add3A_30] : memref<4194304xf32, #tpu.memory_space<hbm>> -> memref<32768xf32, #tpu.memory_space<hbm>>
    tpu.enqueue_dma source(%dma_start3A_32 : memref<32768xf32, #tpu.memory_space<hbm>>) target(%arg7 : memref<32768xf32, #tpu.memory_space<vmem>>) target_semaphore(%arg13 : memref<!tpu.dma_semaphore, #tpu.memory_space<semaphore_mem>>)
    %parallel_loop3A = arith.constant 0 : i32
    %parallel_loop3A_33 = arith.constant 2048 : i32
    %parallel_loop3A_34 = arith.constant 1 : i32
    scf.for %parallel_loop3A_98 = %parallel_loop3A to %parallel_loop3A_33 step %parallel_loop3A_34  : i32 {
      %parallel_loop3A_99 = arith.constant 16 : i32
      %parallel_loop3A_100 = arith.muli %parallel_loop3A_98, %parallel_loop3A_99 : i32
      %parallel_loop3A_101 = arith.index_cast %parallel_loop3A_100 : i32 to index
      %parallel_loop3A_102 = tpu.vector_load %arg6[%parallel_loop3A_101] {strides = array<i32>} : memref<32768xf32, #tpu.memory_space<vmem>>, vector<16xf32>,
      %parallel_loop3A_103 = arith.cmpf oge, %parallel_loop3A_102, %get3A_4 : vector<16xf32>
      %parallel_loop3A_104 = arith.cmpf olt, %parallel_loop3A_102, %get3A_6 : vector<16xf32>
      %parallel_loop3A_105 = arith.andi %parallel_loop3A_103, %parallel_loop3A_104 : vector<16xi1>
      %parallel_loop3A_106 = arith.subf %parallel_loop3A_102, %get3A_4 : vector<16xf32>
      %parallel_loop3A_107 = arith.mulf %parallel_loop3A_106, %get3A_8 : vector<16xf32>
      %parallel_loop3A_108 = arith.mulf %parallel_loop3A_107, %get3A_10 : vector<16xf32>
      %parallel_loop3A_109 = arith.fptosi %parallel_loop3A_108 : vector<16xf32> to vector<16xi32>
      %parallel_loop3A_110 = arith.maxsi %parallel_loop3A_109, %broadcast_in_dim3A_20 : vector<16xi32>
      %parallel_loop3A_111 = arith.minsi %parallel_loop3A_110, %broadcast_in_dim3A_18 : vector<16xi32>
      %parallel_loop3A_112 = arith.addi %mul3A_16, %parallel_loop3A_111 : vector<16xi32>
      tpu.vector_store_idx %arg9[%parallel_loop3A_112], %broadcast_in_dim3A_13 masked %parallel_loop3A_105 {add = true} : memref<16384xf32, #tpu.memory_space<vmem>>[vector<16xi32>], vector<16xf32>, vector<16xi1>
    } {sc.loop_unroll_factor = 4 : i64, sc.parallel_access}
    %scan3A_35 = arith.constant 0 : i32
    %scan3A_36 = arith.constant 512 : i32
    %scan3A_37 = arith.addi %scan3A_35, %scan3A_36 : i32
    %scan3A_38 = arith.constant 1 : i32
    %scan3A_39:4 = scf.for %scan3A_98 = %scan3A_35 to %scan3A_37 step %scan3A_38 iter_args(%scan3A_99 = %broadcast_in_dim3A_11, %scan3A_100 = %broadcast_in_dim3A_11, %scan3A_101 = %broadcast_in_dim3A_11, %scan3A_102 = %broadcast_in_dim3A_11) -> (vector<16xf32>, vector<16xf32>, vector<16xf32>, vector<16xf32>)  : i32 {
      %mul3A_103 = arith.constant 64 : i32
      %mul3A_104 = arith.muli %scan3A_98, %mul3A_103 : i32
      %add3A_105 = arith.constant 0 : i32
      %add3A_106 = arith.addi %mul3A_104, %add3A_105 : i32
      %get3A_107 = arith.index_cast %add3A_106 : i32 to index
      %get3A_108 = tpu.vector_load %arg6[%get3A_107] {strides = array<i32>} : memref<32768xf32, #tpu.memory_space<vmem>>, vector<16xf32>,
      %ge3A = arith.cmpf oge, %get3A_108, %get3A_6 : vector<16xf32>
      %select_n3A = arith.select %ge3A, %get3A_108, %broadcast_in_dim3A_11 : vector<16xi1>, vector<16xf32>
      %add3A_109 = arith.addf %scan3A_99, %select_n3A : vector<16xf32>
      %mul3A_110 = arith.constant 64 : i32
      %mul3A_111 = arith.muli %scan3A_98, %mul3A_110 : i32
      %add3A_112 = arith.constant 16 : i32
      %add3A_113 = arith.addi %mul3A_111, %add3A_112 : i32
      %get3A_114 = arith.index_cast %add3A_113 : i32 to index
      %get3A_115 = tpu.vector_load %arg6[%get3A_114] {strides = array<i32>} : memref<32768xf32, #tpu.memory_space<vmem>>, vector<16xf32>,
      %ge3A_116 = arith.cmpf oge, %get3A_115, %get3A_6 : vector<16xf32>
      %select_n3A_117 = arith.select %ge3A_116, %get3A_115, %broadcast_in_dim3A_11 : vector<16xi1>, vector<16xf32>
      %add3A_118 = arith.addf %scan3A_100, %select_n3A_117 : vector<16xf32>
      %mul3A_119 = arith.constant 64 : i32
      %mul3A_120 = arith.muli %scan3A_98, %mul3A_119 : i32
      %add3A_121 = arith.constant 32 : i32
      %add3A_122 = arith.addi %mul3A_120, %add3A_121 : i32
      %get3A_123 = arith.index_cast %add3A_122 : i32 to index
      %get3A_124 = tpu.vector_load %arg6[%get3A_123] {strides = array<i32>} : memref<32768xf32, #tpu.memory_space<vmem>>, vector<16xf32>,
      %ge3A_125 = arith.cmpf oge, %get3A_124, %get3A_6 : vector<16xf32>
      %select_n3A_126 = arith.select %ge3A_125, %get3A_124, %broadcast_in_dim3A_11 : vector<16xi1>, vector<16xf32>
      %add3A_127 = arith.addf %scan3A_101, %select_n3A_126 : vector<16xf32>
      %mul3A_128 = arith.constant 64 : i32
      %mul3A_129 = arith.muli %scan3A_98, %mul3A_128 : i32
      %add3A_130 = arith.constant 48 : i32
      %add3A_131 = arith.addi %mul3A_129, %add3A_130 : i32
      %get3A_132 = arith.index_cast %add3A_131 : i32 to index
      %get3A_133 = tpu.vector_load %arg6[%get3A_132] {strides = array<i32>} : memref<32768xf32, #tpu.memory_space<vmem>>, vector<16xf32>,
      %ge3A_134 = arith.cmpf oge, %get3A_133, %get3A_6 : vector<16xf32>
      %select_n3A_135 = arith.select %ge3A_134, %get3A_133, %broadcast_in_dim3A_11 : vector<16xi1>, vector<16xf32>
      %add3A_136 = arith.addf %scan3A_102, %select_n3A_135 : vector<16xf32>
      scf.yield %add3A_109, %add3A_118, %add3A_127, %add3A_136 : vector<16xf32>, vector<16xf32>, vector<16xf32>, vector<16xf32>
    }
    %scan3A_40 = arith.constant 512 : i32
    %add3A_41 = arith.constant 32768 : i32
    %add3A_42 = arith.addi %mul3A_2, %add3A_41 : i32
    %dma_wait3A_43 = tpu.memref_slice %arg2[%add3A_42] : memref<4194304xf32, #tpu.memory_space<hbm>> -> memref<32768xf32, #tpu.memory_space<hbm>>
    %dma_wait3A_44 = tpu.memref_slice %arg2[%add3A_42] : memref<4194304xf32, #tpu.memory_space<hbm>> -> memref<32768xf32, #tpu.memory_space<hbm>>
    tpu.wait_dma2 semaphore(%arg13 : memref<!tpu.dma_semaphore, #tpu.memory_space<semaphore_mem>>) src(%dma_wait3A_44 : memref<32768xf32, #tpu.memory_space<hbm>>) dst(%arg7 : memref<32768xf32, #tpu.memory_space<vmem>>)
    %add3A_45 = arith.constant 65536 : i32
    %add3A_46 = arith.addi %mul3A_2, %add3A_45 : i32
    %dma_start3A_47 = tpu.memref_slice %arg2[%add3A_46] : memref<4194304xf32, #tpu.memory_space<hbm>> -> memref<32768xf32, #tpu.memory_space<hbm>>
    %dma_start3A_48 = tpu.memref_slice %arg2[%add3A_46] : memref<4194304xf32, #tpu.memory_space<hbm>> -> memref<32768xf32, #tpu.memory_space<hbm>>
    tpu.enqueue_dma source(%dma_start3A_48 : memref<32768xf32, #tpu.memory_space<hbm>>) target(%arg6 : memref<32768xf32, #tpu.memory_space<vmem>>) target_semaphore(%arg12 : memref<!tpu.dma_semaphore, #tpu.memory_space<semaphore_mem>>)
    %parallel_loop3A_49 = arith.constant 0 : i32
    %parallel_loop3A_50 = arith.constant 2048 : i32
    %parallel_loop3A_51 = arith.constant 1 : i32
    scf.for %parallel_loop3A_98 = %parallel_loop3A_49 to %parallel_loop3A_50 step %parallel_loop3A_51  : i32 {
      %parallel_loop3A_99 = arith.constant 16 : i32
      %parallel_loop3A_100 = arith.muli %parallel_loop3A_98, %parallel_loop3A_99 : i32
      %parallel_loop3A_101 = arith.index_cast %parallel_loop3A_100 : i32 to index
      %parallel_loop3A_102 = tpu.vector_load %arg7[%parallel_loop3A_101] {strides = array<i32>} : memref<32768xf32, #tpu.memory_space<vmem>>, vector<16xf32>,
      %parallel_loop3A_103 = arith.cmpf oge, %parallel_loop3A_102, %get3A_4 : vector<16xf32>
      %parallel_loop3A_104 = arith.cmpf olt, %parallel_loop3A_102, %get3A_6 : vector<16xf32>
      %parallel_loop3A_105 = arith.andi %parallel_loop3A_103, %parallel_loop3A_104 : vector<16xi1>
      %parallel_loop3A_106 = arith.subf %parallel_loop3A_102, %get3A_4 : vector<16xf32>
      %parallel_loop3A_107 = arith.mulf %parallel_loop3A_106, %get3A_8 : vector<16xf32>
      %parallel_loop3A_108 = arith.mulf %parallel_loop3A_107, %get3A_10 : vector<16xf32>
      %parallel_loop3A_109 = arith.fptosi %parallel_loop3A_108 : vector<16xf32> to vector<16xi32>
      %parallel_loop3A_110 = arith.maxsi %parallel_loop3A_109, %broadcast_in_dim3A_20 : vector<16xi32>
      %parallel_loop3A_111 = arith.minsi %parallel_loop3A_110, %broadcast_in_dim3A_18 : vector<16xi32>
      %parallel_loop3A_112 = arith.addi %mul3A_16, %parallel_loop3A_111 : vector<16xi32>
      tpu.vector_store_idx %arg9[%parallel_loop3A_112], %broadcast_in_dim3A_13 masked %parallel_loop3A_105 {add = true} : memref<16384xf32, #tpu.memory_space<vmem>>[vector<16xi32>], vector<16xf32>, vector<16xi1>
    } {sc.loop_unroll_factor = 4 : i64, sc.parallel_access}
    %scan3A_52 = arith.constant 0 : i32
    %scan3A_53 = arith.constant 512 : i32
    %scan3A_54 = arith.addi %scan3A_52, %scan3A_53 : i32
    %scan3A_55 = arith.constant 1 : i32
    %scan3A_56:4 = scf.for %scan3A_98 = %scan3A_52 to %scan3A_54 step %scan3A_55 iter_args(%scan3A_99 = %scan3A_39#0, %scan3A_100 = %scan3A_39#1, %scan3A_101 = %scan3A_39#2, %scan3A_102 = %scan3A_39#3) -> (vector<16xf32>, vector<16xf32>, vector<16xf32>, vector<16xf32>)  : i32 {
      %mul3A_103 = arith.constant 64 : i32
      %mul3A_104 = arith.muli %scan3A_98, %mul3A_103 : i32
      %add3A_105 = arith.constant 0 : i32
      %add3A_106 = arith.addi %mul3A_104, %add3A_105 : i32
      %get3A_107 = arith.index_cast %add3A_106 : i32 to index
      %get3A_108 = tpu.vector_load %arg7[%get3A_107] {strides = array<i32>} : memref<32768xf32, #tpu.memory_space<vmem>>, vector<16xf32>,
      %ge3A = arith.cmpf oge, %get3A_108, %get3A_6 : vector<16xf32>
      %select_n3A = arith.select %ge3A, %get3A_108, %broadcast_in_dim3A_11 : vector<16xi1>, vector<16xf32>
      %add3A_109 = arith.addf %scan3A_99, %select_n3A : vector<16xf32>
      %mul3A_110 = arith.constant 64 : i32
      %mul3A_111 = arith.muli %scan3A_98, %mul3A_110 : i32
      %add3A_112 = arith.constant 16 : i32
      %add3A_113 = arith.addi %mul3A_111, %add3A_112 : i32
      %get3A_114 = arith.index_cast %add3A_113 : i32 to index
      %get3A_115 = tpu.vector_load %arg7[%get3A_114] {strides = array<i32>} : memref<32768xf32, #tpu.memory_space<vmem>>, vector<16xf32>,
      %ge3A_116 = arith.cmpf oge, %get3A_115, %get3A_6 : vector<16xf32>
      %select_n3A_117 = arith.select %ge3A_116, %get3A_115, %broadcast_in_dim3A_11 : vector<16xi1>, vector<16xf32>
      %add3A_118 = arith.addf %scan3A_100, %select_n3A_117 : vector<16xf32>
      %mul3A_119 = arith.constant 64 : i32
      %mul3A_120 = arith.muli %scan3A_98, %mul3A_119 : i32
      %add3A_121 = arith.constant 32 : i32
      %add3A_122 = arith.addi %mul3A_120, %add3A_121 : i32
      %get3A_123 = arith.index_cast %add3A_122 : i32 to index
      %get3A_124 = tpu.vector_load %arg7[%get3A_123] {strides = array<i32>} : memref<32768xf32, #tpu.memory_space<vmem>>, vector<16xf32>,
      %ge3A_125 = arith.cmpf oge, %get3A_124, %get3A_6 : vector<16xf32>
      %select_n3A_126 = arith.select %ge3A_125, %get3A_124, %broadcast_in_dim3A_11 : vector<16xi1>, vector<16xf32>
      %add3A_127 = arith.addf %scan3A_101, %select_n3A_126 : vector<16xf32>
      %mul3A_128 = arith.constant 64 : i32
      %mul3A_129 = arith.muli %scan3A_98, %mul3A_128 : i32
      %add3A_130 = arith.constant 48 : i32
      %add3A_131 = arith.addi %mul3A_129, %add3A_130 : i32
      %get3A_132 = arith.index_cast %add3A_131 : i32 to index
      %get3A_133 = tpu.vector_load %arg7[%get3A_132] {strides = array<i32>} : memref<32768xf32, #tpu.memory_space<vmem>>, vector<16xf32>,
      %ge3A_134 = arith.cmpf oge, %get3A_133, %get3A_6 : vector<16xf32>
      %select_n3A_135 = arith.select %ge3A_134, %get3A_133, %broadcast_in_dim3A_11 : vector<16xi1>, vector<16xf32>
      %add3A_136 = arith.addf %scan3A_102, %select_n3A_135 : vector<16xf32>
      scf.yield %add3A_109, %add3A_118, %add3A_127, %add3A_136 : vector<16xf32>, vector<16xf32>, vector<16xf32>, vector<16xf32>
    }
    %scan3A_57 = arith.constant 512 : i32
    %add3A_58 = arith.constant 65536 : i32
    %add3A_59 = arith.addi %mul3A_2, %add3A_58 : i32
    %dma_wait3A_60 = tpu.memref_slice %arg2[%add3A_59] : memref<4194304xf32, #tpu.memory_space<hbm>> -> memref<32768xf32, #tpu.memory_space<hbm>>
    %dma_wait3A_61 = tpu.memref_slice %arg2[%add3A_59] : memref<4194304xf32, #tpu.memory_space<hbm>> -> memref<32768xf32, #tpu.memory_space<hbm>>
    tpu.wait_dma2 semaphore(%arg12 : memref<!tpu.dma_semaphore, #tpu.memory_space<semaphore_mem>>) src(%dma_wait3A_61 : memref<32768xf32, #tpu.memory_space<hbm>>) dst(%arg6 : memref<32768xf32, #tpu.memory_space<vmem>>)
    %add3A_62 = arith.constant 98304 : i32
    %add3A_63 = arith.addi %mul3A_2, %add3A_62 : i32
    %dma_start3A_64 = tpu.memref_slice %arg2[%add3A_63] : memref<4194304xf32, #tpu.memory_space<hbm>> -> memref<32768xf32, #tpu.memory_space<hbm>>
    %dma_start3A_65 = tpu.memref_slice %arg2[%add3A_63] : memref<4194304xf32, #tpu.memory_space<hbm>> -> memref<32768xf32, #tpu.memory_space<hbm>>
    tpu.enqueue_dma source(%dma_start3A_65 : memref<32768xf32, #tpu.memory_space<hbm>>) target(%arg7 : memref<32768xf32, #tpu.memory_space<vmem>>) target_semaphore(%arg13 : memref<!tpu.dma_semaphore, #tpu.memory_space<semaphore_mem>>)
    %parallel_loop3A_66 = arith.constant 0 : i32
    %parallel_loop3A_67 = arith.constant 2048 : i32
    %parallel_loop3A_68 = arith.constant 1 : i32
    scf.for %parallel_loop3A_98 = %parallel_loop3A_66 to %parallel_loop3A_67 step %parallel_loop3A_68  : i32 {
      %parallel_loop3A_99 = arith.constant 16 : i32
      %parallel_loop3A_100 = arith.muli %parallel_loop3A_98, %parallel_loop3A_99 : i32
      %parallel_loop3A_101 = arith.index_cast %parallel_loop3A_100 : i32 to index
      %parallel_loop3A_102 = tpu.vector_load %arg6[%parallel_loop3A_101] {strides = array<i32>} : memref<32768xf32, #tpu.memory_space<vmem>>, vector<16xf32>,
      %parallel_loop3A_103 = arith.cmpf oge, %parallel_loop3A_102, %get3A_4 : vector<16xf32>
      %parallel_loop3A_104 = arith.cmpf olt, %parallel_loop3A_102, %get3A_6 : vector<16xf32>
      %parallel_loop3A_105 = arith.andi %parallel_loop3A_103, %parallel_loop3A_104 : vector<16xi1>
      %parallel_loop3A_106 = arith.subf %parallel_loop3A_102, %get3A_4 : vector<16xf32>
      %parallel_loop3A_107 = arith.mulf %parallel_loop3A_106, %get3A_8 : vector<16xf32>
      %parallel_loop3A_108 = arith.mulf %parallel_loop3A_107, %get3A_10 : vector<16xf32>
      %parallel_loop3A_109 = arith.fptosi %parallel_loop3A_108 : vector<16xf32> to vector<16xi32>
      %parallel_loop3A_110 = arith.maxsi %parallel_loop3A_109, %broadcast_in_dim3A_20 : vector<16xi32>
      %parallel_loop3A_111 = arith.minsi %parallel_loop3A_110, %broadcast_in_dim3A_18 : vector<16xi32>
      %parallel_loop3A_112 = arith.addi %mul3A_16, %parallel_loop3A_111 : vector<16xi32>
      tpu.vector_store_idx %arg9[%parallel_loop3A_112], %broadcast_in_dim3A_13 masked %parallel_loop3A_105 {add = true} : memref<16384xf32, #tpu.memory_space<vmem>>[vector<16xi32>], vector<16xf32>, vector<16xi1>
    } {sc.loop_unroll_factor = 4 : i64, sc.parallel_access}
    %scan3A_69 = arith.constant 0 : i32
    %scan3A_70 = arith.constant 512 : i32
    %scan3A_71 = arith.addi %scan3A_69, %scan3A_70 : i32
    %scan3A_72 = arith.constant 1 : i32
    %scan3A_73:4 = scf.for %scan3A_98 = %scan3A_69 to %scan3A_71 step %scan3A_72 iter_args(%scan3A_99 = %scan3A_56#0, %scan3A_100 = %scan3A_56#1, %scan3A_101 = %scan3A_56#2, %scan3A_102 = %scan3A_56#3) -> (vector<16xf32>, vector<16xf32>, vector<16xf32>, vector<16xf32>)  : i32 {
      %mul3A_103 = arith.constant 64 : i32
      %mul3A_104 = arith.muli %scan3A_98, %mul3A_103 : i32
      %add3A_105 = arith.constant 0 : i32
      %add3A_106 = arith.addi %mul3A_104, %add3A_105 : i32
      %get3A_107 = arith.index_cast %add3A_106 : i32 to index
      %get3A_108 = tpu.vector_load %arg6[%get3A_107] {strides = array<i32>} : memref<32768xf32, #tpu.memory_space<vmem>>, vector<16xf32>,
      %ge3A = arith.cmpf oge, %get3A_108, %get3A_6 : vector<16xf32>
      %select_n3A = arith.select %ge3A, %get3A_108, %broadcast_in_dim3A_11 : vector<16xi1>, vector<16xf32>
      %add3A_109 = arith.addf %scan3A_99, %select_n3A : vector<16xf32>
      %mul3A_110 = arith.constant 64 : i32
      %mul3A_111 = arith.muli %scan3A_98, %mul3A_110 : i32
      %add3A_112 = arith.constant 16 : i32
      %add3A_113 = arith.addi %mul3A_111, %add3A_112 : i32
      %get3A_114 = arith.index_cast %add3A_113 : i32 to index
      %get3A_115 = tpu.vector_load %arg6[%get3A_114] {strides = array<i32>} : memref<32768xf32, #tpu.memory_space<vmem>>, vector<16xf32>,
      %ge3A_116 = arith.cmpf oge, %get3A_115, %get3A_6 : vector<16xf32>
      %select_n3A_117 = arith.select %ge3A_116, %get3A_115, %broadcast_in_dim3A_11 : vector<16xi1>, vector<16xf32>
      %add3A_118 = arith.addf %scan3A_100, %select_n3A_117 : vector<16xf32>
      %mul3A_119 = arith.constant 64 : i32
      %mul3A_120 = arith.muli %scan3A_98, %mul3A_119 : i32
      %add3A_121 = arith.constant 32 : i32
      %add3A_122 = arith.addi %mul3A_120, %add3A_121 : i32
      %get3A_123 = arith.index_cast %add3A_122 : i32 to index
      %get3A_124 = tpu.vector_load %arg6[%get3A_123] {strides = array<i32>} : memref<32768xf32, #tpu.memory_space<vmem>>, vector<16xf32>,
      %ge3A_125 = arith.cmpf oge, %get3A_124, %get3A_6 : vector<16xf32>
      %select_n3A_126 = arith.select %ge3A_125, %get3A_124, %broadcast_in_dim3A_11 : vector<16xi1>, vector<16xf32>
      %add3A_127 = arith.addf %scan3A_101, %select_n3A_126 : vector<16xf32>
      %mul3A_128 = arith.constant 64 : i32
      %mul3A_129 = arith.muli %scan3A_98, %mul3A_128 : i32
      %add3A_130 = arith.constant 48 : i32
      %add3A_131 = arith.addi %mul3A_129, %add3A_130 : i32
      %get3A_132 = arith.index_cast %add3A_131 : i32 to index
      %get3A_133 = tpu.vector_load %arg6[%get3A_132] {strides = array<i32>} : memref<32768xf32, #tpu.memory_space<vmem>>, vector<16xf32>,
      %ge3A_134 = arith.cmpf oge, %get3A_133, %get3A_6 : vector<16xf32>
      %select_n3A_135 = arith.select %ge3A_134, %get3A_133, %broadcast_in_dim3A_11 : vector<16xi1>, vector<16xf32>
      %add3A_136 = arith.addf %scan3A_102, %select_n3A_135 : vector<16xf32>
      scf.yield %add3A_109, %add3A_118, %add3A_127, %add3A_136 : vector<16xf32>, vector<16xf32>, vector<16xf32>, vector<16xf32>
    }
    %scan3A_74 = arith.constant 512 : i32
    %add3A_75 = arith.constant 98304 : i32
    %add3A_76 = arith.addi %mul3A_2, %add3A_75 : i32
    %dma_wait3A_77 = tpu.memref_slice %arg2[%add3A_76] : memref<4194304xf32, #tpu.memory_space<hbm>> -> memref<32768xf32, #tpu.memory_space<hbm>>
    %dma_wait3A_78 = tpu.memref_slice %arg2[%add3A_76] : memref<4194304xf32, #tpu.memory_space<hbm>> -> memref<32768xf32, #tpu.memory_space<hbm>>
    tpu.wait_dma2 semaphore(%arg13 : memref<!tpu.dma_semaphore, #tpu.memory_space<semaphore_mem>>) src(%dma_wait3A_78 : memref<32768xf32, #tpu.memory_space<hbm>>) dst(%arg7 : memref<32768xf32, #tpu.memory_space<vmem>>)
    %parallel_loop3A_79 = arith.constant 0 : i32
    %parallel_loop3A_80 = arith.constant 2048 : i32
    %parallel_loop3A_81 = arith.constant 1 : i32
    scf.for %parallel_loop3A_98 = %parallel_loop3A_79 to %parallel_loop3A_80 step %parallel_loop3A_81  : i32 {
      %parallel_loop3A_99 = arith.constant 16 : i32
      %parallel_loop3A_100 = arith.muli %parallel_loop3A_98, %parallel_loop3A_99 : i32
      %parallel_loop3A_101 = arith.index_cast %parallel_loop3A_100 : i32 to index
      %parallel_loop3A_102 = tpu.vector_load %arg7[%parallel_loop3A_101] {strides = array<i32>} : memref<32768xf32, #tpu.memory_space<vmem>>, vector<16xf32>,
      %parallel_loop3A_103 = arith.cmpf oge, %parallel_loop3A_102, %get3A_4 : vector<16xf32>
      %parallel_loop3A_104 = arith.cmpf olt, %parallel_loop3A_102, %get3A_6 : vector<16xf32>
      %parallel_loop3A_105 = arith.andi %parallel_loop3A_103, %parallel_loop3A_104 : vector<16xi1>
      %parallel_loop3A_106 = arith.subf %parallel_loop3A_102, %get3A_4 : vector<16xf32>
      %parallel_loop3A_107 = arith.mulf %parallel_loop3A_106, %get3A_8 : vector<16xf32>
      %parallel_loop3A_108 = arith.mulf %parallel_loop3A_107, %get3A_10 : vector<16xf32>
      %parallel_loop3A_109 = arith.fptosi %parallel_loop3A_108 : vector<16xf32> to vector<16xi32>
      %parallel_loop3A_110 = arith.maxsi %parallel_loop3A_109, %broadcast_in_dim3A_20 : vector<16xi32>
      %parallel_loop3A_111 = arith.minsi %parallel_loop3A_110, %broadcast_in_dim3A_18 : vector<16xi32>
      %parallel_loop3A_112 = arith.addi %mul3A_16, %parallel_loop3A_111 : vector<16xi32>
      tpu.vector_store_idx %arg9[%parallel_loop3A_112], %broadcast_in_dim3A_13 masked %parallel_loop3A_105 {add = true} : memref<16384xf32, #tpu.memory_space<vmem>>[vector<16xi32>], vector<16xf32>, vector<16xi1>
    } {sc.loop_unroll_factor = 4 : i64, sc.parallel_access}
    %scan3A_82 = arith.constant 0 : i32
    %scan3A_83 = arith.constant 512 : i32
    %scan3A_84 = arith.addi %scan3A_82, %scan3A_83 : i32
    %scan3A_85 = arith.constant 1 : i32
    %scan3A_86:4 = scf.for %scan3A_98 = %scan3A_82 to %scan3A_84 step %scan3A_85 iter_args(%scan3A_99 = %scan3A_73#0, %scan3A_100 = %scan3A_73#1, %scan3A_101 = %scan3A_73#2, %scan3A_102 = %scan3A_73#3) -> (vector<16xf32>, vector<16xf32>, vector<16xf32>, vector<16xf32>)  : i32 {
      %mul3A_103 = arith.constant 64 : i32
      %mul3A_104 = arith.muli %scan3A_98, %mul3A_103 : i32
      %add3A_105 = arith.constant 0 : i32
      %add3A_106 = arith.addi %mul3A_104, %add3A_105 : i32
      %get3A_107 = arith.index_cast %add3A_106 : i32 to index
      %get3A_108 = tpu.vector_load %arg7[%get3A_107] {strides = array<i32>} : memref<32768xf32, #tpu.memory_space<vmem>>, vector<16xf32>,
      %ge3A = arith.cmpf oge, %get3A_108, %get3A_6 : vector<16xf32>
      %select_n3A = arith.select %ge3A, %get3A_108, %broadcast_in_dim3A_11 : vector<16xi1>, vector<16xf32>
      %add3A_109 = arith.addf %scan3A_99, %select_n3A : vector<16xf32>
      %mul3A_110 = arith.constant 64 : i32
      %mul3A_111 = arith.muli %scan3A_98, %mul3A_110 : i32
      %add3A_112 = arith.constant 16 : i32
      %add3A_113 = arith.addi %mul3A_111, %add3A_112 : i32
      %get3A_114 = arith.index_cast %add3A_113 : i32 to index
      %get3A_115 = tpu.vector_load %arg7[%get3A_114] {strides = array<i32>} : memref<32768xf32, #tpu.memory_space<vmem>>, vector<16xf32>,
      %ge3A_116 = arith.cmpf oge, %get3A_115, %get3A_6 : vector<16xf32>
      %select_n3A_117 = arith.select %ge3A_116, %get3A_115, %broadcast_in_dim3A_11 : vector<16xi1>, vector<16xf32>
      %add3A_118 = arith.addf %scan3A_100, %select_n3A_117 : vector<16xf32>
      %mul3A_119 = arith.constant 64 : i32
      %mul3A_120 = arith.muli %scan3A_98, %mul3A_119 : i32
      %add3A_121 = arith.constant 32 : i32
      %add3A_122 = arith.addi %mul3A_120, %add3A_121 : i32
      %get3A_123 = arith.index_cast %add3A_122 : i32 to index
      %get3A_124 = tpu.vector_load %arg7[%get3A_123] {strides = array<i32>} : memref<32768xf32, #tpu.memory_space<vmem>>, vector<16xf32>,
      %ge3A_125 = arith.cmpf oge, %get3A_124, %get3A_6 : vector<16xf32>
      %select_n3A_126 = arith.select %ge3A_125, %get3A_124, %broadcast_in_dim3A_11 : vector<16xi1>, vector<16xf32>
      %add3A_127 = arith.addf %scan3A_101, %select_n3A_126 : vector<16xf32>
      %mul3A_128 = arith.constant 64 : i32
      %mul3A_129 = arith.muli %scan3A_98, %mul3A_128 : i32
      %add3A_130 = arith.constant 48 : i32
      %add3A_131 = arith.addi %mul3A_129, %add3A_130 : i32
      %get3A_132 = arith.index_cast %add3A_131 : i32 to index
      %get3A_133 = tpu.vector_load %arg7[%get3A_132] {strides = array<i32>} : memref<32768xf32, #tpu.memory_space<vmem>>, vector<16xf32>,
      %ge3A_134 = arith.cmpf oge, %get3A_133, %get3A_6 : vector<16xf32>
      %select_n3A_135 = arith.select %ge3A_134, %get3A_133, %broadcast_in_dim3A_11 : vector<16xi1>, vector<16xf32>
      %add3A_136 = arith.addf %scan3A_102, %select_n3A_135 : vector<16xf32>
      scf.yield %add3A_109, %add3A_118, %add3A_127, %add3A_136 : vector<16xf32>, vector<16xf32>, vector<16xf32>, vector<16xf32>
    }
    %scan3A_87 = arith.constant 512 : i32
    %add3A_88 = arith.addf %scan3A_86#0, %scan3A_86#1 : vector<16xf32>
    %add3A_89 = arith.addf %add3A_88, %scan3A_86#2 : vector<16xf32>
    %add3A_90 = arith.addf %add3A_89, %scan3A_86#3 : vector<16xf32>
    %scan3A_91 = arith.constant 0 : i32
    %scan3A_92 = arith.constant 0 : i32
    %scan3A_93 = arith.constant 64 : i32
    %scan3A_94 = arith.addi %scan3A_92, %scan3A_93 : i32
    %scan3A_95 = arith.constant 1 : i32
    scf.for %scan3A_98 = %scan3A_92 to %scan3A_94 step %scan3A_95  : i32 {
      %mul3A_99 = arith.constant 16 : i32
      %mul3A_100 = arith.muli %scan3A_98, %mul3A_99 : i32
      %get3A_101 = arith.index_cast %mul3A_100 : i32 to index
      %get3A_102 = tpu.vector_load %arg9[%get3A_101] {strides = array<i32>} : memref<16384xf32, #tpu.memory_space<vmem>>, vector<16xf32>,
      %mul3A_103 = arith.constant 16 : i32
      %mul3A_104 = arith.muli %scan3A_98, %mul3A_103 : i32
      %add3A_105 = arith.constant 1024 : i32
      %add3A_106 = arith.addi %add3A_105, %mul3A_104 : i32
      %get3A_107 = arith.index_cast %add3A_106 : i32 to index
      %get3A_108 = tpu.vector_load %arg9[%get3A_107] {strides = array<i32>} : memref<16384xf32, #tpu.memory_space<vmem>>, vector<16xf32>,
      %add3A_109 = arith.addf %get3A_102, %get3A_108 : vector<16xf32>
      %mul3A_110 = arith.constant 16 : i32
      %mul3A_111 = arith.muli %scan3A_98, %mul3A_110 : i32
      %add3A_112 = arith.constant 2048 : i32
      %add3A_113 = arith.addi %add3A_112, %mul3A_111 : i32
      %get3A_114 = arith.index_cast %add3A_113 : i32 to index
      %get3A_115 = tpu.vector_load %arg9[%get3A_114] {strides = array<i32>} : memref<16384xf32, #tpu.memory_space<vmem>>, vector<16xf32>,
      %add3A_116 = arith.addf %add3A_109, %get3A_115 : vector<16xf32>
      %mul3A_117 = arith.constant 16 : i32
      %mul3A_118 = arith.muli %scan3A_98, %mul3A_117 : i32
      %add3A_119 = arith.constant 3072 : i32
      %add3A_120 = arith.addi %add3A_119, %mul3A_118 : i32
      %get3A_121 = arith.index_cast %add3A_120 : i32 to index
      %get3A_122 = tpu.vector_load %arg9[%get3A_121] {strides = array<i32>} : memref<16384xf32, #tpu.memory_space<vmem>>, vector<16xf32>,
      %add3A_123 = arith.addf %add3A_116, %get3A_122 : vector<16xf32>
      %mul3A_124 = arith.constant 16 : i32
      %mul3A_125 = arith.muli %scan3A_98, %mul3A_124 : i32
      %add3A_126 = arith.constant 4096 : i32
      %add3A_127 = arith.addi %add3A_126, %mul3A_125 : i32
      %get3A_128 = arith.index_cast %add3A_127 : i32 to index
      %get3A_129 = tpu.vector_load %arg9[%get3A_128] {strides = array<i32>} : memref<16384xf32, #tpu.memory_space<vmem>>, vector<16xf32>,
      %add3A_130 = arith.addf %add3A_123, %get3A_129 : vector<16xf32>
      %mul3A_131 = arith.constant 16 : i32
      %mul3A_132 = arith.muli %scan3A_98, %mul3A_131 : i32
      %add3A_133 = arith.constant 5120 : i32
      %add3A_134 = arith.addi %add3A_133, %mul3A_132 : i32
      %get3A_135 = arith.index_cast %add3A_134 : i32 to index
      %get3A_136 = tpu.vector_load %arg9[%get3A_135] {strides = array<i32>} : memref<16384xf32, #tpu.memory_space<vmem>>, vector<16xf32>,
      %add3A_137 = arith.addf %add3A_130, %get3A_136 : vector<16xf32>
      %mul3A_138 = arith.constant 16 : i32
      %mul3A_139 = arith.muli %scan3A_98, %mul3A_138 : i32
      %add3A_140 = arith.constant 6144 : i32
      %add3A_141 = arith.addi %add3A_140, %mul3A_139 : i32
      %get3A_142 = arith.index_cast %add3A_141 : i32 to index
      %get3A_143 = tpu.vector_load %arg9[%get3A_142] {strides = array<i32>} : memref<16384xf32, #tpu.memory_space<vmem>>, vector<16xf32>,
      %add3A_144 = arith.addf %add3A_137, %get3A_143 : vector<16xf32>
      %mul3A_145 = arith.constant 16 : i32
      %mul3A_146 = arith.muli %scan3A_98, %mul3A_145 : i32
      %add3A_147 = arith.constant 7168 : i32
      %add3A_148 = arith.addi %add3A_147, %mul3A_146 : i32
      %get3A_149 = arith.index_cast %add3A_148 : i32 to index
      %get3A_150 = tpu.vector_load %arg9[%get3A_149] {strides = array<i32>} : memref<16384xf32, #tpu.memory_space<vmem>>, vector<16xf32>,
      %add3A_151 = arith.addf %add3A_144, %get3A_150 : vector<16xf32>
      %mul3A_152 = arith.constant 16 : i32
      %mul3A_153 = arith.muli %scan3A_98, %mul3A_152 : i32
      %add3A_154 = arith.constant 8192 : i32
      %add3A_155 = arith.addi %add3A_154, %mul3A_153 : i32
      %get3A_156 = arith.index_cast %add3A_155 : i32 to index
      %get3A_157 = tpu.vector_load %arg9[%get3A_156] {strides = array<i32>} : memref<16384xf32, #tpu.memory_space<vmem>>, vector<16xf32>,
      %add3A_158 = arith.addf %add3A_151, %get3A_157 : vector<16xf32>
      %mul3A_159 = arith.constant 16 : i32
      %mul3A_160 = arith.muli %scan3A_98, %mul3A_159 : i32
      %add3A_161 = arith.constant 9216 : i32
      %add3A_162 = arith.addi %add3A_161, %mul3A_160 : i32
      %get3A_163 = arith.index_cast %add3A_162 : i32 to index
      %get3A_164 = tpu.vector_load %arg9[%get3A_163] {strides = array<i32>} : memref<16384xf32, #tpu.memory_space<vmem>>, vector<16xf32>,
      %add3A_165 = arith.addf %add3A_158, %get3A_164 : vector<16xf32>
      %mul3A_166 = arith.constant 16 : i32
      %mul3A_167 = arith.muli %scan3A_98, %mul3A_166 : i32
      %add3A_168 = arith.constant 10240 : i32
      %add3A_169 = arith.addi %add3A_168, %mul3A_167 : i32
      %get3A_170 = arith.index_cast %add3A_169 : i32 to index
      %get3A_171 = tpu.vector_load %arg9[%get3A_170] {strides = array<i32>} : memref<16384xf32, #tpu.memory_space<vmem>>, vector<16xf32>,
      %add3A_172 = arith.addf %add3A_165, %get3A_171 : vector<16xf32>
      %mul3A_173 = arith.constant 16 : i32
      %mul3A_174 = arith.muli %scan3A_98, %mul3A_173 : i32
      %add3A_175 = arith.constant 11264 : i32
      %add3A_176 = arith.addi %add3A_175, %mul3A_174 : i32
      %get3A_177 = arith.index_cast %add3A_176 : i32 to index
      %get3A_178 = tpu.vector_load %arg9[%get3A_177] {strides = array<i32>} : memref<16384xf32, #tpu.memory_space<vmem>>, vector<16xf32>,
      %add3A_179 = arith.addf %add3A_172, %get3A_178 : vector<16xf32>
      %mul3A_180 = arith.constant 16 : i32
      %mul3A_181 = arith.muli %scan3A_98, %mul3A_180 : i32
      %add3A_182 = arith.constant 12288 : i32
      %add3A_183 = arith.addi %add3A_182, %mul3A_181 : i32
      %get3A_184 = arith.index_cast %add3A_183 : i32 to index
      %get3A_185 = tpu.vector_load %arg9[%get3A_184] {strides = array<i32>} : memref<16384xf32, #tpu.memory_space<vmem>>, vector<16xf32>,
      %add3A_186 = arith.addf %add3A_179, %get3A_185 : vector<16xf32>
      %mul3A_187 = arith.constant 16 : i32
      %mul3A_188 = arith.muli %scan3A_98, %mul3A_187 : i32
      %add3A_189 = arith.constant 13312 : i32
      %add3A_190 = arith.addi %add3A_189, %mul3A_188 : i32
      %get3A_191 = arith.index_cast %add3A_190 : i32 to index
      %get3A_192 = tpu.vector_load %arg9[%get3A_191] {strides = array<i32>} : memref<16384xf32, #tpu.memory_space<vmem>>, vector<16xf32>,
      %add3A_193 = arith.addf %add3A_186, %get3A_192 : vector<16xf32>
      %mul3A_194 = arith.constant 16 : i32
      %mul3A_195 = arith.muli %scan3A_98, %mul3A_194 : i32
      %add3A_196 = arith.constant 14336 : i32
      %add3A_197 = arith.addi %add3A_196, %mul3A_195 : i32
      %get3A_198 = arith.index_cast %add3A_197 : i32 to index
      %get3A_199 = tpu.vector_load %arg9[%get3A_198] {strides = array<i32>} : memref<16384xf32, #tpu.memory_space<vmem>>, vector<16xf32>,
      %add3A_200 = arith.addf %add3A_193, %get3A_199 : vector<16xf32>
      %mul3A_201 = arith.constant 16 : i32
      %mul3A_202 = arith.muli %scan3A_98, %mul3A_201 : i32
      %add3A_203 = arith.constant 15360 : i32
      %add3A_204 = arith.addi %add3A_203, %mul3A_202 : i32
      %get3A_205 = arith.index_cast %add3A_204 : i32 to index
      %get3A_206 = tpu.vector_load %arg9[%get3A_205] {strides = array<i32>} : memref<16384xf32, #tpu.memory_space<vmem>>, vector<16xf32>,
      %add3A_207 = arith.addf %add3A_200, %get3A_206 : vector<16xf32>
      %mul3A_208 = arith.constant 16 : i32
      %mul3A_209 = arith.muli %scan3A_98, %mul3A_208 : i32
      %swap3A_210 = arith.index_cast %mul3A_209 : i32 to index
      %swap3A_211 = tpu.vector_load %arg10[%swap3A_210] {strides = array<i32>} : memref<1024xf32, #tpu.memory_space<vmem>>, vector<16xf32>,
      tpu.vector_store %arg10[%swap3A_210], %add3A_207 {strides = array<i32>} : memref<1024xf32, #tpu.memory_space<vmem>>, vector<16xf32>,
    }
    %scan3A_96 = arith.constant 64 : i32
    %swap3A = arith.constant 0 : index
    %swap3A_97 = tpu.vector_load %arg11[%swap3A] {strides = array<i32>} : memref<16xf32, #tpu.memory_space<vmem>>, vector<16xf32>,
    tpu.vector_store %arg11[%swap3A], %add3A_90 {strides = array<i32>} : memref<16xf32, #tpu.memory_space<vmem>>, vector<16xf32>,
    "tpu.region"() ({
      %run_scoped3A = tpu.sem_alloc : memref<!tpu.dma_semaphore, #tpu.memory_space<semaphore_mem>>
      %dma_start3A_98 = arith.constant 0 : i32
      %dma_start3A_99 = tpu.memref_slice %arg4[%add3A, %dma_start3A_98] : memref<32x1024xf32, #tpu.memory_space<hbm>> -> memref<1x1024xf32, #tpu.memory_space<hbm>>
      %dma_start3A_100 = tpu.memref_squeeze %dma_start3A_99 : memref<1x1024xf32, #tpu.memory_space<hbm>> -> memref<1024xf32, #tpu.memory_space<hbm>>
      %dma_start3A_101 = arith.constant 0 : i32
      %dma_start3A_102 = tpu.memref_slice %arg4[%add3A, %dma_start3A_101] : memref<32x1024xf32, #tpu.memory_space<hbm>> -> memref<1x1024xf32, #tpu.memory_space<hbm>>
      %dma_start3A_103 = tpu.memref_squeeze %dma_start3A_102 : memref<1x1024xf32, #tpu.memory_space<hbm>> -> memref<1024xf32, #tpu.memory_space<hbm>>
      tpu.enqueue_dma source(%arg10 : memref<1024xf32, #tpu.memory_space<vmem>>) target(%dma_start3A_103 : memref<1024xf32, #tpu.memory_space<hbm>>) target_semaphore(%run_scoped3A : memref<!tpu.dma_semaphore, #tpu.memory_space<semaphore_mem>>)
      %dma_wait3A_104 = arith.constant 0 : i32
      %dma_wait3A_105 = tpu.memref_slice %arg4[%add3A, %dma_wait3A_104] : memref<32x1024xf32, #tpu.memory_space<hbm>> -> memref<1x1024xf32, #tpu.memory_space<hbm>>
      %dma_wait3A_106 = tpu.memref_squeeze %dma_wait3A_105 : memref<1x1024xf32, #tpu.memory_space<hbm>> -> memref<1024xf32, #tpu.memory_space<hbm>>
      %dma_wait3A_107 = arith.constant 0 : i32
      %dma_wait3A_108 = tpu.memref_slice %arg4[%add3A, %dma_wait3A_107] : memref<32x1024xf32, #tpu.memory_space<hbm>> -> memref<1x1024xf32, #tpu.memory_space<hbm>>
      %dma_wait3A_109 = tpu.memref_squeeze %dma_wait3A_108 : memref<1x1024xf32, #tpu.memory_space<hbm>> -> memref<1024xf32, #tpu.memory_space<hbm>>
      tpu.wait_dma2 semaphore(%run_scoped3A : memref<!tpu.dma_semaphore, #tpu.memory_space<semaphore_mem>>) src(%arg10 : memref<1024xf32, #tpu.memory_space<vmem>>) dst(%dma_wait3A_109 : memref<1024xf32, #tpu.memory_space<hbm>>)
      tpu.yield
    }) : () -> ()
    "tpu.region"() ({
      %run_scoped3A = tpu.sem_alloc : memref<!tpu.dma_semaphore, #tpu.memory_space<semaphore_mem>>
      %dma_start3A_98 = arith.constant 0 : i32
      %dma_start3A_99 = tpu.memref_slice %arg5[%add3A, %dma_start3A_98] : memref<32x16xf32, #tpu.memory_space<hbm>> -> memref<1x16xf32, #tpu.memory_space<hbm>>
      %dma_start3A_100 = tpu.memref_squeeze %dma_start3A_99 : memref<1x16xf32, #tpu.memory_space<hbm>> -> memref<16xf32, #tpu.memory_space<hbm>>
      %dma_start3A_101 = arith.constant 0 : i32
      %dma_start3A_102 = tpu.memref_slice %arg5[%add3A, %dma_start3A_101] : memref<32x16xf32, #tpu.memory_space<hbm>> -> memref<1x16xf32, #tpu.memory_space<hbm>>
      %dma_start3A_103 = tpu.memref_squeeze %dma_start3A_102 : memref<1x16xf32, #tpu.memory_space<hbm>> -> memref<16xf32, #tpu.memory_space<hbm>>
      tpu.enqueue_dma source(%arg11 : memref<16xf32, #tpu.memory_space<vmem>>) target(%dma_start3A_103 : memref<16xf32, #tpu.memory_space<hbm>>) target_semaphore(%run_scoped3A : memref<!tpu.dma_semaphore, #tpu.memory_space<semaphore_mem>>)
      %dma_wait3A_104 = arith.constant 0 : i32
      %dma_wait3A_105 = tpu.memref_slice %arg5[%add3A, %dma_wait3A_104] : memref<32x16xf32, #tpu.memory_space<hbm>> -> memref<1x16xf32, #tpu.memory_space<hbm>>
      %dma_wait3A_106 = tpu.memref_squeeze %dma_wait3A_105 : memref<1x16xf32, #tpu.memory_space<hbm>> -> memref<16xf32, #tpu.memory_space<hbm>>
      %dma_wait3A_107 = arith.constant 0 : i32
      %dma_wait3A_108 = tpu.memref_slice %arg5[%add3A, %dma_wait3A_107] : memref<32x16xf32, #tpu.memory_space<hbm>> -> memref<1x16xf32, #tpu.memory_space<hbm>>
      %dma_wait3A_109 = tpu.memref_squeeze %dma_wait3A_108 : memref<1x16xf32, #tpu.memory_space<hbm>> -> memref<16xf32, #tpu.memory_space<hbm>>
      tpu.wait_dma2 semaphore(%run_scoped3A : memref<!tpu.dma_semaphore, #tpu.memory_space<semaphore_mem>>) src(%arg11 : memref<16xf32, #tpu.memory_space<vmem>>) dst(%dma_wait3A_109 : memref<16xf32, #tpu.memory_space<hbm>>)
      tpu.yield
    }) : () -> ()
    return
  }
}

#map = affine_map<(d0, d1) -> (0)>
#map1 = affine_map<(d0, d1) -> (0, 0)>
module attributes {stable_mosaic.version = 14 : i64} {
  func.func @hist_kernel(%arg0: i32, %arg1: i32, %arg2: memref<4194304xi32, #tpu.memory_space<hbm>>, %arg3: memref<16xi32, #tpu.memory_space<hbm>>, %arg4: memref<32x2048xf32, #tpu.memory_space<hbm>>, %arg5: memref<32768xi32, #tpu.memory_space<vmem>>, %arg6: memref<32768xi32, #tpu.memory_space<vmem>>, %arg7: memref<16xi32, #tpu.memory_space<vmem>>, %arg8: memref<32768xf32, #tpu.memory_space<vmem>>, %arg9: memref<2048xf32, #tpu.memory_space<vmem>>, %arg10: memref<!tpu.dma_semaphore, #tpu.memory_space<semaphore_mem>>, %arg11: memref<!tpu.dma_semaphore, #tpu.memory_space<semaphore_mem>>) attributes {dimension_semantics = [#tpu.dimension_semantics<core_parallel>, #tpu.dimension_semantics<subcore_parallel>], iteration_bounds = array<i64: 2, 16>, scalar_prefetch = 0 : i64, scratch_operands = 7 : i64, tpu.core_type = #tpu.core_type<sc_vector_subcore>, window_params = [{transform_indices = #map}, {transform_indices = #map}, {transform_indices = #map1}]} {
    %mul3A = arith.constant 2 : i32
    %mul3A_0 = arith.muli %arg1, %mul3A : i32
    %add3A = arith.addi %mul3A_0, %arg0 : i32
    %mul3A_1 = arith.constant 131072 : i32
    %mul3A_2 = arith.muli %add3A, %mul3A_1 : i32
    %dma_start3A = tpu.memref_slice %arg2[%mul3A_2] : memref<4194304xi32, #tpu.memory_space<hbm>> -> memref<32768xi32, #tpu.memory_space<hbm>>
    %dma_start3A_3 = tpu.memref_slice %arg2[%mul3A_2] : memref<4194304xi32, #tpu.memory_space<hbm>> -> memref<32768xi32, #tpu.memory_space<hbm>>
    tpu.enqueue_dma source(%dma_start3A_3 : memref<32768xi32, #tpu.memory_space<hbm>>) target(%arg5 : memref<32768xi32, #tpu.memory_space<vmem>>) target_semaphore(%arg10 : memref<!tpu.dma_semaphore, #tpu.memory_space<semaphore_mem>>)
    %broadcast_in_dim3A = arith.constant 0.000000e+00 : f32
    %broadcast_in_dim3A_4 = vector.broadcast %broadcast_in_dim3A : f32 to vector<16xf32>
    %scan3A = arith.constant 0 : i32
    %scan3A_5 = arith.constant 0 : i32
    %scan3A_6 = arith.constant 256 : i32
    %scan3A_7 = arith.addi %scan3A_5, %scan3A_6 : i32
    %scan3A_8 = arith.constant 1 : i32
    scf.for %scan3A_60 = %scan3A_5 to %scan3A_7 step %scan3A_8  : i32 {
      %mul3A_61 = arith.constant 128 : i32
      %mul3A_62 = arith.muli %scan3A_60, %mul3A_61 : i32
      %add3A_63 = arith.constant 0 : i32
      %add3A_64 = arith.addi %mul3A_62, %add3A_63 : i32
      %swap3A = arith.index_cast %add3A_64 : i32 to index
      %swap3A_65 = tpu.vector_load %arg8[%swap3A] {strides = array<i32>} : memref<32768xf32, #tpu.memory_space<vmem>>, vector<16xf32>,
      tpu.vector_store %arg8[%swap3A], %broadcast_in_dim3A_4 {strides = array<i32>} : memref<32768xf32, #tpu.memory_space<vmem>>, vector<16xf32>,
      %mul3A_66 = arith.constant 128 : i32
      %mul3A_67 = arith.muli %scan3A_60, %mul3A_66 : i32
      %add3A_68 = arith.constant 16 : i32
      %add3A_69 = arith.addi %mul3A_67, %add3A_68 : i32
      %swap3A_70 = arith.index_cast %add3A_69 : i32 to index
      %swap3A_71 = tpu.vector_load %arg8[%swap3A_70] {strides = array<i32>} : memref<32768xf32, #tpu.memory_space<vmem>>, vector<16xf32>,
      tpu.vector_store %arg8[%swap3A_70], %broadcast_in_dim3A_4 {strides = array<i32>} : memref<32768xf32, #tpu.memory_space<vmem>>, vector<16xf32>,
      %mul3A_72 = arith.constant 128 : i32
      %mul3A_73 = arith.muli %scan3A_60, %mul3A_72 : i32
      %add3A_74 = arith.constant 32 : i32
      %add3A_75 = arith.addi %mul3A_73, %add3A_74 : i32
      %swap3A_76 = arith.index_cast %add3A_75 : i32 to index
      %swap3A_77 = tpu.vector_load %arg8[%swap3A_76] {strides = array<i32>} : memref<32768xf32, #tpu.memory_space<vmem>>, vector<16xf32>,
      tpu.vector_store %arg8[%swap3A_76], %broadcast_in_dim3A_4 {strides = array<i32>} : memref<32768xf32, #tpu.memory_space<vmem>>, vector<16xf32>,
      %mul3A_78 = arith.constant 128 : i32
      %mul3A_79 = arith.muli %scan3A_60, %mul3A_78 : i32
      %add3A_80 = arith.constant 48 : i32
      %add3A_81 = arith.addi %mul3A_79, %add3A_80 : i32
      %swap3A_82 = arith.index_cast %add3A_81 : i32 to index
      %swap3A_83 = tpu.vector_load %arg8[%swap3A_82] {strides = array<i32>} : memref<32768xf32, #tpu.memory_space<vmem>>, vector<16xf32>,
      tpu.vector_store %arg8[%swap3A_82], %broadcast_in_dim3A_4 {strides = array<i32>} : memref<32768xf32, #tpu.memory_space<vmem>>, vector<16xf32>,
      %mul3A_84 = arith.constant 128 : i32
      %mul3A_85 = arith.muli %scan3A_60, %mul3A_84 : i32
      %add3A_86 = arith.constant 64 : i32
      %add3A_87 = arith.addi %mul3A_85, %add3A_86 : i32
      %swap3A_88 = arith.index_cast %add3A_87 : i32 to index
      %swap3A_89 = tpu.vector_load %arg8[%swap3A_88] {strides = array<i32>} : memref<32768xf32, #tpu.memory_space<vmem>>, vector<16xf32>,
      tpu.vector_store %arg8[%swap3A_88], %broadcast_in_dim3A_4 {strides = array<i32>} : memref<32768xf32, #tpu.memory_space<vmem>>, vector<16xf32>,
      %mul3A_90 = arith.constant 128 : i32
      %mul3A_91 = arith.muli %scan3A_60, %mul3A_90 : i32
      %add3A_92 = arith.constant 80 : i32
      %add3A_93 = arith.addi %mul3A_91, %add3A_92 : i32
      %swap3A_94 = arith.index_cast %add3A_93 : i32 to index
      %swap3A_95 = tpu.vector_load %arg8[%swap3A_94] {strides = array<i32>} : memref<32768xf32, #tpu.memory_space<vmem>>, vector<16xf32>,
      tpu.vector_store %arg8[%swap3A_94], %broadcast_in_dim3A_4 {strides = array<i32>} : memref<32768xf32, #tpu.memory_space<vmem>>, vector<16xf32>,
      %mul3A_96 = arith.constant 128 : i32
      %mul3A_97 = arith.muli %scan3A_60, %mul3A_96 : i32
      %add3A_98 = arith.constant 96 : i32
      %add3A_99 = arith.addi %mul3A_97, %add3A_98 : i32
      %swap3A_100 = arith.index_cast %add3A_99 : i32 to index
      %swap3A_101 = tpu.vector_load %arg8[%swap3A_100] {strides = array<i32>} : memref<32768xf32, #tpu.memory_space<vmem>>, vector<16xf32>,
      tpu.vector_store %arg8[%swap3A_100], %broadcast_in_dim3A_4 {strides = array<i32>} : memref<32768xf32, #tpu.memory_space<vmem>>, vector<16xf32>,
      %mul3A_102 = arith.constant 128 : i32
      %mul3A_103 = arith.muli %scan3A_60, %mul3A_102 : i32
      %add3A_104 = arith.constant 112 : i32
      %add3A_105 = arith.addi %mul3A_103, %add3A_104 : i32
      %swap3A_106 = arith.index_cast %add3A_105 : i32 to index
      %swap3A_107 = tpu.vector_load %arg8[%swap3A_106] {strides = array<i32>} : memref<32768xf32, #tpu.memory_space<vmem>>, vector<16xf32>,
      tpu.vector_store %arg8[%swap3A_106], %broadcast_in_dim3A_4 {strides = array<i32>} : memref<32768xf32, #tpu.memory_space<vmem>>, vector<16xf32>,
    }
    %scan3A_9 = arith.constant 256 : i32
    "tpu.region"() ({
      %run_scoped3A = tpu.sem_alloc : memref<!tpu.dma_semaphore, #tpu.memory_space<semaphore_mem>>
      tpu.enqueue_dma source(%arg3 : memref<16xi32, #tpu.memory_space<hbm>>) target(%arg7 : memref<16xi32, #tpu.memory_space<vmem>>) target_semaphore(%run_scoped3A : memref<!tpu.dma_semaphore, #tpu.memory_space<semaphore_mem>>)
      tpu.wait_dma2 semaphore(%run_scoped3A : memref<!tpu.dma_semaphore, #tpu.memory_space<semaphore_mem>>) src(%arg3 : memref<16xi32, #tpu.memory_space<hbm>>) dst(%arg7 : memref<16xi32, #tpu.memory_space<vmem>>)
      tpu.yield
    }) : () -> ()
    %get3A = arith.constant 0 : index
    %get3A_10 = tpu.vector_load %arg7[%get3A] {strides = array<i32>} : memref<16xi32, #tpu.memory_space<vmem>>, vector<16xi32>,
    %iota3A = tpu.iota {dimensions = array<i32: 0>} : vector<16xi32>
    %mul3A_11 = arith.constant 2048 : i32
    %mul3A_12 = vector.broadcast %mul3A_11 : i32 to vector<16xi32>
    %mul3A_13 = arith.muli %iota3A, %mul3A_12 : vector<16xi32>
    %broadcast_in_dim3A_14 = arith.constant 1.000000e+00 : f32
    %broadcast_in_dim3A_15 = vector.broadcast %broadcast_in_dim3A_14 : f32 to vector<16xf32>
    %add3A_16 = arith.constant 0 : i32
    %add3A_17 = arith.addi %mul3A_2, %add3A_16 : i32
    %dma_wait3A = tpu.memref_slice %arg2[%add3A_17] : memref<4194304xi32, #tpu.memory_space<hbm>> -> memref<32768xi32, #tpu.memory_space<hbm>>
    %dma_wait3A_18 = tpu.memref_slice %arg2[%add3A_17] : memref<4194304xi32, #tpu.memory_space<hbm>> -> memref<32768xi32, #tpu.memory_space<hbm>>
    tpu.wait_dma2 semaphore(%arg10 : memref<!tpu.dma_semaphore, #tpu.memory_space<semaphore_mem>>) src(%dma_wait3A_18 : memref<32768xi32, #tpu.memory_space<hbm>>) dst(%arg5 : memref<32768xi32, #tpu.memory_space<vmem>>)
    %add3A_19 = arith.constant 32768 : i32
    %add3A_20 = arith.addi %mul3A_2, %add3A_19 : i32
    %dma_start3A_21 = tpu.memref_slice %arg2[%add3A_20] : memref<4194304xi32, #tpu.memory_space<hbm>> -> memref<32768xi32, #tpu.memory_space<hbm>>
    %dma_start3A_22 = tpu.memref_slice %arg2[%add3A_20] : memref<4194304xi32, #tpu.memory_space<hbm>> -> memref<32768xi32, #tpu.memory_space<hbm>>
    tpu.enqueue_dma source(%dma_start3A_22 : memref<32768xi32, #tpu.memory_space<hbm>>) target(%arg6 : memref<32768xi32, #tpu.memory_space<vmem>>) target_semaphore(%arg11 : memref<!tpu.dma_semaphore, #tpu.memory_space<semaphore_mem>>)
    %parallel_loop3A = arith.constant 0 : i32
    %parallel_loop3A_23 = arith.constant 2048 : i32
    %parallel_loop3A_24 = arith.constant 1 : i32
    scf.for %parallel_loop3A_60 = %parallel_loop3A to %parallel_loop3A_23 step %parallel_loop3A_24  : i32 {
      %parallel_loop3A_61 = arith.constant 16 : i32
      %parallel_loop3A_62 = arith.muli %parallel_loop3A_60, %parallel_loop3A_61 : i32
      %parallel_loop3A_63 = arith.index_cast %parallel_loop3A_62 : i32 to index
      %parallel_loop3A_64 = tpu.vector_load %arg5[%parallel_loop3A_63] {strides = array<i32>} : memref<32768xi32, #tpu.memory_space<vmem>>, vector<16xi32>,
      %parallel_loop3A_65 = arith.constant 21 : i32
      %parallel_loop3A_66 = vector.broadcast %parallel_loop3A_65 : i32 to vector<16xi32>
      %parallel_loop3A_67 = arith.shrsi %parallel_loop3A_64, %parallel_loop3A_66 : vector<16xi32>
      %parallel_loop3A_68 = arith.constant 2047 : i32
      %parallel_loop3A_69 = vector.broadcast %parallel_loop3A_68 : i32 to vector<16xi32>
      %parallel_loop3A_70 = arith.andi %parallel_loop3A_67, %parallel_loop3A_69 : vector<16xi32>
      %parallel_loop3A_71 = arith.addi %mul3A_13, %parallel_loop3A_70 : vector<16xi32>
      tpu.vector_store_idx %arg8[%parallel_loop3A_71], %broadcast_in_dim3A_15 {add = true} : memref<32768xf32, #tpu.memory_space<vmem>>[vector<16xi32>], vector<16xf32>,
    } {sc.loop_unroll_factor = 4 : i64, sc.parallel_access}
    %add3A_25 = arith.constant 32768 : i32
    %add3A_26 = arith.addi %mul3A_2, %add3A_25 : i32
    %dma_wait3A_27 = tpu.memref_slice %arg2[%add3A_26] : memref<4194304xi32, #tpu.memory_space<hbm>> -> memref<32768xi32, #tpu.memory_space<hbm>>
    %dma_wait3A_28 = tpu.memref_slice %arg2[%add3A_26] : memref<4194304xi32, #tpu.memory_space<hbm>> -> memref<32768xi32, #tpu.memory_space<hbm>>
    tpu.wait_dma2 semaphore(%arg11 : memref<!tpu.dma_semaphore, #tpu.memory_space<semaphore_mem>>) src(%dma_wait3A_28 : memref<32768xi32, #tpu.memory_space<hbm>>) dst(%arg6 : memref<32768xi32, #tpu.memory_space<vmem>>)
    %add3A_29 = arith.constant 65536 : i32
    %add3A_30 = arith.addi %mul3A_2, %add3A_29 : i32
    %dma_start3A_31 = tpu.memref_slice %arg2[%add3A_30] : memref<4194304xi32, #tpu.memory_space<hbm>> -> memref<32768xi32, #tpu.memory_space<hbm>>
    %dma_start3A_32 = tpu.memref_slice %arg2[%add3A_30] : memref<4194304xi32, #tpu.memory_space<hbm>> -> memref<32768xi32, #tpu.memory_space<hbm>>
    tpu.enqueue_dma source(%dma_start3A_32 : memref<32768xi32, #tpu.memory_space<hbm>>) target(%arg5 : memref<32768xi32, #tpu.memory_space<vmem>>) target_semaphore(%arg10 : memref<!tpu.dma_semaphore, #tpu.memory_space<semaphore_mem>>)
    %parallel_loop3A_33 = arith.constant 0 : i32
    %parallel_loop3A_34 = arith.constant 2048 : i32
    %parallel_loop3A_35 = arith.constant 1 : i32
    scf.for %parallel_loop3A_60 = %parallel_loop3A_33 to %parallel_loop3A_34 step %parallel_loop3A_35  : i32 {
      %parallel_loop3A_61 = arith.constant 16 : i32
      %parallel_loop3A_62 = arith.muli %parallel_loop3A_60, %parallel_loop3A_61 : i32
      %parallel_loop3A_63 = arith.index_cast %parallel_loop3A_62 : i32 to index
      %parallel_loop3A_64 = tpu.vector_load %arg6[%parallel_loop3A_63] {strides = array<i32>} : memref<32768xi32, #tpu.memory_space<vmem>>, vector<16xi32>,
      %parallel_loop3A_65 = arith.constant 21 : i32
      %parallel_loop3A_66 = vector.broadcast %parallel_loop3A_65 : i32 to vector<16xi32>
      %parallel_loop3A_67 = arith.shrsi %parallel_loop3A_64, %parallel_loop3A_66 : vector<16xi32>
      %parallel_loop3A_68 = arith.constant 2047 : i32
      %parallel_loop3A_69 = vector.broadcast %parallel_loop3A_68 : i32 to vector<16xi32>
      %parallel_loop3A_70 = arith.andi %parallel_loop3A_67, %parallel_loop3A_69 : vector<16xi32>
      %parallel_loop3A_71 = arith.addi %mul3A_13, %parallel_loop3A_70 : vector<16xi32>
      tpu.vector_store_idx %arg8[%parallel_loop3A_71], %broadcast_in_dim3A_15 {add = true} : memref<32768xf32, #tpu.memory_space<vmem>>[vector<16xi32>], vector<16xf32>,
    } {sc.loop_unroll_factor = 4 : i64, sc.parallel_access}
    %add3A_36 = arith.constant 65536 : i32
    %add3A_37 = arith.addi %mul3A_2, %add3A_36 : i32
    %dma_wait3A_38 = tpu.memref_slice %arg2[%add3A_37] : memref<4194304xi32, #tpu.memory_space<hbm>> -> memref<32768xi32, #tpu.memory_space<hbm>>
    %dma_wait3A_39 = tpu.memref_slice %arg2[%add3A_37] : memref<4194304xi32, #tpu.memory_space<hbm>> -> memref<32768xi32, #tpu.memory_space<hbm>>
    tpu.wait_dma2 semaphore(%arg10 : memref<!tpu.dma_semaphore, #tpu.memory_space<semaphore_mem>>) src(%dma_wait3A_39 : memref<32768xi32, #tpu.memory_space<hbm>>) dst(%arg5 : memref<32768xi32, #tpu.memory_space<vmem>>)
    %add3A_40 = arith.constant 98304 : i32
    %add3A_41 = arith.addi %mul3A_2, %add3A_40 : i32
    %dma_start3A_42 = tpu.memref_slice %arg2[%add3A_41] : memref<4194304xi32, #tpu.memory_space<hbm>> -> memref<32768xi32, #tpu.memory_space<hbm>>
    %dma_start3A_43 = tpu.memref_slice %arg2[%add3A_41] : memref<4194304xi32, #tpu.memory_space<hbm>> -> memref<32768xi32, #tpu.memory_space<hbm>>
    tpu.enqueue_dma source(%dma_start3A_43 : memref<32768xi32, #tpu.memory_space<hbm>>) target(%arg6 : memref<32768xi32, #tpu.memory_space<vmem>>) target_semaphore(%arg11 : memref<!tpu.dma_semaphore, #tpu.memory_space<semaphore_mem>>)
    %parallel_loop3A_44 = arith.constant 0 : i32
    %parallel_loop3A_45 = arith.constant 2048 : i32
    %parallel_loop3A_46 = arith.constant 1 : i32
    scf.for %parallel_loop3A_60 = %parallel_loop3A_44 to %parallel_loop3A_45 step %parallel_loop3A_46  : i32 {
      %parallel_loop3A_61 = arith.constant 16 : i32
      %parallel_loop3A_62 = arith.muli %parallel_loop3A_60, %parallel_loop3A_61 : i32
      %parallel_loop3A_63 = arith.index_cast %parallel_loop3A_62 : i32 to index
      %parallel_loop3A_64 = tpu.vector_load %arg5[%parallel_loop3A_63] {strides = array<i32>} : memref<32768xi32, #tpu.memory_space<vmem>>, vector<16xi32>,
      %parallel_loop3A_65 = arith.constant 21 : i32
      %parallel_loop3A_66 = vector.broadcast %parallel_loop3A_65 : i32 to vector<16xi32>
      %parallel_loop3A_67 = arith.shrsi %parallel_loop3A_64, %parallel_loop3A_66 : vector<16xi32>
      %parallel_loop3A_68 = arith.constant 2047 : i32
      %parallel_loop3A_69 = vector.broadcast %parallel_loop3A_68 : i32 to vector<16xi32>
      %parallel_loop3A_70 = arith.andi %parallel_loop3A_67, %parallel_loop3A_69 : vector<16xi32>
      %parallel_loop3A_71 = arith.addi %mul3A_13, %parallel_loop3A_70 : vector<16xi32>
      tpu.vector_store_idx %arg8[%parallel_loop3A_71], %broadcast_in_dim3A_15 {add = true} : memref<32768xf32, #tpu.memory_space<vmem>>[vector<16xi32>], vector<16xf32>,
    } {sc.loop_unroll_factor = 4 : i64, sc.parallel_access}
    %add3A_47 = arith.constant 98304 : i32
    %add3A_48 = arith.addi %mul3A_2, %add3A_47 : i32
    %dma_wait3A_49 = tpu.memref_slice %arg2[%add3A_48] : memref<4194304xi32, #tpu.memory_space<hbm>> -> memref<32768xi32, #tpu.memory_space<hbm>>
    %dma_wait3A_50 = tpu.memref_slice %arg2[%add3A_48] : memref<4194304xi32, #tpu.memory_space<hbm>> -> memref<32768xi32, #tpu.memory_space<hbm>>
    tpu.wait_dma2 semaphore(%arg11 : memref<!tpu.dma_semaphore, #tpu.memory_space<semaphore_mem>>) src(%dma_wait3A_50 : memref<32768xi32, #tpu.memory_space<hbm>>) dst(%arg6 : memref<32768xi32, #tpu.memory_space<vmem>>)
    %parallel_loop3A_51 = arith.constant 0 : i32
    %parallel_loop3A_52 = arith.constant 2048 : i32
    %parallel_loop3A_53 = arith.constant 1 : i32
    scf.for %parallel_loop3A_60 = %parallel_loop3A_51 to %parallel_loop3A_52 step %parallel_loop3A_53  : i32 {
      %parallel_loop3A_61 = arith.constant 16 : i32
      %parallel_loop3A_62 = arith.muli %parallel_loop3A_60, %parallel_loop3A_61 : i32
      %parallel_loop3A_63 = arith.index_cast %parallel_loop3A_62 : i32 to index
      %parallel_loop3A_64 = tpu.vector_load %arg6[%parallel_loop3A_63] {strides = array<i32>} : memref<32768xi32, #tpu.memory_space<vmem>>, vector<16xi32>,
      %parallel_loop3A_65 = arith.constant 21 : i32
      %parallel_loop3A_66 = vector.broadcast %parallel_loop3A_65 : i32 to vector<16xi32>
      %parallel_loop3A_67 = arith.shrsi %parallel_loop3A_64, %parallel_loop3A_66 : vector<16xi32>
      %parallel_loop3A_68 = arith.constant 2047 : i32
      %parallel_loop3A_69 = vector.broadcast %parallel_loop3A_68 : i32 to vector<16xi32>
      %parallel_loop3A_70 = arith.andi %parallel_loop3A_67, %parallel_loop3A_69 : vector<16xi32>
      %parallel_loop3A_71 = arith.addi %mul3A_13, %parallel_loop3A_70 : vector<16xi32>
      tpu.vector_store_idx %arg8[%parallel_loop3A_71], %broadcast_in_dim3A_15 {add = true} : memref<32768xf32, #tpu.memory_space<vmem>>[vector<16xi32>], vector<16xf32>,
    } {sc.loop_unroll_factor = 4 : i64, sc.parallel_access}
    %scan3A_54 = arith.constant 0 : i32
    %scan3A_55 = arith.constant 0 : i32
    %scan3A_56 = arith.constant 128 : i32
    %scan3A_57 = arith.addi %scan3A_55, %scan3A_56 : i32
    %scan3A_58 = arith.constant 1 : i32
    scf.for %scan3A_60 = %scan3A_55 to %scan3A_57 step %scan3A_58  : i32 {
      %mul3A_61 = arith.constant 16 : i32
      %mul3A_62 = arith.muli %scan3A_60, %mul3A_61 : i32
      %get3A_63 = arith.index_cast %mul3A_62 : i32 to index
      %get3A_64 = tpu.vector_load %arg8[%get3A_63] {strides = array<i32>} : memref<32768xf32, #tpu.memory_space<vmem>>, vector<16xf32>,
      %mul3A_65 = arith.constant 16 : i32
      %mul3A_66 = arith.muli %scan3A_60, %mul3A_65 : i32
      %add3A_67 = arith.constant 2048 : i32
      %add3A_68 = arith.addi %add3A_67, %mul3A_66 : i32
      %get3A_69 = arith.index_cast %add3A_68 : i32 to index
      %get3A_70 = tpu.vector_load %arg8[%get3A_69] {strides = array<i32>} : memref<32768xf32, #tpu.memory_space<vmem>>, vector<16xf32>,
      %add3A_71 = arith.addf %get3A_64, %get3A_70 : vector<16xf32>
      %mul3A_72 = arith.constant 16 : i32
      %mul3A_73 = arith.muli %scan3A_60, %mul3A_72 : i32
      %add3A_74 = arith.constant 4096 : i32
      %add3A_75 = arith.addi %add3A_74, %mul3A_73 : i32
      %get3A_76 = arith.index_cast %add3A_75 : i32 to index
      %get3A_77 = tpu.vector_load %arg8[%get3A_76] {strides = array<i32>} : memref<32768xf32, #tpu.memory_space<vmem>>, vector<16xf32>,
      %add3A_78 = arith.addf %add3A_71, %get3A_77 : vector<16xf32>
      %mul3A_79 = arith.constant 16 : i32
      %mul3A_80 = arith.muli %scan3A_60, %mul3A_79 : i32
      %add3A_81 = arith.constant 6144 : i32
      %add3A_82 = arith.addi %add3A_81, %mul3A_80 : i32
      %get3A_83 = arith.index_cast %add3A_82 : i32 to index
      %get3A_84 = tpu.vector_load %arg8[%get3A_83] {strides = array<i32>} : memref<32768xf32, #tpu.memory_space<vmem>>, vector<16xf32>,
      %add3A_85 = arith.addf %add3A_78, %get3A_84 : vector<16xf32>
      %mul3A_86 = arith.constant 16 : i32
      %mul3A_87 = arith.muli %scan3A_60, %mul3A_86 : i32
      %add3A_88 = arith.constant 8192 : i32
      %add3A_89 = arith.addi %add3A_88, %mul3A_87 : i32
      %get3A_90 = arith.index_cast %add3A_89 : i32 to index
      %get3A_91 = tpu.vector_load %arg8[%get3A_90] {strides = array<i32>} : memref<32768xf32, #tpu.memory_space<vmem>>, vector<16xf32>,
      %add3A_92 = arith.addf %add3A_85, %get3A_91 : vector<16xf32>
      %mul3A_93 = arith.constant 16 : i32
      %mul3A_94 = arith.muli %scan3A_60, %mul3A_93 : i32
      %add3A_95 = arith.constant 10240 : i32
      %add3A_96 = arith.addi %add3A_95, %mul3A_94 : i32
      %get3A_97 = arith.index_cast %add3A_96 : i32 to index
      %get3A_98 = tpu.vector_load %arg8[%get3A_97] {strides = array<i32>} : memref<32768xf32, #tpu.memory_space<vmem>>, vector<16xf32>,
      %add3A_99 = arith.addf %add3A_92, %get3A_98 : vector<16xf32>
      %mul3A_100 = arith.constant 16 : i32
      %mul3A_101 = arith.muli %scan3A_60, %mul3A_100 : i32
      %add3A_102 = arith.constant 12288 : i32
      %add3A_103 = arith.addi %add3A_102, %mul3A_101 : i32
      %get3A_104 = arith.index_cast %add3A_103 : i32 to index
      %get3A_105 = tpu.vector_load %arg8[%get3A_104] {strides = array<i32>} : memref<32768xf32, #tpu.memory_space<vmem>>, vector<16xf32>,
      %add3A_106 = arith.addf %add3A_99, %get3A_105 : vector<16xf32>
      %mul3A_107 = arith.constant 16 : i32
      %mul3A_108 = arith.muli %scan3A_60, %mul3A_107 : i32
      %add3A_109 = arith.constant 14336 : i32
      %add3A_110 = arith.addi %add3A_109, %mul3A_108 : i32
      %get3A_111 = arith.index_cast %add3A_110 : i32 to index
      %get3A_112 = tpu.vector_load %arg8[%get3A_111] {strides = array<i32>} : memref<32768xf32, #tpu.memory_space<vmem>>, vector<16xf32>,
      %add3A_113 = arith.addf %add3A_106, %get3A_112 : vector<16xf32>
      %mul3A_114 = arith.constant 16 : i32
      %mul3A_115 = arith.muli %scan3A_60, %mul3A_114 : i32
      %add3A_116 = arith.constant 16384 : i32
      %add3A_117 = arith.addi %add3A_116, %mul3A_115 : i32
      %get3A_118 = arith.index_cast %add3A_117 : i32 to index
      %get3A_119 = tpu.vector_load %arg8[%get3A_118] {strides = array<i32>} : memref<32768xf32, #tpu.memory_space<vmem>>, vector<16xf32>,
      %add3A_120 = arith.addf %add3A_113, %get3A_119 : vector<16xf32>
      %mul3A_121 = arith.constant 16 : i32
      %mul3A_122 = arith.muli %scan3A_60, %mul3A_121 : i32
      %add3A_123 = arith.constant 18432 : i32
      %add3A_124 = arith.addi %add3A_123, %mul3A_122 : i32
      %get3A_125 = arith.index_cast %add3A_124 : i32 to index
      %get3A_126 = tpu.vector_load %arg8[%get3A_125] {strides = array<i32>} : memref<32768xf32, #tpu.memory_space<vmem>>, vector<16xf32>,
      %add3A_127 = arith.addf %add3A_120, %get3A_126 : vector<16xf32>
      %mul3A_128 = arith.constant 16 : i32
      %mul3A_129 = arith.muli %scan3A_60, %mul3A_128 : i32
      %add3A_130 = arith.constant 20480 : i32
      %add3A_131 = arith.addi %add3A_130, %mul3A_129 : i32
      %get3A_132 = arith.index_cast %add3A_131 : i32 to index
      %get3A_133 = tpu.vector_load %arg8[%get3A_132] {strides = array<i32>} : memref<32768xf32, #tpu.memory_space<vmem>>, vector<16xf32>,
      %add3A_134 = arith.addf %add3A_127, %get3A_133 : vector<16xf32>
      %mul3A_135 = arith.constant 16 : i32
      %mul3A_136 = arith.muli %scan3A_60, %mul3A_135 : i32
      %add3A_137 = arith.constant 22528 : i32
      %add3A_138 = arith.addi %add3A_137, %mul3A_136 : i32
      %get3A_139 = arith.index_cast %add3A_138 : i32 to index
      %get3A_140 = tpu.vector_load %arg8[%get3A_139] {strides = array<i32>} : memref<32768xf32, #tpu.memory_space<vmem>>, vector<16xf32>,
      %add3A_141 = arith.addf %add3A_134, %get3A_140 : vector<16xf32>
      %mul3A_142 = arith.constant 16 : i32
      %mul3A_143 = arith.muli %scan3A_60, %mul3A_142 : i32
      %add3A_144 = arith.constant 24576 : i32
      %add3A_145 = arith.addi %add3A_144, %mul3A_143 : i32
      %get3A_146 = arith.index_cast %add3A_145 : i32 to index
      %get3A_147 = tpu.vector_load %arg8[%get3A_146] {strides = array<i32>} : memref<32768xf32, #tpu.memory_space<vmem>>, vector<16xf32>,
      %add3A_148 = arith.addf %add3A_141, %get3A_147 : vector<16xf32>
      %mul3A_149 = arith.constant 16 : i32
      %mul3A_150 = arith.muli %scan3A_60, %mul3A_149 : i32
      %add3A_151 = arith.constant 26624 : i32
      %add3A_152 = arith.addi %add3A_151, %mul3A_150 : i32
      %get3A_153 = arith.index_cast %add3A_152 : i32 to index
      %get3A_154 = tpu.vector_load %arg8[%get3A_153] {strides = array<i32>} : memref<32768xf32, #tpu.memory_space<vmem>>, vector<16xf32>,
      %add3A_155 = arith.addf %add3A_148, %get3A_154 : vector<16xf32>
      %mul3A_156 = arith.constant 16 : i32
      %mul3A_157 = arith.muli %scan3A_60, %mul3A_156 : i32
      %add3A_158 = arith.constant 28672 : i32
      %add3A_159 = arith.addi %add3A_158, %mul3A_157 : i32
      %get3A_160 = arith.index_cast %add3A_159 : i32 to index
      %get3A_161 = tpu.vector_load %arg8[%get3A_160] {strides = array<i32>} : memref<32768xf32, #tpu.memory_space<vmem>>, vector<16xf32>,
      %add3A_162 = arith.addf %add3A_155, %get3A_161 : vector<16xf32>
      %mul3A_163 = arith.constant 16 : i32
      %mul3A_164 = arith.muli %scan3A_60, %mul3A_163 : i32
      %add3A_165 = arith.constant 30720 : i32
      %add3A_166 = arith.addi %add3A_165, %mul3A_164 : i32
      %get3A_167 = arith.index_cast %add3A_166 : i32 to index
      %get3A_168 = tpu.vector_load %arg8[%get3A_167] {strides = array<i32>} : memref<32768xf32, #tpu.memory_space<vmem>>, vector<16xf32>,
      %add3A_169 = arith.addf %add3A_162, %get3A_168 : vector<16xf32>
      %mul3A_170 = arith.constant 16 : i32
      %mul3A_171 = arith.muli %scan3A_60, %mul3A_170 : i32
      %swap3A = arith.index_cast %mul3A_171 : i32 to index
      %swap3A_172 = tpu.vector_load %arg9[%swap3A] {strides = array<i32>} : memref<2048xf32, #tpu.memory_space<vmem>>, vector<16xf32>,
      tpu.vector_store %arg9[%swap3A], %add3A_169 {strides = array<i32>} : memref<2048xf32, #tpu.memory_space<vmem>>, vector<16xf32>,
    }
    %scan3A_59 = arith.constant 128 : i32
    "tpu.region"() ({
      %run_scoped3A = tpu.sem_alloc : memref<!tpu.dma_semaphore, #tpu.memory_space<semaphore_mem>>
      %dma_start3A_60 = arith.constant 0 : i32
      %dma_start3A_61 = tpu.memref_slice %arg4[%add3A, %dma_start3A_60] : memref<32x2048xf32, #tpu.memory_space<hbm>> -> memref<1x2048xf32, #tpu.memory_space<hbm>>
      %dma_start3A_62 = tpu.memref_squeeze %dma_start3A_61 : memref<1x2048xf32, #tpu.memory_space<hbm>> -> memref<2048xf32, #tpu.memory_space<hbm>>
      %dma_start3A_63 = arith.constant 0 : i32
      %dma_start3A_64 = tpu.memref_slice %arg4[%add3A, %dma_start3A_63] : memref<32x2048xf32, #tpu.memory_space<hbm>> -> memref<1x2048xf32, #tpu.memory_space<hbm>>
      %dma_start3A_65 = tpu.memref_squeeze %dma_start3A_64 : memref<1x2048xf32, #tpu.memory_space<hbm>> -> memref<2048xf32, #tpu.memory_space<hbm>>
      tpu.enqueue_dma source(%arg9 : memref<2048xf32, #tpu.memory_space<vmem>>) target(%dma_start3A_65 : memref<2048xf32, #tpu.memory_space<hbm>>) target_semaphore(%run_scoped3A : memref<!tpu.dma_semaphore, #tpu.memory_space<semaphore_mem>>)
      %dma_wait3A_66 = arith.constant 0 : i32
      %dma_wait3A_67 = tpu.memref_slice %arg4[%add3A, %dma_wait3A_66] : memref<32x2048xf32, #tpu.memory_space<hbm>> -> memref<1x2048xf32, #tpu.memory_space<hbm>>
      %dma_wait3A_68 = tpu.memref_squeeze %dma_wait3A_67 : memref<1x2048xf32, #tpu.memory_space<hbm>> -> memref<2048xf32, #tpu.memory_space<hbm>>
      %dma_wait3A_69 = arith.constant 0 : i32
      %dma_wait3A_70 = tpu.memref_slice %arg4[%add3A, %dma_wait3A_69] : memref<32x2048xf32, #tpu.memory_space<hbm>> -> memref<1x2048xf32, #tpu.memory_space<hbm>>
      %dma_wait3A_71 = tpu.memref_squeeze %dma_wait3A_70 : memref<1x2048xf32, #tpu.memory_space<hbm>> -> memref<2048xf32, #tpu.memory_space<hbm>>
      tpu.wait_dma2 semaphore(%run_scoped3A : memref<!tpu.dma_semaphore, #tpu.memory_space<semaphore_mem>>) src(%arg9 : memref<2048xf32, #tpu.memory_space<vmem>>) dst(%dma_wait3A_71 : memref<2048xf32, #tpu.memory_space<hbm>>)
      tpu.yield
    }) : () -> ()
    return
  }
}

module attributes {stable_mosaic.version = 14 : i64} {
  func.func @_stats_kernel(%arg0: i32, %arg1: memref<512x1024xf32, #tpu.memory_space<vmem>>, %arg2: memref<512x1024xf32, #tpu.memory_space<vmem>>, %arg3: memref<1x2xf32, #tpu.memory_space<smem>>) attributes {dimension_semantics = [#tpu.dimension_semantics<arbitrary>], iteration_bounds = array<i64: 8>, scalar_prefetch = 0 : i64, scratch_operands = 0 : i64, tpu.core_type = #tpu.core_type<tc>, window_params = [{transform_indices = @transform_0, window_bounds = array<i64: 512, 1024>}, {transform_indices = @transform_1, window_bounds = array<i64: 512, 1024>}, {transform_indices = @transform_2, window_bounds = array<i64: 1, 2>}]} {
    %get3A = arith.constant 0 : index
    %get3A_0 = arith.constant 0 : index
    %get3A_1 = vector.load %arg1[%get3A, %get3A_0] : memref<512x1024xf32, #tpu.memory_space<vmem>>, vector<512x1024xf32>
    %get3A_2 = arith.constant 0 : index
    %get3A_3 = arith.constant 0 : index
    %get3A_4 = vector.load %arg2[%get3A_2, %get3A_3] : memref<512x1024xf32, #tpu.memory_space<vmem>>, vector<512x1024xf32>
    %log3A = math.log %get3A_1 : vector<512x1024xf32>
    %max3A = arith.constant -1.000000e+02 : f32
    %max3A_5 = vector.broadcast %max3A : f32 to vector<512x1024xf32>
    %max3A_6 = arith.maximumf %log3A, %max3A_5 : vector<512x1024xf32>
    %sub3A = arith.constant 1.000000e+00 : f32
    %sub3A_7 = vector.broadcast %sub3A : f32 to vector<512x1024xf32>
    %sub3A_8 = arith.subf %sub3A_7, %get3A_1 : vector<512x1024xf32>
    %log3A_9 = math.log %sub3A_8 : vector<512x1024xf32>
    %max3A_10 = arith.constant -1.000000e+02 : f32
    %max3A_11 = vector.broadcast %max3A_10 : f32 to vector<512x1024xf32>
    %max3A_12 = arith.maximumf %log3A_9, %max3A_11 : vector<512x1024xf32>
    %mul3A = arith.mulf %get3A_4, %max3A_6 : vector<512x1024xf32>
    %sub3A_13 = arith.constant 1.000000e+00 : f32
    %sub3A_14 = vector.broadcast %sub3A_13 : f32 to vector<512x1024xf32>
    %sub3A_15 = arith.subf %sub3A_14, %get3A_4 : vector<512x1024xf32>
    %mul3A_16 = arith.mulf %sub3A_15, %max3A_12 : vector<512x1024xf32>
    %add3A = arith.addf %mul3A, %mul3A_16 : vector<512x1024xf32>
    %neg3A = arith.constant 0.000000e+00 : f32
    %neg3A_17 = vector.broadcast %neg3A : f32 to vector<512x1024xf32>
    %neg3A_18 = arith.subf %neg3A_17, %add3A : vector<512x1024xf32>
    %gt3A = arith.constant 0.356674939 : f32
    %gt3A_19 = vector.broadcast %gt3A : f32 to vector<512x1024xf32>
    %gt3A_20 = arith.cmpf ogt, %neg3A_18, %gt3A_19 : vector<512x1024xf32>
    %jit3A = arith.constant 0.000000e+00 : f32
    %broadcast_in_dim3A = vector.broadcast %jit3A : f32 to vector<512x1024xf32>
    %select_n3A = arith.select %gt3A_20, %neg3A_18, %broadcast_in_dim3A : vector<512x1024xi1>, vector<512x1024xf32>
    %reduce_sum3A = vector.shape_cast %select_n3A : vector<512x1024xf32> to vector<1x512x1024xf32>
    %reduce_sum3A_21 = arith.constant dense<0.000000e+00> : vector<1xf32>
    %reduce_sum3A_22 = vector.multi_reduction <add>, %reduce_sum3A, %reduce_sum3A_21 [1, 2] : vector<1x512x1024xf32> to vector<1xf32>
    %reduce_sum3A_23 = vector.shape_cast %reduce_sum3A_22 : vector<1xf32> to vector<1x1x1xf32>
    %reduce_sum3A_24 = vector.extract %reduce_sum3A_23[0, 0, 0] : f32 from vector<1x1x1xf32>
    %convert_element_type3A = arith.extui %gt3A_20 : vector<512x1024xi1> to vector<512x1024xi32>
    %convert_element_type3A_25 = arith.sitofp %convert_element_type3A : vector<512x1024xi32> to vector<512x1024xf32>
    %reduce_sum3A_26 = vector.shape_cast %convert_element_type3A_25 : vector<512x1024xf32> to vector<1x512x1024xf32>
    %reduce_sum3A_27 = arith.constant dense<0.000000e+00> : vector<1xf32>
    %reduce_sum3A_28 = vector.multi_reduction <add>, %reduce_sum3A_26, %reduce_sum3A_27 [1, 2] : vector<1x512x1024xf32> to vector<1xf32>
    %reduce_sum3A_29 = vector.shape_cast %reduce_sum3A_28 : vector<1xf32> to vector<1x1x1xf32>
    %reduce_sum3A_30 = vector.extract %reduce_sum3A_29[0, 0, 0] : f32 from vector<1x1x1xf32>
    %eq3A = arith.constant 0 : i32
    %eq3A_31 = arith.cmpi eq, %arg0, %eq3A : i32
    %convert_element_type3A_32 = arith.extui %eq3A_31 : i1 to i32
    %cond3A = arith.constant 0 : i32
    %cond3A_33 = arith.cmpi ne, %convert_element_type3A_32, %cond3A : i32
    scf.if %cond3A_33 {
      %swap3A = arith.constant 0 : index
      %swap3A_38 = arith.constant 0 : index
      %swap3A_39 = memref.load %arg3[%swap3A, %swap3A_38] : memref<1x2xf32, #tpu.memory_space<smem>>
      memref.store %reduce_sum3A_24, %arg3[%swap3A, %swap3A_38] : memref<1x2xf32, #tpu.memory_space<smem>>
      %swap3A_40 = arith.constant 0 : index
      %swap3A_41 = arith.constant 1 : index
      %swap3A_42 = memref.load %arg3[%swap3A_40, %swap3A_41] : memref<1x2xf32, #tpu.memory_space<smem>>
      memref.store %reduce_sum3A_30, %arg3[%swap3A_40, %swap3A_41] : memref<1x2xf32, #tpu.memory_space<smem>>
    } else {
    }
    %ne3A = arith.constant 0 : i32
    %ne3A_34 = arith.cmpi ne, %arg0, %ne3A : i32
    %convert_element_type3A_35 = arith.extui %ne3A_34 : i1 to i32
    %cond3A_36 = arith.constant 0 : i32
    %cond3A_37 = arith.cmpi ne, %convert_element_type3A_35, %cond3A_36 : i32
    scf.if %cond3A_37 {
      %get3A_38 = arith.constant 0 : index
      %get3A_39 = arith.constant 0 : index
      %get3A_40 = memref.load %arg3[%get3A_38, %get3A_39] : memref<1x2xf32, #tpu.memory_space<smem>>
      %add3A_41 = arith.addf %get3A_40, %reduce_sum3A_24 : f32
      %swap3A = arith.constant 0 : index
      %swap3A_42 = arith.constant 0 : index
      %swap3A_43 = memref.load %arg3[%swap3A, %swap3A_42] : memref<1x2xf32, #tpu.memory_space<smem>>
      memref.store %add3A_41, %arg3[%swap3A, %swap3A_42] : memref<1x2xf32, #tpu.memory_space<smem>>
      %get3A_44 = arith.constant 0 : index
      %get3A_45 = arith.constant 1 : index
      %get3A_46 = memref.load %arg3[%get3A_44, %get3A_45] : memref<1x2xf32, #tpu.memory_space<smem>>
      %add3A_47 = arith.addf %get3A_46, %reduce_sum3A_30 : f32
      %swap3A_48 = arith.constant 0 : index
      %swap3A_49 = arith.constant 1 : index
      %swap3A_50 = memref.load %arg3[%swap3A_48, %swap3A_49] : memref<1x2xf32, #tpu.memory_space<smem>>
      memref.store %add3A_47, %arg3[%swap3A_48, %swap3A_49] : memref<1x2xf32, #tpu.memory_space<smem>>
    } else {
    }
    return
  }
  func.func @transform_0(%arg0: i32) -> (i32, i32) {
    %c0_i32 = arith.constant 0 : i32
    %c0_i32_0 = arith.constant 0 : i32
    return %arg0, %c0_i32 : i32, i32
  }
  func.func @transform_1(%arg0: i32) -> (i32, i32) {
    %c0_i32 = arith.constant 0 : i32
    %c0_i32_0 = arith.constant 0 : i32
    return %arg0, %c0_i32 : i32, i32
  }
  func.func @transform_2(%arg0: i32) -> (i32, i32) {
    %c0_i32 = arith.constant 0 : i32
    %c0_i32_0 = arith.constant 0 : i32
    %c0_i32_1 = arith.constant 0 : i32
    return %c0_i32, %c0_i32_0 : i32, i32
  }
}

module attributes {stable_mosaic.version = 14 : i64} {
  func.func @_loss_kernel(%arg0: i32, %arg1: memref<512x1024xf32, #tpu.memory_space<vmem>>, %arg2: memref<512x1024xf32, #tpu.memory_space<vmem>>, %arg3: memref<512x1024xf32, #tpu.memory_space<vmem>>) attributes {dimension_semantics = [#tpu.dimension_semantics<arbitrary>], iteration_bounds = array<i64: 8>, scalar_prefetch = 0 : i64, scratch_operands = 0 : i64, tpu.core_type = #tpu.core_type<tc>, window_params = [{transform_indices = @transform_0, window_bounds = array<i64: 512, 1024>}, {transform_indices = @transform_1, window_bounds = array<i64: 512, 1024>}, {transform_indices = @transform_2, window_bounds = array<i64: 512, 1024>}]} {
    %get3A = arith.constant 0 : index
    %get3A_0 = arith.constant 0 : index
    %get3A_1 = vector.load %arg1[%get3A, %get3A_0] : memref<512x1024xf32, #tpu.memory_space<vmem>>, vector<512x1024xf32>
    %get3A_2 = arith.constant 0 : index
    %get3A_3 = arith.constant 0 : index
    %get3A_4 = vector.load %arg2[%get3A_2, %get3A_3] : memref<512x1024xf32, #tpu.memory_space<vmem>>, vector<512x1024xf32>
    %log3A = math.log %get3A_1 : vector<512x1024xf32>
    %max3A = arith.constant -1.000000e+02 : f32
    %max3A_5 = vector.broadcast %max3A : f32 to vector<512x1024xf32>
    %max3A_6 = arith.maximumf %log3A, %max3A_5 : vector<512x1024xf32>
    %sub3A = arith.constant 1.000000e+00 : f32
    %sub3A_7 = vector.broadcast %sub3A : f32 to vector<512x1024xf32>
    %sub3A_8 = arith.subf %sub3A_7, %get3A_1 : vector<512x1024xf32>
    %log3A_9 = math.log %sub3A_8 : vector<512x1024xf32>
    %max3A_10 = arith.constant -1.000000e+02 : f32
    %max3A_11 = vector.broadcast %max3A_10 : f32 to vector<512x1024xf32>
    %max3A_12 = arith.maximumf %log3A_9, %max3A_11 : vector<512x1024xf32>
    %mul3A = arith.mulf %get3A_4, %max3A_6 : vector<512x1024xf32>
    %sub3A_13 = arith.constant 1.000000e+00 : f32
    %sub3A_14 = vector.broadcast %sub3A_13 : f32 to vector<512x1024xf32>
    %sub3A_15 = arith.subf %sub3A_14, %get3A_4 : vector<512x1024xf32>
    %mul3A_16 = arith.mulf %sub3A_15, %max3A_12 : vector<512x1024xf32>
    %add3A = arith.addf %mul3A, %mul3A_16 : vector<512x1024xf32>
    %neg3A = arith.constant 0.000000e+00 : f32
    %neg3A_17 = vector.broadcast %neg3A : f32 to vector<512x1024xf32>
    %neg3A_18 = arith.subf %neg3A_17, %add3A : vector<512x1024xf32>
    %swap3A = arith.constant 0 : index
    %swap3A_19 = arith.constant 0 : index
    %swap3A_20 = vector.load %arg3[%swap3A, %swap3A_19] : memref<512x1024xf32, #tpu.memory_space<vmem>>, vector<512x1024xf32>
    tpu.vector_store %arg3[%swap3A, %swap3A_19], %neg3A_18 {strides = array<i32>} : memref<512x1024xf32, #tpu.memory_space<vmem>>, vector<512x1024xf32>,
    return
  }
  func.func @transform_0(%arg0: i32) -> (i32, i32) {
    %c0_i32 = arith.constant 0 : i32
    %c0_i32_0 = arith.constant 0 : i32
    return %arg0, %c0_i32 : i32, i32
  }
  func.func @transform_1(%arg0: i32) -> (i32, i32) {
    %c0_i32 = arith.constant 0 : i32
    %c0_i32_0 = arith.constant 0 : i32
    return %arg0, %c0_i32 : i32, i32
  }
  func.func @transform_2(%arg0: i32) -> (i32, i32) {
    %c0_i32 = arith.constant 0 : i32
    %c0_i32_0 = arith.constant 0 : i32
    return %arg0, %c0_i32 : i32, i32
  }
}

</mosaic_0001>

<sc_bundles>
// kernel: branch_0_fun.12.cloned.1.call-start
scs
__scs_entry_jumppad:
0x0: {  	(pc) =	sbr.rel $0x88, $3  }
0x1: {  	(tag) =	ssettag $0x0;
	lr =	simm.s32 $0x1  }
0x2: {  	[smem:$0x3F9F] =	sst lr;
	_ =	strace $0xD0000000  }
0x3: {  	_ = 	snop  }
0x4: {  	_ = 	snop  }
0x5: {  	_ = 	snop  }
0x6: {  	_ = 	snop  }
0x7: {  	_ = 	snop  }
__scs_overlays_trampoline_lowered:
0x8: {  	[smem:$0x3FAE] =	sst s0  }
0x9: {  	[smem:$0x3FAF] =	sst s1  }
0xa: {  	[smem:$0x3FB0] =	sst s2  }
0xb: {  	[smem:$0x3FB1] =	sst s3  }
0xc: {  	[smem:$0x3FB2] =	sst s4  }
0xd: {  	[smem:$0x3FB3] =	sst s5  }
0xe: {  	[smem:$0x3FB4] =	sst s6  }
0xf: {  	[smem:$0x3FB5] =	sst s7  }
0x10: {  	[smem:$0x3FB6] =	sst s8  }
0x11: {  	[smem:$0x3FB7] =	sst s9;
	s0 =	simm.s32 @!p0 $0x0  }
0x12: {  	s1 =	sld [smem:$0x3F9D];
	s0 =	simm.s32 @p0 $0x1  }
0x13: {  	[smem:$0x3FB8] =	sst s0;
	s0 =	simm.s32 @!p1 $0x0  }
0x14: {  	s2 =	sld [smem:$0x3F9C];
	s0 =	simm.s32 @p1 $0x1  }
0x15: {  	[smem:$0x3FB9] =	sst s0;
	s0 =	simm.s32 @!p2 $0x0  }
0x16: {  	s3 =	sld [smem:$0x3FDB];
	s0 =	simm.s32 @p2 $0x1  }
0x17: {  	s4 =	simm.s32 $0x1BF5;
	[smem:$0x3FBB] =	sst s0  }
0x18: {  	s0 =	sld [smem:$0x3F9E];
	_ =	swait.ge [sflag:s4], $0x0  }
0x19: {  	s7 =	sld [smem:$0x3F9F]  }
0x1a: {  	s8 =	sadd.s32 $0xFFFFE003, lr  }
0x1b: {  	s9 =	sadd.s32 $0xFFFFFEF7, lr;
	s5 =	simm.s32 $0xFFFFFFFF;
	p2 =	slt.u32 s8, $0xFFFFF086  }
0x1c: {  	p1 =	slt.u32 s9, $0xF7A;
	s5 =	simm.s32 @!p2 $0x0  }
0x1d: {  	s5 =	simm.s32 @p1 $0x1;
	p0 =	seq.s32 s7, s2  }
0x1e: {  	s7 =	smul.u32 @!p0 $0xF7A, s2;
	p2 =	seq.s32 @!p0 s5, $0x0  }
0x1f: {  	s9 =	smul.u32 $0xF7A, s1;
	s8 =	simm.s32 @!p0 $0x1BF5;
	p2 =	por !p2, p0  }
0x20: {  	[sflag:s8] =	ssyncset.s32 @!p0 $0xFFFFF086;
	s6 =	sadd.s32 @!p0 s3, s7;
	s7 =	simm.s32 @!p0 $0x108  }
0x21: {  	s3 =	sadd.s32 s3, s9;
	s6 =	sadd.s32 @!p0 $0x88, s6;
	s7 =	simm.s32 @p2 $0x1082  }
0x22: {  	[simem:s7], [sflag:s8] =	dma.local @!p0 [hbm:s6], $0xF7A  }
0x23: {  	s9 =	sor.u32 $0xD0000000, s2;
	s6 =	simm.s32 $0x108;
	_ =	swait.ge @!p0 [sflag:s8], $0x0  }
0x24: {  	s3 =	sadd.s32 $0x88, s3;
	s6 =	simm.s32 @!p1 $0x1082;
	[sflag:s4] =	ssyncset.s32 $0xFFFFF086  }
0x25: {  	[simem:s6], [sflag:s4] =	dma.local [hbm:s3], $0xF7A  }
0x26: {  	[smem:$0x3F9F] =	sst s1;
	(tag) =	ssettag s2;
	_ =	strace s9  }
0x27: {  	s1 =	sld [smem:$0x3FAF]  }
0x28: {  	s2 =	sld [smem:$0x3FB0]  }
0x29: {  	s4 =	sld [smem:$0x3FB2]  }
0x2a: {  	p0 =	seq.s32 s5, $0x0;
	s5 =	sld [smem:$0x3FB3]  }
0x2b: {  	s6 =	sld [smem:$0x3FB4]  }
0x2c: {  	s7 =	sld [smem:$0x3FB5]  }
0x2d: {  	s3 =	simm.s32 $0x108;
	s8 =	sld [smem:$0x3FB6]  }
0x2e: {  	s3 =	simm.s32 @!p0 $0x1082;
	s9 =	sld [smem:$0x3FB7]  }
0x2f: {  	lr =	sadd.s32 s0, s3;
	s0 =	sld [smem:$0x3FAE]  }
0x30: {  	s3 =	sld [smem:$0x3FB1]  }
0x31: {  	[smem:$0x3FBA] =	sst s10  }
0x32: {  	s10 =	sld [smem:$0x3FB8];
	_ =	sdelay $0x3  }
0x33: {  	p0 =	seq.s32 s10, $0x1;
	s10 =	sld [smem:$0x3FBA];
	_ =	sdelay $0x3  }
0x34: {  	[smem:$0x3FBA] =	sst s10  }
0x35: {  	s10 =	sld [smem:$0x3FB9];
	_ =	sdelay $0x3  }
0x36: {  	p1 =	seq.s32 s10, $0x1;
	s10 =	sld [smem:$0x3FBA];
	_ =	sdelay $0x3  }
0x37: {  	[smem:$0x3FBA] =	sst s10  }
0x38: {  	s10 =	sld [smem:$0x3FBB]  }
0x39: {  	_ = 	snop;
	(pc) =	sbr.ind lr, $3  }
0x3a: {  	_ = 	snop  }
0x3b: {  	_ = 	snop  }
0x3c: {  	p2 =	seq.s32 s10, $0x1;
	s10 =	sld [smem:$0x3FBA]  }
0x3d: {  	_ =	shalt  }
0x3e: {  	_ =	shalt  }
0x3f: {  	_ =	shalt  }
0x40: {  	_ =	shalt  }
0x41: {  	_ =	shalt  }
0x42: {  	_ =	shalt  }
0x43: {  	_ =	shalt  }
0x44: {  	_ =	shalt  }
0x45: {  	_ =	shalt  }
0x46: {  	_ =	shalt  }
0x47: {  	_ =	shalt  }
0x48: {  	_ =	shalt  }
0x49: {  	_ =	shalt  }
0x4a: {  	_ =	shalt  }
0x4b: {  	_ =	shalt  }
0x4c: {  	_ =	shalt  }
0x4d: {  	_ =	shalt  }
0x4e: {  	_ =	shalt  }
0x4f: {  	_ =	shalt  }
0x50: {  	_ =	shalt  }
0x51: {  	_ =	shalt  }
0x52: {  	_ =	shalt  }
0x53: {  	_ =	shalt  }
0x54: {  	_ =	shalt  }
0x55: {  	_ =	shalt  }
0x56: {  	_ =	shalt  }
0x57: {  	_ =	shalt  }
0x58: {  	_ =	shalt  }
0x59: {  	_ =	shalt  }
0x5a: {  	_ =	shalt  }
0x5b: {  	_ =	shalt  }
0x5c: {  	_ =	shalt  }
0x5d: {  	_ =	shalt  }
0x5e: {  	_ =	shalt  }
0x5f: {  	_ =	shalt  }
0x60: {  	_ =	shalt  }
0x61: {  	_ =	shalt  }
0x62: {  	_ =	shalt  }
0x63: {  	_ =	shalt  }
0x64: {  	_ =	shalt  }
0x65: {  	_ =	shalt  }
0x66: {  	_ =	shalt  }
0x67: {  	_ =	shalt  }
0x68: {  	_ =	shalt  }
0x69: {  	_ =	shalt  }
0x6a: {  	_ =	shalt  }
0x6b: {  	_ =	shalt  }
0x6c: {  	_ =	shalt  }
0x6d: {  	_ =	shalt  }
0x6e: {  	_ =	shalt  }
0x6f: {  	_ =	shalt  }
0x70: {  	_ =	shalt  }
0x71: {  	_ =	shalt  }
0x72: {  	_ =	shalt  }
0x73: {  	_ =	shalt  }
0x74: {  	_ =	shalt  }
0x75: {  	_ =	shalt  }
0x76: {  	_ =	shalt  }
0x77: {  	_ =	shalt  }
0x78: {  	_ =	shalt  }
0x79: {  	_ =	shalt  }
0x7a: {  	_ =	shalt  }
0x7b: {  	_ =	shalt  }
0x7c: {  	_ =	shalt  }
0x7d: {  	_ =	shalt  }
0x7e: {  	_ =	shalt  }
0x7f: {  	_ =	shalt  }
0x80: {  	_ =	shalt  }
0x81: {  	_ =	shalt  }
0x82: {  	_ =	shalt  }
0x83: {  	_ =	shalt  }
0x84: {  	_ =	shalt  }
0x85: {  	_ =	shalt  }
0x86: {  	_ =	shalt  }
0x87: {  	_ =	shalt  }
.Lfunc_end0:
.L_simem_size_0:
called_computation.2_lowered:
.L_overlay_start_0:
0x88: {  	s2 =	sld [smem:$0x3FD9]  }
0x89: {  	s3 =	sld [smem:$0x3FFE];
	_ =	sdelay $0x1  }
0x8a: {  	s1 =	srdreg.scid  }
0x8b: {  	s0 =	sand.u32 $0x1, s1  }
0x8c: {  	s17 =	sshll.u32 s0, $0xA;
	s2 =	sadd.s32 s3, s2  }
0x8d: {  	s2 =	sadd.s32 s2, s17  }
0x8e: {  	[smem:$0x3FC6] =	sst s2  }
0x8f: {  	_ = 	snop  }
0x90: {  	s2 =	sld [smem:$0x3FD0];
	(tm) =	ssettm $0x1  }
0x91: {  	s18 =	sld [smem:$0x3FFB];
	_ =	sdelay $0x3  }
0x92: {  	_ =	strace s18  }
0x93: {  	s3 =	sld [smem:$0x3FFC];
	_ =	sdelay $0x3  }
0x94: {  	_ =	strace s3  }
0x95: {  	s3 =	sld [smem:$0x3FFD];
	_ =	sdelay $0x3  }
0x96: {  	_ =	strace s3  }
0x97: {  	_ =	strace $0x8FFFFFFF  }
0x98: {  	s19 =	sld [smem:$0x3FDB];
	_ =	sdelay $0x1  }
0x99: {  	s4 =	simm.s32 $_scs_section_size  }
0x9a: {  	s5 =	simm.s32 $_size__tile_overlayer_lowered;
	s6 =	simm.s32 $_tile_overlayer_lowered  }
0x9b: {  	s22 =	simm.s32 $0x1BFF;
	s21 =	sshll.u32 s6, $0x1;
	s3 =	sadd.s32 s4, s19  }
0x9c: {  	s7 =	simm.s32 $0x0;
	s20 =	sshll.u32 s5, $0x1;
	s5 =	sadd.s32 s21, s3  }
0x9d: {  	[timem:s7], [sflag:s22] =	dma.local [hbm:s5], s20  }
0x9e: {  	_ =	swait.ge [sflag:s22], s20  }
0x9f: {  	s4 =	ssub.s32 $0x0, s20;
	[sflag:s22] =	ssyncset.done $0x0  }
0xa0: {  	[sflag:s22] =	ssyncadd.s32 s4;
	_ =	sdelay $0x1  }
0xa1: {  	s23 =	simm.s32 $0x1B8B  }
0xa2: {  	_ =	swait.ge [sflag:s23], $0x1  }
0xa3: {  	[sflag:s23] =	ssyncset.done $0x0  }
0xa4: {  	s25 =	simm.s32 $0x1B8E;
	s24 =	sld [smem:$0x3FFE];
	[sflag:s23] =	ssyncadd.s32 $0xFFFFFFFF  }
0xa5: {  	s26 =	simm.s32 $execute0_lowered;
	[smem:$0x3FD2] =	sst s25  }
0xa6: {  	s5 =	sshll.u32 s26, $0x1;
	_ =	strace $0x8000004C;
	[dreg:$0x1] =	wrdreg $0xFFFFFFFF  }
0xa7: {  	s28 =	simm.s32 $_size_execute0_lowered;
	s3 =	sadd.s32 s3, s5;
	[dreg:$0x0] =	wrdreg $0x0  }
0xa8: {  	s5 =	sshll.u32 s28, $0x1;
	[dreg:$0x2] =	wrdreg s3  }
0xa9: {  	[dreg:$0x3] =	wrdreg s5  }
0xaa: {  	[dreg:$0x4] =	wrdreg $0xC0  }
0xab: {  	_ =	task [dreg:s7], $0x5FFFF  }
0xac: {  	[dreg:$0x1] =	wrdreg $0xFFFFFFFF  }
0xad: {  	[dreg:$0x0] =	wrdreg $0x60  }
0xae: {  	[dreg:$0x2] =	wrdreg s24  }
0xaf: {  	[dreg:$0x3] =	wrdreg s2  }
0xb0: {  	[dreg:$0x4] =	wrdreg $0x9  }
0xb1: {  	_ =	task.clear_ibuf [dreg:s7], $0x5FFFF;
	_ =	strace $0x9000004C  }
0xb2: {  	s29 =	simm.s32 $0x9;
	_ =	strace $0x8000004E  }
0xb3: {  	_ =	swait.ge [sflag:s29], $0x1  }
0xb4: {  	[sflag:s29] =	ssyncadd.s32 $0xFFFFFFFF  }
0xb5: {  	_ =	strace $0x9000004E  }
0xb6: {  	_ =	sfence  }
0xb7: {  	s30 =	sld [smem:$0x0];
	_ =	sdelay $0x2  }
0xb8: {  	s31 =	sshll.u32 s1, $0xD;
	s1 =	sshrl.u32 s1, $0x2  }
0xb9: {  	s3 =	sand.u32 $0x4000, s31;
	s1 =	sadd.s32 s1, s30  }
0xba: {  	s0 =	sor.u32 s3, s0;
	s1 =	sshll.u32 s1, $0x11  }
0xbb: {  	s0 =	sor.u32 s1, s0  }
0xbc: {  	s0 =	sadd.s32 $0x8F2B, s0  }
0xbd: {  	[sflag:s0] =	ssyncadd.remote.s32 $0x1  }
0xbe: {  	_ =	sfence.sel $0xFFFF  }
0xbf: {  	[dreg:$0x0] =	wrdreg $0xFFFFFFFF;
	(pc) =	sbr.abs _section_cstart, $3  }
0xc0: {  	[dreg:$0x1] =	wrdreg $0xFFFFFFFF  }
0xc1: {  	_ =	task.clear_ibuf [dreg:s7], $0x2FFFF;
	_ =	strace $0x9FFFFFFF  }
0xc2: {  	(tm) =	ssettm $0x7FFFFFFF  }
0xc3: {  	_ =	shalt  }
tec
execute0_lowered:
.L_overlay_start_1:
0x0: {  	(tag) =	ssettag $0x1  }
0x1: {  	s4 =	rddreg [dreg:$0x0]  }
0x2: {  	s1 =	srdreg.scid;
	s0 =	stileid.u32  }
0x3: {  	s2 =	rddreg [dreg:$0x1];
	s3 =	simm.s32 $0x0;
	s13 =	simm.s32 $0x1  }
0x4: {  	s14 =	simm.s32 $0x8000;
	s15 =	simm.s32 $0x10080;
	s16 =	simm.s32 $0x2  }
0x5: {  	s17 =	simm.s32 $0x80;
	s18 =	simm.s32 $0x400;
	s19 =	simm.s32 $0x14080  }
0x6: {  	s20 =	simm.s32 $0x14480;
	s5 =	sand.u32 $0x1, s1;
	s1 =	rddreg [dreg:$0x2]  }
0x7: {  	s21 =	simm.s32 $0x0;
	s6 =	sshll.u32 s0, $0x1;
	[smem:$0x7FF] =	sst s3  }
0x8: {  	s7 =	sshrl.u32 s0, $0x2;
	s6 =	sor.u32 s5, s6;
	_ =	strace $0x8000004D  }
0x9: {  	s9 =	sshll.u32 s7, $0xD;
	s7 =	sshll.u32 s7, $0xA;
	s30 =	ssub.s32 $0x2, s5  }
0xa: {  	s8 =	sshll.u32 s6, $0x7;
	s6 =	sshll.u32 s6, $0xE;
	s12 =	sshrl.u32 s30, $0x1  }
0xb: {  	s8 =	sand.u32 $0x380, s8;
	s10 =	sadd.s32 s6, s4;
	s31 =	ssub.s32 s30, s12  }
0xc: {  	s12 =	simm.s32 $0x3;
	s9 =	sor.u32 s9, s8;
	s7 =	sor.u32 s7, s8  }
0xd: {  	s5 =	sadd.s32 $0x81400, s10;
	s6 =	sadd.s32 $0x82400, s10;
	s26 =	sshrl.u32 s9, $0x3  }
0xe: {  	v1 =	vlaneseq.u32;
	s29 =	sshrl.u32 s7, $0x3;
	s7 =	sadd.s32 $0x83400, s10;
	s28 =	sadd.s32 s26, s4  }
0xf: {  	v1 =	vmul.u32 $0x400, v1;
	s11 =	sadd.s32 s29, s4;
	s4 =	sadd.s32 $0x80400, s10;
	s8 =	sadd.s32 $0x100400, s28  }
0x10: {  	v0 =	vimm.f32 $0.0e+00;
	v2 =	vimm.f32 $1.000000000e+00;
	s10 =	smax.u32 s31, $0x1;
	s9 =	sadd.s32 $0x101400, s11;
	s11 =	simm.s32 $0x10000  }
.LBB2_1:
0x11: {  	[tilespmem:s3], [sflag:$0x1] =	stream.linear.gather [hbm4b:s4+s3], $0x8000, $0x38;
	[tilespmem:$0x14500] =	vst v63  }
0x12: {  	_ = 	snop  }
0x13: {  	[tilespmem:s11], [sflag:$0x3] =	stream.linear.gather [hbm4b:s2+s3], $0x80, $0x38;
	[tilespmem:$0x14500] =	vst v63  }
0x14: {  	_ =	swait.ge [sflag:s12], $0x80  }
0x15: {  	[sflag:s12] =	ssyncset.done $0x0  }
0x16: {  	[sflag:s12] =	ssyncadd.s32 $0xFFFFFF80  }
0x17: {  	v3 =	vld [tilespmem:$0x10010];
	_ =	sdelay $0x1  }
0x18: {  	v4 =	vld [tilespmem:$0x10000]  }
0x19: {  	v5 =	vld [tilespmem:$0x10020]  }
0x1a: {  	s22 =	simm.s32 $0x0;
	s23 =	simm.s32 $0x200;
	v6 =	vld [tilespmem:$0x10030]  }
.LBB2_2:
0x1b: {  	p0 =	sne.s32 s23, $0xFE00;
	[tilespmem:s22+$0x100F0] =	vst v0  }
0x1c: {  	[tilespmem:s22+$0x10080] =	vst v0  }
0x1d: {  	[tilespmem:s22+$0x10090] =	vst v0  }
.Ltmp0:
0x1e: {  	[tilespmem:s22+$0x100A0] =	vst v0;
	(pc) =	sbr.rel @p0 .LBB2_2-.Ltmp0, $4  }
0x1f: {  	[tilespmem:s22+$0x100B0] =	vst v0  }
0x20: {  	[tilespmem:s22+$0x100C0] =	vst v0  }
0x21: {  	[tilespmem:s22+$0x100D0] =	vst v0  }
0x22: {  	[tilespmem:s22+$0x100E0] =	vst v0;
	s22 =	sshra.s32 s23, $0x2;
	s23 =	sadd.s32 $0x200, s23  }
0x23: {  	[tilespmem:s22+$0x100F0] =	vst v0  }
0x24: {  	[tilespmem:s22+$0x10080] =	vst v0  }
0x25: {  	[tilespmem:s22+$0x10090] =	vst v0  }
0x26: {  	[tilespmem:s22+$0x100A0] =	vst v0  }
0x27: {  	[tilespmem:s22+$0x100B0] =	vst v0  }
0x28: {  	[tilespmem:s22+$0x100C0] =	vst v0  }
0x29: {  	[tilespmem:s22+$0x100D0] =	vst v0  }
0x2a: {  	[tilespmem:s22+$0x100E0] =	vst v0  }
0x2b: {  	_ =	swait.ge [sflag:s13], $0x8000  }
0x2c: {  	[sflag:s13] =	ssyncset.done $0x0  }
0x2d: {  	s31 =	simm.s32 $0x20;
	[sflag:s13] =	ssyncadd.s32 $0xFFFF8000  }
0x2e: {  	[tilespmem:s14], [sflag:$0x2] =	stream.linear.gather [hbm4b:s5+s3], $0x8000, $0x38;
	[tilespmem:$0x14500] =	vst v63  }
0x2f: {  	v9 =	vld [tilespmem:s31+$0x10]  }
0x30: {  	v7 =	vld [tilespmem:s31+$0xFFFFFFF0]  }
0x31: {  	v8 =	vld [tilespmem:s31+$0x0]  }
0x32: {  	v10 =	vld [tilespmem:s31+$0xFFFFFFE0];
	_ =	sdelay $0x1  }
0x33: {  	v11 =	vsub.f32 v9, v4  }
0x34: {  	vm1 =	vge.f32 v7, v4;
	vm2 =	vlt.f32 v7, v3;
	v7 =	vsub.f32 v7, v4  }
0x35: {  	vm3 =	vge.f32 v8, v4;
	v12 =	vsub.f32 v8, v4;
	v11 =	vmul.f32 v11, v5  }
0x36: {  	vm0 =	vge.f32 v10, v4;
	v13 =	vsub.f32 v10, v4;
	vm4 =	vlt.f32 v10, v3  }
0x37: {  	vm5 =	vlt.f32 v8, v3;
	v10 =	vmul.f32 v12, v5;
	v11 =	vmul.f32 v11, v6  }
0x38: {  	vm0 =	vmand vm0, vm4;
	v7 =	vmul.f32 v7, v5;
	v63 =	vmul.f32 v13, v5  }
0x39: {  	vm1 =	vmand vm1, vm2;
	v8 =	vmul.f32 v10, v6;
	v10 =	vtrunc.f32 v11  }
0x3a: {  	vm2 =	vmand vm3, vm5;
	v7 =	vmul.f32 v7, v6;
	v10 =	vcvt.f32.s32 v10  }
0x3b: {  	vm4 =	vge.f32 v9, v4;
	vm5 =	vlt.f32 v9, v3;
	v11 =	vmul.f32 v63, v6  }
0x3c: {  	v7 =	vtrunc.f32 v7;
	v8 =	vtrunc.f32 v8;
	vm3 =	vgt.s32 v10, $0x0  }
0x3d: {  	v7 =	vcvt.f32.s32 v7;
	v11 =	vtrunc.f32 v11;
	v10 =	vnsel vm3, $0x0, v10  }
0x3e: {  	s22 =	simm.s32 $0x0;
	s23 =	simm.s32 $0x60;
	v9 =	vcvt.f32.s32 v11;
	vm3 =	vmand vm4, vm5;
	v10 =	vmin.u32 v10, $0x3FF  }
.LBB2_4:
0x3f: {  	v11 =	vld [tilespmem:s23+$0x10];
	s22 =	sadd.s32 $0x4, s22;
	vm4 =	vgt.s32 v7, $0x0;
	v8 =	vcvt.f32.s32 v8;
	v10 =	vor.u32 v1, v10  }
0x40: {  	v12 =	vld [tilespmem:s23+$0xFFFFFFF0];
	p0 =	slt.u32 s22, $0x7FC;
	vm5 =	vgt.s32 v9, $0x0;
	v7 =	vnsel vm4, $0x0, v7  }
0x41: {  	v13 =	vld [tilespmem:s23+$0x0];
	v9 =	vnsel vm5, $0x0, v9;
	v7 =	vmin.u32 v7, $0x3FF;
	vm4 =	vgt.s32 v8, $0x0  }
0x42: {  	v14 =	vld [tilespmem:s23+$0xFFFFFFE0];
	v9 =	vmin.u32 v9, $0x3FF;
	v7 =	vor.u32 v1, v7;
	v8 =	vnsel vm4, $0x0, v8  }
0x43: {  	v9 =	vor.u32 v1, v9;
	v8 =	vmin.u32 v8, $0x3FF  }
0x44: {  	v15 =	vsub.f32 v11, v4;
	v16 =	vor.u32 v1, v8;
	[tilespmem:v10+s15+$0x0] =	vst.idx.add.f32.msk vm3, v2  }
0x45: {  	vm3 =	vge.f32 v12, v4;
	vm4 =	vlt.f32 v12, v3;
	v8 =	vsub.f32 v12, v4  }
0x46: {  	vm5 =	vge.f32 v13, v4;
	v10 =	vsub.f32 v13, v4;
	v12 =	vmul.f32 v15, v5  }
0x47: {  	vm6 =	vge.f32 v14, v4;
	v15 =	vsub.f32 v14, v4;
	v8 =	vmul.f32 v8, v5  }
0x48: {  	vm7 =	vlt.f32 v14, v3;
	v10 =	vmul.f32 v10, v5;
	v12 =	vmul.f32 v12, v6  }
0x49: {  	vm8 =	vlt.f32 v13, v3;
	v14 =	vmul.f32 v15, v5;
	v8 =	vmul.f32 v8, v6  }
0x4a: {  	v10 =	vmul.f32 v10, v6;
	v12 =	vtrunc.f32 v12;
	[tilespmem:v9+s15+$0x0] =	vst.idx.add.f32.msk vm0, v2;
	vm0 =	vmand vm6, vm7  }
.Ltmp1:
0x4b: {  	v9 =	vmul.f32 v14, v6;
	v12 =	vcvt.f32.s32 v12;
	[tilespmem:v7+s15+$0x0] =	vst.idx.add.f32.msk vm1, v2;
	vm1 =	vmand vm3, vm4;
	(pc) =	sbr.rel @p0 .LBB2_4-.Ltmp1, $4  }
0x4c: {  	v7 =	vtrunc.f32 v8;
	v8 =	vtrunc.f32 v10;
	[tilespmem:v16+s15+$0x0] =	vst.idx.add.f32.msk vm2, v2;
	vm2 =	vmand vm5, vm8  }
0x4d: {  	v7 =	vcvt.f32.s32 v7;
	v9 =	vtrunc.f32 v9;
	vm3 =	vgt.s32 v12, $0x0  }
0x4e: {  	vm4 =	vge.f32 v11, v4;
	vm5 =	vlt.f32 v11, v3;
	v10 =	vnsel vm3, $0x0, v12  }
0x4f: {  	s23 =	sadd.s32 $0x40, s23;
	v9 =	vcvt.f32.s32 v9;
	vm3 =	vmand vm4, vm5;
	v10 =	vmin.u32 v10, $0x3FF  }
0x50: {  	v8 =	vcvt.f32.s32 v8;
	vm5 =	vgt.s32 v7, $0x0  }
0x51: {  	v10 =	vor.u32 v1, v10;
	vm4 =	vgt.s32 v9, $0x0;
	v7 =	vnsel vm5, $0x0, v7  }
0x52: {  	v9 =	vnsel vm4, $0x0, v9;
	vm15 =	vgt.s32 v8, $0x0;
	v7 =	vmin.u32 v7, $0x3FF  }
0x53: {  	v9 =	vmin.u32 v9, $0x3FF;
	v8 =	vnsel vm15, $0x0, v8;
	v7 =	vor.u32 v1, v7  }
0x54: {  	v9 =	vor.u32 v1, v9;
	v8 =	vmin.u32 v8, $0x3FF  }
0x55: {  	v8 =	vor.u32 v1, v8;
	_ =	sdelay $0x1  }
0x56: {  	[tilespmem:v10+s15+$0x0] =	vst.idx.add.f32.msk vm3, v2  }
0x57: {  	[tilespmem:v7+s15+$0x0] =	vst.idx.add.f32.msk vm1, v2  }
0x58: {  	[tilespmem:v9+s15+$0x0] =	vst.idx.add.f32.msk vm0, v2  }
0x59: {  	s23 =	simm.s32 $0x0;
	[tilespmem:v8+s15+$0x0] =	vst.idx.add.f32.msk vm2, v2  }
0x5a: {  	v14 =	vld [tilespmem:s23+$0x30]  }
0x5b: {  	v8 =	vld [tilespmem:s23+$0x0]  }
0x5c: {  	v9 =	vld [tilespmem:s23+$0x10]  }
0x5d: {  	v13 =	vimm.f32 $0.0e+00;
	v10 =	vld [tilespmem:s23+$0x20]  }
0x5e: {  	s22 =	simm.s32 $0x100;
	v12 =	vimm.f32 $0.0e+00;
	v11 =	vimm.f32 $0.0e+00;
	v7 =	vimm.f32 $0.0e+00  }
.LBB2_6:
0x5f: {  	s23 =	sshra.s32 s22, $0x2;
	p0 =	sne.s32 s22, $0x1FF00;
	s22 =	sadd.s32 $0x100, s22;
	vm0 =	vge.f32 v14, v3  }
.Ltmp2:
0x60: {  	vm1 =	vge.f32 v8, v3;
	v15 =	vnsel vm0, $0x0, v14;
	v14 =	vld [tilespmem:s23+$0x30];
	(pc) =	sbr.rel @p0 .LBB2_6-.Ltmp2, $4  }
0x61: {  	v16 =	vnsel vm1, $0x0, v8;
	v8 =	vld [tilespmem:s23+$0x0];
	vm0 =	vge.f32 v9, v3;
	v7 =	vadd.f32 v15, v7  }
0x62: {  	v13 =	vadd.f32 v16, v13;
	v15 =	vnsel vm0, $0x0, v9;
	v9 =	vld [tilespmem:s23+$0x10];
	vm0 =	vge.f32 v10, v3  }
0x63: {  	v12 =	vadd.f32 v15, v12;
	v15 =	vnsel vm0, $0x0, v10;
	v10 =	vld [tilespmem:s23+$0x20]  }
0x64: {  	v11 =	vadd.f32 v15, v11  }
0x65: {  	_ =	swait.ge [sflag:s16], $0x8000  }
0x66: {  	[sflag:s16] =	ssyncset.done $0x0  }
0x67: {  	s22 =	simm.s32 $0x8020;
	[sflag:s16] =	ssyncadd.s32 $0xFFFF8000  }
0x68: {  	[tilespmem:s3], [sflag:$0x1] =	stream.linear.gather [hbm4b:s6+s3], $0x8000, $0x38;
	[tilespmem:$0x14500] =	vst v63  }
0x69: {  	v15 =	vld [tilespmem:s22+$0x10]  }
0x6a: {  	vm0 =	vge.f32 v14, v3;
	vm1 =	vge.f32 v8, v3;
	v16 =	vld [tilespmem:s22+$0xFFFFFFF0]  }
0x6b: {  	v14 =	vnsel vm0, $0x0, v14;
	v8 =	vnsel vm1, $0x0, v8;
	vm0 =	vge.f32 v9, v3;
	v17 =	vld [tilespmem:s22+$0x0]  }
0x6c: {  	v7 =	vadd.f32 v14, v7;
	v9 =	vnsel vm0, $0x0, v9;
	vm0 =	vge.f32 v10, v3;
	v14 =	vld [tilespmem:s22+$0xFFFFFFE0]  }
0x6d: {  	s31 =	simm.s32 $0x8060;
	v8 =	vadd.f32 v8, v13;
	v10 =	vnsel vm0, $0x0, v10  }
0x6e: {  	v9 =	vadd.f32 v9, v12;
	v18 =	vld [tilespmem:s31+$0xFFFFFFE0];
	v10 =	vadd.f32 v10, v11  }
0x6f: {  	v12 =	vsub.f32 v15, v4;
	v11 =	vsub.f32 v16, v4  }
0x70: {  	vm2 =	vge.f32 v16, v4;
	v13 =	vsub.f32 v17, v4;
	vm3 =	vlt.f32 v16, v3  }
0x71: {  	v16 =	vsub.f32 v14, v4;
	vm4 =	vge.f32 v14, v4;
	vm5 =	vlt.f32 v14, v3  }
0x72: {  	vm0 =	vge.f32 v17, v4;
	vm1 =	vlt.f32 v17, v3;
	vm7 =	vlt.f32 v15, v3  }
0x73: {  	vm9 =	vge.f32 v18, v4;
	vm10 =	vlt.f32 v18, v3;
	v12 =	vmul.f32 v12, v5  }
0x74: {  	v18 =	vsub.f32 v18, v4;
	v11 =	vmul.f32 v11, v5;
	v13 =	vmul.f32 v13, v5  }
0x75: {  	vm6 =	vmand vm4, vm5;
	v14 =	vmul.f32 v16, v5;
	v12 =	vmul.f32 v12, v6  }
0x76: {  	vm5 =	vge.f32 v15, v4;
	v11 =	vmul.f32 v11, v6;
	v13 =	vmul.f32 v13, v6  }
0x77: {  	vm0 =	vmand vm0, vm1;
	v16 =	vld [tilespmem:s31+$0xFFFFFFF0];
	v14 =	vmul.f32 v14, v6;
	v12 =	vtrunc.f32 v12  }
0x78: {  	vm8 =	vmand vm5, vm7;
	v11 =	vtrunc.f32 v11;
	v12 =	vcvt.f32.s32 v12  }
0x79: {  	v15 =	vld [tilespmem:s31+$0x10];
	vm7 =	vmand vm2, vm3;
	v14 =	vtrunc.f32 v14;
	v11 =	vcvt.f32.s32 v11  }
0x7a: {  	v13 =	vtrunc.f32 v13;
	v14 =	vcvt.f32.s32 v14;
	vm4 =	vgt.s32 v12, $0x0  }
0x7b: {  	v13 =	vcvt.f32.s32 v13;
	v12 =	vnsel vm4, $0x0, v12;
	vm4 =	vgt.s32 v11, $0x0  }
0x7c: {  	v17 =	vld [tilespmem:s31+$0x0];
	v20 =	vsub.f32 v16, v4;
	vm5 =	vgt.s32 v14, $0x0;
	v11 =	vnsel vm4, $0x0, v11  }
0x7d: {  	vm2 =	vgt.s32 v13, $0x0;
	v14 =	vnsel vm5, $0x0, v14;
	v11 =	vmin.u32 v11, $0x3FF  }
0x7e: {  	v19 =	vor.u32 v1, v11;
	v11 =	vnsel vm2, $0x0, v13;
	v13 =	vsub.f32 v15, v4  }
0x7f: {  	v20 =	vmul.f32 v20, v5;
	v12 =	vmin.u32 v12, $0x3FF;
	v14 =	vmin.u32 v14, $0x3FF  }
0x80: {  	vm4 =	vlt.f32 v16, v3;
	v12 =	vor.u32 v1, v12;
	v13 =	vmul.f32 v13, v5  }
0x81: {  	v14 =	vor.u32 v1, v14;
	vm2 =	vge.f32 v16, v4;
	v16 =	vsub.f32 v17, v4  }
0x82: {  	vm1 =	vmand vm9, vm10;
	v18 =	vmul.f32 v18, v5;
	v13 =	vmul.f32 v13, v6  }
0x83: {  	vm3 =	vge.f32 v17, v4;
	v20 =	vmul.f32 v20, v6;
	v16 =	vmul.f32 v16, v5  }
0x84: {  	vm5 =	vlt.f32 v17, v3;
	v17 =	vmul.f32 v18, v6;
	v13 =	vtrunc.f32 v13  }
0x85: {  	v11 =	vmin.u32 v11, $0x3FF;
	v16 =	vmul.f32 v16, v6;
	[tilespmem:v12+s15+$0x0] =	vst.idx.add.f32.msk vm8, v2;
	v63 =	vcvt.f32.s32 v13  }
0x86: {  	v11 =	vor.u32 v1, v11;
	v12 =	vtrunc.f32 v20;
	[tilespmem:v14+s15+$0x0] =	vst.idx.add.f32.msk vm6, v2;
	v14 =	vtrunc.f32 v17  }
0x87: {  	vm6 =	vge.f32 v15, v4;
	v12 =	vcvt.f32.s32 v12;
	vm8 =	vgt.s32 v63, $0x0  }
0x88: {  	s23 =	simm.s32 $0x80A0;
	s22 =	simm.s32 $0x4;
	[tilespmem:v19+s15+$0x0] =	vst.idx.add.f32.msk vm7, v2;
	vm7 =	vlt.f32 v15, v3;
	v13 =	vtrunc.f32 v16;
	v15 =	vnsel vm8, $0x0, v63  }
.LBB2_8:
0x89: {  	v16 =	vld [tilespmem:s23+$0x10];
	s22 =	sadd.s32 $0x4, s22;
	v14 =	vcvt.f32.s32 v14;
	vm7 =	vmand vm6, vm7;
	v15 =	vmin.u32 v15, $0x3FF  }
0x8a: {  	vm8 =	vgt.s32 v12, $0x0;
	v13 =	vcvt.f32.s32 v13;
	v17 =	vld [tilespmem:s23+$0xFFFFFFF0];
	p0 =	slt.u32 s22, $0x7FC;
	v15 =	vor.u32 v1, v15  }
0x8b: {  	vm6 =	vmand vm2, vm4;
	v12 =	vnsel vm8, $0x0, v12;
	v18 =	vld [tilespmem:s23+$0x0];
	vm9 =	vgt.s32 v14, $0x0  }
0x8c: {  	v12 =	vmin.u32 v12, $0x3FF;
	vm2 =	vgt.s32 v13, $0x0;
	v19 =	vld [tilespmem:s23+$0xFFFFFFE0];
	v14 =	vnsel vm9, $0x0, v14  }
0x8d: {  	v12 =	vor.u32 v1, v12;
	v13 =	vnsel vm2, $0x0, v13;
	v14 =	vmin.u32 v14, $0x3FF;
	[tilespmem:v11+s15+$0x0] =	vst.idx.add.f32.msk vm0, v2  }
0x8e: {  	v13 =	vmin.u32 v13, $0x3FF;
	v11 =	vsub.f32 v16, v4;
	v14 =	vor.u32 v1, v14  }
0x8f: {  	vm0 =	vmand vm3, vm5;
	vm2 =	vge.f32 v17, v4;
	v20 =	vsub.f32 v17, v4;
	[tilespmem:v15+s15+$0x0] =	vst.idx.add.f32.msk vm7, v2  }
0x90: {  	vm4 =	vlt.f32 v17, v3;
	v15 =	vsub.f32 v18, v4;
	v11 =	vmul.f32 v11, v5  }
0x91: {  	vm7 =	vge.f32 v19, v4;
	v17 =	vsub.f32 v19, v4;
	v20 =	vmul.f32 v20, v5  }
0x92: {  	vm8 =	vlt.f32 v19, v3;
	v15 =	vmul.f32 v15, v5;
	v11 =	vmul.f32 v11, v6  }
0x93: {  	vm3 =	vge.f32 v18, v4;
	v17 =	vmul.f32 v17, v5;
	v19 =	vmul.f32 v20, v6  }
.Ltmp3:
0x94: {  	vm5 =	vlt.f32 v18, v3;
	v15 =	vmul.f32 v15, v6;
	v11 =	vtrunc.f32 v11;
	[tilespmem:v14+s15+$0x0] =	vst.idx.add.f32.msk vm1, v2;
	(pc) =	sbr.rel @p0 .LBB2_8-.Ltmp3, $4  }
0x95: {  	v14 =	vmul.f32 v17, v6;
	v17 =	vcvt.f32.s32 v11;
	[tilespmem:v12+s15+$0x0] =	vst.idx.add.f32.msk vm6, v2;
	v11 =	vor.u32 v1, v13  }
0x96: {  	vm1 =	vmand vm7, vm8;
	v12 =	vtrunc.f32 v19;
	v13 =	vtrunc.f32 v15  }
0x97: {  	v12 =	vcvt.f32.s32 v12;
	v14 =	vtrunc.f32 v14;
	vm8 =	vgt.s32 v17, $0x0  }
0x98: {  	s23 =	sadd.s32 $0x40, s23;
	vm7 =	vlt.f32 v16, v3;
	vm6 =	vge.f32 v16, v4;
	v15 =	vnsel vm8, $0x0, v17  }
0x99: {  	v14 =	vcvt.f32.s32 v14;
	vm6 =	vmand vm6, vm7;
	v15 =	vmin.u32 v15, $0x3FF  }
0x9a: {  	vm14 =	vgt.s32 v12, $0x0;
	v13 =	vcvt.f32.s32 v13;
	vm2 =	vmand vm2, vm4  }
0x9b: {  	v15 =	vor.u32 v1, v15;
	v12 =	vnsel vm14, $0x0, v12;
	vm8 =	vgt.s32 v14, $0x0  }
0x9c: {  	vm15 =	vgt.s32 v13, $0x0;
	v12 =	vmin.u32 v12, $0x3FF;
	v14 =	vnsel vm8, $0x0, v14  }
0x9d: {  	v13 =	vnsel vm15, $0x0, v13;
	v12 =	vor.u32 v1, v12;
	v14 =	vmin.u32 v14, $0x3FF  }
0x9e: {  	vm3 =	vmand vm3, vm5;
	v13 =	vmin.u32 v13, $0x3FF;
	v14 =	vor.u32 v1, v14  }
0x9f: {  	v13 =	vor.u32 v1, v13  }
0xa0: {  	[tilespmem:v11+s15+$0x0] =	vst.idx.add.f32.msk vm0, v2  }
0xa1: {  	[tilespmem:v15+s15+$0x0] =	vst.idx.add.f32.msk vm6, v2  }
0xa2: {  	[tilespmem:v12+s15+$0x0] =	vst.idx.add.f32.msk vm2, v2  }
0xa3: {  	[tilespmem:v14+s15+$0x0] =	vst.idx.add.f32.msk vm1, v2  }
0xa4: {  	s23 =	simm.s32 $0x0;
	p0 =	por $0x1, $0x1;
	[tilespmem:v13+s15+$0x0] =	vst.idx.add.f32.msk vm3, v2  }
.Ltmp4:
0xa5: {  	v14 =	vld [tilespmem:s23+$0x8030];
	(pc) =	sbr.rel @!p0 .LBB2_11-.Ltmp4, $4  }
0xa6: {  	v13 =	vld [tilespmem:s23+$0x8000]  }
0xa7: {  	v12 =	vld [tilespmem:s23+$0x8010]  }
0xa8: {  	v11 =	vld [tilespmem:s23+$0x8020]  }
0xa9: {  	s22 =	simm.s32 $0x100  }
.LBB2_10:
0xaa: {  	s23 =	sshra.s32 s22, $0x2;
	p0 =	sne.s32 s22, $0x1FF00;
	s22 =	sadd.s32 $0x100, s22;
	vm0 =	vge.f32 v14, v3  }
.Ltmp5:
0xab: {  	vm1 =	vge.f32 v13, v3;
	v15 =	vnsel vm0, $0x0, v14;
	v14 =	vld [tilespmem:s23+$0x8030];
	(pc) =	sbr.rel @p0 .LBB2_10-.Ltmp5, $4  }
0xac: {  	v16 =	vnsel vm1, $0x0, v13;
	v13 =	vld [tilespmem:s23+$0x8000];
	vm0 =	vge.f32 v12, v3;
	v7 =	vadd.f32 v15, v7  }
0xad: {  	v8 =	vadd.f32 v16, v8;
	v15 =	vnsel vm0, $0x0, v12;
	v12 =	vld [tilespmem:s23+$0x8010];
	vm0 =	vge.f32 v11, v3  }
0xae: {  	v9 =	vadd.f32 v15, v9;
	v15 =	vnsel vm0, $0x0, v11;
	v11 =	vld [tilespmem:s23+$0x8020]  }
0xaf: {  	v10 =	vadd.f32 v15, v10  }
.LBB2_11:
0xb0: {  	_ =	swait.ge [sflag:s13], $0x8000  }
0xb1: {  	[sflag:s13] =	ssyncset.done $0x0  }
0xb2: {  	s22 =	simm.s32 $0x20;
	[sflag:s13] =	ssyncadd.s32 $0xFFFF8000  }
0xb3: {  	[tilespmem:s14], [sflag:$0x2] =	stream.linear.gather [hbm4b:s7+s3], $0x8000, $0x38;
	[tilespmem:$0x14500] =	vst v63  }
0xb4: {  	v15 =	vld [tilespmem:s22+$0x10]  }
0xb5: {  	vm0 =	vge.f32 v14, v3;
	vm1 =	vge.f32 v13, v3;
	v16 =	vld [tilespmem:s22+$0xFFFFFFF0]  }
0xb6: {  	v14 =	vnsel vm0, $0x0, v14;
	v13 =	vnsel vm1, $0x0, v13;
	vm0 =	vge.f32 v12, v3;
	v17 =	vld [tilespmem:s22+$0x0]  }
0xb7: {  	v7 =	vadd.f32 v14, v7;
	v12 =	vnsel vm0, $0x0, v12;
	vm0 =	vge.f32 v11, v3;
	v14 =	vld [tilespmem:s22+$0xFFFFFFE0]  }
0xb8: {  	s31 =	simm.s32 $0x60;
	v8 =	vadd.f32 v13, v8;
	v11 =	vnsel vm0, $0x0, v11  }
0xb9: {  	v9 =	vadd.f32 v12, v9;
	v18 =	vld [tilespmem:s31+$0xFFFFFFE0];
	v10 =	vadd.f32 v11, v10  }
0xba: {  	v12 =	vsub.f32 v15, v4;
	v11 =	vsub.f32 v16, v4  }
0xbb: {  	vm2 =	vge.f32 v16, v4;
	v13 =	vsub.f32 v17, v4;
	vm3 =	vlt.f32 v16, v3  }
0xbc: {  	v16 =	vsub.f32 v14, v4;
	vm4 =	vge.f32 v14, v4;
	vm5 =	vlt.f32 v14, v3  }
0xbd: {  	vm0 =	vge.f32 v17, v4;
	vm1 =	vlt.f32 v17, v3;
	vm7 =	vlt.f32 v15, v3  }
0xbe: {  	vm9 =	vge.f32 v18, v4;
	vm10 =	vlt.f32 v18, v3;
	v12 =	vmul.f32 v12, v5  }
0xbf: {  	v18 =	vsub.f32 v18, v4;
	v11 =	vmul.f32 v11, v5;
	v13 =	vmul.f32 v13, v5  }
0xc0: {  	vm6 =	vmand vm4, vm5;
	v14 =	vmul.f32 v16, v5;
	v12 =	vmul.f32 v12, v6  }
0xc1: {  	vm5 =	vge.f32 v15, v4;
	v11 =	vmul.f32 v11, v6;
	v13 =	vmul.f32 v13, v6  }
0xc2: {  	vm0 =	vmand vm0, vm1;
	v16 =	vld [tilespmem:s31+$0xFFFFFFF0];
	v14 =	vmul.f32 v14, v6;
	v12 =	vtrunc.f32 v12  }
0xc3: {  	vm8 =	vmand vm5, vm7;
	v11 =	vtrunc.f32 v11;
	v12 =	vcvt.f32.s32 v12  }
0xc4: {  	v15 =	vld [tilespmem:s31+$0x10];
	vm7 =	vmand vm2, vm3;
	v14 =	vtrunc.f32 v14;
	v11 =	vcvt.f32.s32 v11  }
0xc5: {  	v13 =	vtrunc.f32 v13;
	v14 =	vcvt.f32.s32 v14;
	vm4 =	vgt.s32 v12, $0x0  }
0xc6: {  	v13 =	vcvt.f32.s32 v13;
	v12 =	vnsel vm4, $0x0, v12;
	vm4 =	vgt.s32 v11, $0x0  }
0xc7: {  	v17 =	vld [tilespmem:s31+$0x0];
	v20 =	vsub.f32 v16, v4;
	vm5 =	vgt.s32 v14, $0x0;
	v11 =	vnsel vm4, $0x0, v11  }
0xc8: {  	vm2 =	vgt.s32 v13, $0x0;
	v14 =	vnsel vm5, $0x0, v14;
	v11 =	vmin.u32 v11, $0x3FF  }
0xc9: {  	v19 =	vor.u32 v1, v11;
	v11 =	vnsel vm2, $0x0, v13;
	v13 =	vsub.f32 v15, v4  }
0xca: {  	v20 =	vmul.f32 v20, v5;
	v12 =	vmin.u32 v12, $0x3FF;
	v14 =	vmin.u32 v14, $0x3FF  }
0xcb: {  	vm4 =	vlt.f32 v16, v3;
	v12 =	vor.u32 v1, v12;
	v13 =	vmul.f32 v13, v5  }
0xcc: {  	v14 =	vor.u32 v1, v14;
	vm2 =	vge.f32 v16, v4;
	v16 =	vsub.f32 v17, v4  }
0xcd: {  	vm1 =	vmand vm9, vm10;
	v18 =	vmul.f32 v18, v5;
	v13 =	vmul.f32 v13, v6  }
0xce: {  	vm3 =	vge.f32 v17, v4;
	v20 =	vmul.f32 v20, v6;
	v16 =	vmul.f32 v16, v5  }
0xcf: {  	vm5 =	vlt.f32 v17, v3;
	v17 =	vmul.f32 v18, v6;
	v13 =	vtrunc.f32 v13  }
0xd0: {  	v11 =	vmin.u32 v11, $0x3FF;
	v16 =	vmul.f32 v16, v6;
	[tilespmem:v12+s15+$0x0] =	vst.idx.add.f32.msk vm8, v2;
	v63 =	vcvt.f32.s32 v13  }
0xd1: {  	v11 =	vor.u32 v1, v11;
	v12 =	vtrunc.f32 v20;
	[tilespmem:v14+s15+$0x0] =	vst.idx.add.f32.msk vm6, v2;
	v14 =	vtrunc.f32 v17  }
0xd2: {  	vm6 =	vge.f32 v15, v4;
	v12 =	vcvt.f32.s32 v12;
	vm8 =	vgt.s32 v63, $0x0  }
0xd3: {  	s23 =	simm.s32 $0xA0;
	s22 =	simm.s32 $0x4;
	[tilespmem:v19+s15+$0x0] =	vst.idx.add.f32.msk vm7, v2;
	vm7 =	vlt.f32 v15, v3;
	v13 =	vtrunc.f32 v16;
	v15 =	vnsel vm8, $0x0, v63  }
.LBB2_12:
0xd4: {  	v16 =	vld [tilespmem:s23+$0x10];
	s22 =	sadd.s32 $0x4, s22;
	v14 =	vcvt.f32.s32 v14;
	vm7 =	vmand vm6, vm7;
	v15 =	vmin.u32 v15, $0x3FF  }
0xd5: {  	vm8 =	vgt.s32 v12, $0x0;
	v13 =	vcvt.f32.s32 v13;
	v17 =	vld [tilespmem:s23+$0xFFFFFFF0];
	p0 =	slt.u32 s22, $0x7FC;
	v15 =	vor.u32 v1, v15  }
0xd6: {  	vm6 =	vmand vm2, vm4;
	v12 =	vnsel vm8, $0x0, v12;
	v18 =	vld [tilespmem:s23+$0x0];
	vm9 =	vgt.s32 v14, $0x0  }
0xd7: {  	v12 =	vmin.u32 v12, $0x3FF;
	vm2 =	vgt.s32 v13, $0x0;
	v19 =	vld [tilespmem:s23+$0xFFFFFFE0];
	v14 =	vnsel vm9, $0x0, v14  }
0xd8: {  	v12 =	vor.u32 v1, v12;
	v13 =	vnsel vm2, $0x0, v13;
	v14 =	vmin.u32 v14, $0x3FF;
	[tilespmem:v11+s15+$0x0] =	vst.idx.add.f32.msk vm0, v2  }
0xd9: {  	v13 =	vmin.u32 v13, $0x3FF;
	v11 =	vsub.f32 v16, v4;
	v14 =	vor.u32 v1, v14  }
0xda: {  	vm0 =	vmand vm3, vm5;
	vm2 =	vge.f32 v17, v4;
	v20 =	vsub.f32 v17, v4;
	[tilespmem:v15+s15+$0x0] =	vst.idx.add.f32.msk vm7, v2  }
0xdb: {  	vm4 =	vlt.f32 v17, v3;
	v15 =	vsub.f32 v18, v4;
	v11 =	vmul.f32 v11, v5  }
0xdc: {  	vm7 =	vge.f32 v19, v4;
	v17 =	vsub.f32 v19, v4;
	v20 =	vmul.f32 v20, v5  }
0xdd: {  	vm8 =	vlt.f32 v19, v3;
	v15 =	vmul.f32 v15, v5;
	v11 =	vmul.f32 v11, v6  }
0xde: {  	vm3 =	vge.f32 v18, v4;
	v17 =	vmul.f32 v17, v5;
	v19 =	vmul.f32 v20, v6  }
.Ltmp6:
0xdf: {  	vm5 =	vlt.f32 v18, v3;
	v15 =	vmul.f32 v15, v6;
	v11 =	vtrunc.f32 v11;
	[tilespmem:v14+s15+$0x0] =	vst.idx.add.f32.msk vm1, v2;
	(pc) =	sbr.rel @p0 .LBB2_12-.Ltmp6, $4  }
0xe0: {  	v14 =	vmul.f32 v17, v6;
	v17 =	vcvt.f32.s32 v11;
	[tilespmem:v12+s15+$0x0] =	vst.idx.add.f32.msk vm6, v2;
	v11 =	vor.u32 v1, v13  }
0xe1: {  	vm1 =	vmand vm7, vm8;
	v12 =	vtrunc.f32 v19;
	v13 =	vtrunc.f32 v15  }
0xe2: {  	v12 =	vcvt.f32.s32 v12;
	v14 =	vtrunc.f32 v14;
	vm8 =	vgt.s32 v17, $0x0  }
0xe3: {  	s23 =	sadd.s32 $0x40, s23;
	vm7 =	vlt.f32 v16, v3;
	vm6 =	vge.f32 v16, v4;
	v15 =	vnsel vm8, $0x0, v17  }
0xe4: {  	v14 =	vcvt.f32.s32 v14;
	vm6 =	vmand vm6, vm7;
	v15 =	vmin.u32 v15, $0x3FF  }
0xe5: {  	vm14 =	vgt.s32 v12, $0x0;
	v13 =	vcvt.f32.s32 v13;
	vm2 =	vmand vm2, vm4  }
0xe6: {  	v15 =	vor.u32 v1, v15;
	v12 =	vnsel vm14, $0x0, v12;
	vm8 =	vgt.s32 v14, $0x0  }
0xe7: {  	vm15 =	vgt.s32 v13, $0x0;
	v12 =	vmin.u32 v12, $0x3FF;
	v14 =	vnsel vm8, $0x0, v14  }
0xe8: {  	v13 =	vnsel vm15, $0x0, v13;
	v12 =	vor.u32 v1, v12;
	v14 =	vmin.u32 v14, $0x3FF  }
0xe9: {  	vm3 =	vmand vm3, vm5;
	v13 =	vmin.u32 v13, $0x3FF;
	v14 =	vor.u32 v1, v14  }
0xea: {  	v13 =	vor.u32 v1, v13  }
0xeb: {  	[tilespmem:v11+s15+$0x0] =	vst.idx.add.f32.msk vm0, v2  }
0xec: {  	[tilespmem:v15+s15+$0x0] =	vst.idx.add.f32.msk vm6, v2  }
0xed: {  	[tilespmem:v12+s15+$0x0] =	vst.idx.add.f32.msk vm2, v2  }
0xee: {  	[tilespmem:v14+s15+$0x0] =	vst.idx.add.f32.msk vm1, v2  }
0xef: {  	s23 =	simm.s32 $0x0;
	p0 =	por $0x1, $0x1;
	[tilespmem:v13+s15+$0x0] =	vst.idx.add.f32.msk vm3, v2  }
.Ltmp7:
0xf0: {  	v12 =	vld [tilespmem:s23+$0x30];
	(pc) =	sbr.rel @!p0 .LBB2_15-.Ltmp7, $4  }
0xf1: {  	v11 =	vld [tilespmem:s23+$0x0]  }
0xf2: {  	v14 =	vld [tilespmem:s23+$0x10]  }
0xf3: {  	v13 =	vld [tilespmem:s23+$0x20]  }
0xf4: {  	s22 =	simm.s32 $0x100  }
.LBB2_14:
0xf5: {  	s23 =	sshra.s32 s22, $0x2;
	p0 =	sne.s32 s22, $0x1FF00;
	s22 =	sadd.s32 $0x100, s22;
	vm0 =	vge.f32 v12, v3  }
.Ltmp8:
0xf6: {  	vm1 =	vge.f32 v11, v3;
	v15 =	vnsel vm0, $0x0, v12;
	v12 =	vld [tilespmem:s23+$0x30];
	(pc) =	sbr.rel @p0 .LBB2_14-.Ltmp8, $4  }
0xf7: {  	v16 =	vnsel vm1, $0x0, v11;
	v11 =	vld [tilespmem:s23+$0x0];
	vm0 =	vge.f32 v14, v3;
	v7 =	vadd.f32 v15, v7  }
0xf8: {  	v8 =	vadd.f32 v16, v8;
	v15 =	vnsel vm0, $0x0, v14;
	v14 =	vld [tilespmem:s23+$0x10];
	vm0 =	vge.f32 v13, v3  }
0xf9: {  	v9 =	vadd.f32 v15, v9;
	v15 =	vnsel vm0, $0x0, v13;
	v13 =	vld [tilespmem:s23+$0x20]  }
0xfa: {  	v10 =	vadd.f32 v15, v10  }
.LBB2_15:
0xfb: {  	_ =	swait.ge [sflag:s16], $0x8000  }
0xfc: {  	[sflag:s16] =	ssyncset.done $0x0  }
0xfd: {  	s22 =	simm.s32 $0x8020;
	[sflag:s16] =	ssyncadd.s32 $0xFFFF8000  }
0xfe: {  	v15 =	vld [tilespmem:s22+$0x10]  }
0xff: {  	vm0 =	vge.f32 v12, v3;
	vm1 =	vge.f32 v11, v3;
	v16 =	vld [tilespmem:s22+$0xFFFFFFF0]  }
0x100: {  	v12 =	vnsel vm0, $0x0, v12;
	v18 =	vnsel vm1, $0x0, v11;
	vm0 =	vge.f32 v14, v3;
	v17 =	vld [tilespmem:s22+$0x0]  }
0x101: {  	v11 =	vadd.f32 v12, v7;
	v19 =	vld [tilespmem:s22+$0xFFFFFFE0];
	v7 =	vnsel vm0, $0x0, v14;
	vm0 =	vge.f32 v13, v3  }
0x102: {  	v12 =	vadd.f32 v18, v8;
	v8 =	vnsel vm0, $0x0, v13  }
0x103: {  	s31 =	simm.s32 $0x8060;
	v7 =	vadd.f32 v7, v9;
	v8 =	vadd.f32 v8, v10  }
0x104: {  	v62 =	vld [tilespmem:s31+$0xFFFFFFE0];
	v9 =	vsub.f32 v15, v4;
	v10 =	vsub.f32 v16, v4  }
0x105: {  	vm2 =	vge.f32 v16, v4;
	v13 =	vsub.f32 v17, v4;
	vm3 =	vlt.f32 v16, v3  }
0x106: {  	v14 =	vsub.f32 v19, v4;
	vm4 =	vge.f32 v19, v4;
	vm5 =	vlt.f32 v19, v3  }
0x107: {  	vm0 =	vge.f32 v17, v4;
	vm1 =	vlt.f32 v17, v3;
	v9 =	vmul.f32 v9, v5  }
0x108: {  	vm7 =	vlt.f32 v15, v3;
	v10 =	vmul.f32 v10, v5;
	v13 =	vmul.f32 v13, v5  }
0x109: {  	vm9 =	vge.f32 v62, v4;
	v14 =	vmul.f32 v14, v5;
	v9 =	vmul.f32 v9, v6  }
0x10a: {  	vm10 =	vlt.f32 v62, v3;
	v10 =	vmul.f32 v10, v6;
	v13 =	vmul.f32 v13, v6  }
0x10b: {  	v18 =	vsub.f32 v62, v4;
	v14 =	vmul.f32 v14, v6;
	v9 =	vtrunc.f32 v9  }
0x10c: {  	vm6 =	vmand vm4, vm5;
	v10 =	vtrunc.f32 v10;
	v13 =	vtrunc.f32 v13  }
0x10d: {  	vm5 =	vge.f32 v15, v4;
	v14 =	vtrunc.f32 v14;
	v9 =	vcvt.f32.s32 v9  }
0x10e: {  	v15 =	vld [tilespmem:s31+$0x10];
	vm8 =	vmand vm5, vm7;
	v10 =	vcvt.f32.s32 v10;
	v14 =	vcvt.f32.s32 v14  }
0x10f: {  	v16 =	vld [tilespmem:s31+$0xFFFFFFF0];
	vm7 =	vmand vm2, vm3;
	v13 =	vcvt.f32.s32 v13;
	vm4 =	vgt.s32 v9, $0x0  }
0x110: {  	vm5 =	vgt.s32 v14, $0x0;
	v9 =	vnsel vm4, $0x0, v9;
	vm4 =	vgt.s32 v10, $0x0  }
0x111: {  	vm2 =	vgt.s32 v13, $0x0;
	v9 =	vmin.u32 v9, $0x3FF;
	v10 =	vnsel vm4, $0x0, v10  }
0x112: {  	v14 =	vnsel vm5, $0x0, v14;
	v17 =	vor.u32 v1, v9;
	v9 =	vld [tilespmem:s31+$0x0];
	v10 =	vmin.u32 v10, $0x3FF  }
0x113: {  	v63 =	vor.u32 v1, v10;
	v10 =	vnsel vm2, $0x0, v13;
	v13 =	vsub.f32 v15, v4  }
0x114: {  	vm0 =	vmand vm0, vm1;
	v20 =	vsub.f32 v16, v4;
	v14 =	vmin.u32 v14, $0x3FF  }
0x115: {  	vm1 =	vmand vm9, vm10;
	v14 =	vor.u32 v1, v14;
	v13 =	vmul.f32 v13, v5  }
0x116: {  	v18 =	vmul.f32 v18, v5;
	v20 =	vmul.f32 v20, v5;
	vm4 =	vlt.f32 v16, v3  }
0x117: {  	vm2 =	vge.f32 v16, v4;
	v16 =	vsub.f32 v9, v4;
	v13 =	vmul.f32 v13, v6  }
0x118: {  	v18 =	vmul.f32 v18, v6;
	v20 =	vmul.f32 v20, v6;
	vm3 =	vge.f32 v9, v4  }
0x119: {  	vm5 =	vlt.f32 v9, v3;
	v16 =	vmul.f32 v16, v5;
	v9 =	vtrunc.f32 v13  }
0x11a: {  	v10 =	vmin.u32 v10, $0x3FF;
	[tilespmem:v14+s15+$0x0] =	vst.idx.add.f32.msk vm6, v2;
	vm6 =	vge.f32 v15, v4;
	v21 =	vcvt.f32.s32 v9  }
0x11b: {  	v14 =	vtrunc.f32 v18;
	[tilespmem:v63+s15+$0x0] =	vst.idx.add.f32.msk vm7, v2;
	vm7 =	vlt.f32 v15, v3;
	v16 =	vmul.f32 v16, v6  }
0x11c: {  	[tilespmem:v17+s15+$0x0] =	vst.idx.add.f32.msk vm8, v2;
	v9 =	vor.u32 v1, v10;
	v10 =	vtrunc.f32 v20;
	vm8 =	vgt.s32 v21, $0x0  }
0x11d: {  	s23 =	simm.s32 $0x80A0;
	s22 =	simm.s32 $0x4;
	v10 =	vcvt.f32.s32 v10;
	v13 =	vtrunc.f32 v16;
	v15 =	vnsel vm8, $0x0, v21  }
.LBB2_16:
0x11e: {  	v16 =	vld [tilespmem:s23+$0x10];
	s22 =	sadd.s32 $0x4, s22;
	v14 =	vcvt.f32.s32 v14;
	vm7 =	vmand vm6, vm7;
	v15 =	vmin.u32 v15, $0x3FF  }
0x11f: {  	vm8 =	vgt.s32 v10, $0x0;
	v13 =	vcvt.f32.s32 v13;
	v17 =	vld [tilespmem:s23+$0xFFFFFFF0];
	p0 =	slt.u32 s22, $0x7FC;
	v15 =	vor.u32 v1, v15  }
0x120: {  	vm6 =	vmand vm2, vm4;
	v10 =	vnsel vm8, $0x0, v10;
	v18 =	vld [tilespmem:s23+$0x0];
	vm9 =	vgt.s32 v14, $0x0  }
0x121: {  	v10 =	vmin.u32 v10, $0x3FF;
	vm2 =	vgt.s32 v13, $0x0;
	v19 =	vld [tilespmem:s23+$0xFFFFFFE0];
	v14 =	vnsel vm9, $0x0, v14  }
0x122: {  	v10 =	vor.u32 v1, v10;
	v13 =	vnsel vm2, $0x0, v13;
	v14 =	vmin.u32 v14, $0x3FF;
	[tilespmem:v9+s15+$0x0] =	vst.idx.add.f32.msk vm0, v2  }
0x123: {  	v13 =	vmin.u32 v13, $0x3FF;
	v9 =	vsub.f32 v16, v4;
	v14 =	vor.u32 v1, v14  }
0x124: {  	vm0 =	vmand vm3, vm5;
	vm2 =	vge.f32 v17, v4;
	v20 =	vsub.f32 v17, v4;
	[tilespmem:v15+s15+$0x0] =	vst.idx.add.f32.msk vm7, v2  }
0x125: {  	vm4 =	vlt.f32 v17, v3;
	v15 =	vsub.f32 v18, v4;
	v9 =	vmul.f32 v9, v5  }
0x126: {  	vm7 =	vge.f32 v19, v4;
	v17 =	vsub.f32 v19, v4;
	v20 =	vmul.f32 v20, v5  }
0x127: {  	vm8 =	vlt.f32 v19, v3;
	v15 =	vmul.f32 v15, v5;
	v9 =	vmul.f32 v9, v6  }
0x128: {  	vm3 =	vge.f32 v18, v4;
	v17 =	vmul.f32 v17, v5;
	v19 =	vmul.f32 v20, v6  }
.Ltmp9:
0x129: {  	vm5 =	vlt.f32 v18, v3;
	v15 =	vmul.f32 v15, v6;
	v9 =	vtrunc.f32 v9;
	[tilespmem:v14+s15+$0x0] =	vst.idx.add.f32.msk vm1, v2;
	(pc) =	sbr.rel @p0 .LBB2_16-.Ltmp9, $4  }
0x12a: {  	v14 =	vmul.f32 v17, v6;
	v17 =	vcvt.f32.s32 v9;
	[tilespmem:v10+s15+$0x0] =	vst.idx.add.f32.msk vm6, v2;
	v9 =	vor.u32 v1, v13  }
0x12b: {  	vm1 =	vmand vm7, vm8;
	v10 =	vtrunc.f32 v19;
	v13 =	vtrunc.f32 v15  }
0x12c: {  	v10 =	vcvt.f32.s32 v10;
	v14 =	vtrunc.f32 v14;
	vm8 =	vgt.s32 v17, $0x0  }
0x12d: {  	s23 =	sadd.s32 $0x40, s23;
	vm7 =	vlt.f32 v16, v3;
	vm6 =	vge.f32 v16, v4;
	v15 =	vnsel vm8, $0x0, v17  }
0x12e: {  	v4 =	vcvt.f32.s32 v14;
	vm6 =	vmand vm6, vm7;
	v5 =	vmin.u32 v15, $0x3FF  }
0x12f: {  	vm14 =	vgt.s32 v10, $0x0;
	v6 =	vcvt.f32.s32 v13;
	vm2 =	vmand vm2, vm4  }
0x130: {  	v5 =	vor.u32 v1, v5;
	v10 =	vnsel vm14, $0x0, v10;
	vm8 =	vgt.s32 v4, $0x0  }
0x131: {  	vm15 =	vgt.s32 v6, $0x0;
	v10 =	vmin.u32 v10, $0x3FF;
	v4 =	vnsel vm8, $0x0, v4  }
0x132: {  	v6 =	vnsel vm15, $0x0, v6;
	v10 =	vor.u32 v1, v10;
	v4 =	vmin.u32 v4, $0x3FF  }
0x133: {  	vm3 =	vmand vm3, vm5;
	v6 =	vmin.u32 v6, $0x3FF;
	v4 =	vor.u32 v1, v4  }
0x134: {  	v6 =	vor.u32 v1, v6  }
0x135: {  	[tilespmem:v9+s15+$0x0] =	vst.idx.add.f32.msk vm0, v2  }
0x136: {  	[tilespmem:v5+s15+$0x0] =	vst.idx.add.f32.msk vm6, v2  }
0x137: {  	[tilespmem:v10+s15+$0x0] =	vst.idx.add.f32.msk vm2, v2  }
0x138: {  	[tilespmem:v4+s15+$0x0] =	vst.idx.add.f32.msk vm1, v2  }
0x139: {  	s24 =	simm.s32 $0x0;
	p0 =	por $0x1, $0x1;
	[tilespmem:v6+s15+$0x0] =	vst.idx.add.f32.msk vm3, v2  }
.Ltmp10:
0x13a: {  	v4 =	vld [tilespmem:s24+$0x8030];
	(pc) =	sbr.rel @!p0 .LBB2_19-.Ltmp10, $4  }
0x13b: {  	v9 =	vld [tilespmem:s24+$0x8000]  }
0x13c: {  	v5 =	vld [tilespmem:s24+$0x8010]  }
0x13d: {  	v6 =	vld [tilespmem:s24+$0x8020]  }
0x13e: {  	s22 =	simm.s32 $0x0;
	s23 =	simm.s32 $0x100  }
.LBB2_18:
0x13f: {  	s24 =	sshra.s32 s23, $0x2;
	p0 =	sne.s32 s23, $0x1FF00;
	s23 =	sadd.s32 $0x100, s23;
	vm0 =	vge.f32 v4, v3  }
.Ltmp11:
0x140: {  	vm1 =	vge.f32 v9, v3;
	v10 =	vnsel vm0, $0x0, v4;
	v4 =	vld [tilespmem:s24+$0x8030];
	(pc) =	sbr.rel @p0 .LBB2_18-.Ltmp11, $4  }
0x141: {  	v13 =	vnsel vm1, $0x0, v9;
	v9 =	vld [tilespmem:s24+$0x8000];
	vm0 =	vge.f32 v5, v3;
	v11 =	vadd.f32 v10, v11  }
0x142: {  	v12 =	vadd.f32 v13, v12;
	v10 =	vnsel vm0, $0x0, v5;
	v5 =	vld [tilespmem:s24+$0x8010];
	vm0 =	vge.f32 v6, v3  }
0x143: {  	v7 =	vadd.f32 v10, v7;
	v10 =	vnsel vm0, $0x0, v6;
	v6 =	vld [tilespmem:s24+$0x8020]  }
0x144: {  	v8 =	vadd.f32 v10, v8  }
.LBB2_19:
0x145: {  	p1 =	por $0x1, $0x1  }
.Ltmp12:
0x146: {  	vm0 =	vge.f32 v4, v3;
	vm1 =	vge.f32 v9, v3;
	(pc) =	sbr.rel @!p1 .LBB2_20-.Ltmp12, $4  }
0x147: {  	v4 =	vnsel vm0, $0x0, v4;
	v9 =	vnsel vm1, $0x0, v9  }
0x148: {  	vm14 =	vge.f32 v5, v3;
	v4 =	vadd.f32 v4, v11;
	vm15 =	vge.f32 v6, v3  }
0x149: {  	s25 =	simm.s32 $0x10080;
	s23 =	sand.u32 $0x3F0, s22;
	v3 =	vadd.f32 v9, v12;
	v5 =	vnsel vm14, $0x0, v5;
	v63 =	vnsel vm15, $0x0, v6  }
0x14a: {  	s22 =	simm.s32 $0x14080;
	s24 =	simm.s32 $0x10;
	p0 =	por $0x0, $0x0;
	v6 =	vadd.f32 v5, v7;
	v7 =	vld [tilespmem:s23+$0x10480];
	v5 =	vadd.f32 v63, v8  }
0x14b: {  	v8 =	vld [tilespmem:s25+$0x0];
	_ =	sdelay $0x1  }
0x14c: {  	v9 =	vld [tilespmem:s23+$0x10880];
	_ =	sdelay $0x1  }
0x14d: {  	v10 =	vld [tilespmem:s23+$0x10C80]  }
0x14e: {  	v7 =	vadd.f32 v7, v8  }
0x14f: {  	v8 =	vld [tilespmem:s23+$0x11080]  }
0x150: {  	v7 =	vadd.f32 v9, v7  }
0x151: {  	v56 =	vld [tilespmem:s23+$0x11480]  }
0x152: {  	v7 =	vadd.f32 v10, v7  }
0x153: {  	v57 =	vld [tilespmem:s23+$0x11880]  }
0x154: {  	v7 =	vadd.f32 v8, v7  }
0x155: {  	v8 =	vld [tilespmem:s23+$0x11C80]  }
0x156: {  	v7 =	vadd.f32 v56, v7  }
0x157: {  	v58 =	vld [tilespmem:s23+$0x12080]  }
0x158: {  	v7 =	vadd.f32 v57, v7  }
0x159: {  	v59 =	vld [tilespmem:s23+$0x12480]  }
0x15a: {  	v7 =	vadd.f32 v8, v7  }
0x15b: {  	v8 =	vld [tilespmem:s23+$0x12880]  }
0x15c: {  	v7 =	vadd.f32 v58, v7  }
0x15d: {  	v60 =	vld [tilespmem:s23+$0x12C80]  }
0x15e: {  	v7 =	vadd.f32 v59, v7  }
0x15f: {  	v61 =	vld [tilespmem:s23+$0x13080]  }
0x160: {  	v7 =	vadd.f32 v8, v7  }
0x161: {  	v8 =	vld [tilespmem:s23+$0x13480]  }
0x162: {  	v7 =	vadd.f32 v60, v7  }
0x163: {  	v62 =	vld [tilespmem:s23+$0x13880]  }
0x164: {  	v7 =	vadd.f32 v61, v7  }
0x165: {  	v63 =	vld [tilespmem:s23+$0x13C80]  }
0x166: {  	v7 =	vadd.f32 v8, v7;
	_ =	sdelay $0x1  }
0x167: {  	p1 =	por $0x1, $0x1;
	v7 =	vadd.f32 v62, v7  }
.Ltmp13:
0x168: {  	_ = 	snop;
	(pc) =	sbr.rel @!p1 .LBB2_22-.Ltmp13, $3  }
0x169: {  	v7 =	vadd.f32 v63, v7;
	_ =	sdelay $0x1  }
0x16a: {  	s26 =	simm.s32 $0x20;
	s23 =	sand.u32 $0x3F0, s24;
	[tilespmem:s22+$0x0] =	vst v7  }
0x16b: {  	s25 =	simm.s32 $0x10090;
	p0 =	por $0x1, $0x1;
	s24 =	simm.s32 $0x14080;
	v7 =	vld [tilespmem:s23+$0x10480]  }
.LBB2_23:
0x16c: {  	p1 =	sne.s32 s26, $0x3F0;
	v8 =	vld [tilespmem:s25+$0x0];
	_ =	sdelay $0x1  }
0x16d: {  	v9 =	vld [tilespmem:s23+$0x10880];
	_ =	sdelay $0x1  }
0x16e: {  	v10 =	vld [tilespmem:s23+$0x10C80]  }
0x16f: {  	v7 =	vadd.f32 v7, v8  }
0x170: {  	v8 =	vld [tilespmem:s23+$0x11080]  }
0x171: {  	v7 =	vadd.f32 v9, v7  }
0x172: {  	v9 =	vld [tilespmem:s23+$0x11480]  }
0x173: {  	v7 =	vadd.f32 v10, v7  }
0x174: {  	v10 =	vld [tilespmem:s23+$0x11880]  }
0x175: {  	v7 =	vadd.f32 v8, v7  }
0x176: {  	v8 =	vld [tilespmem:s23+$0x11C80]  }
0x177: {  	v7 =	vadd.f32 v9, v7  }
0x178: {  	v9 =	vld [tilespmem:s23+$0x12080]  }
0x179: {  	v7 =	vadd.f32 v10, v7  }
0x17a: {  	v10 =	vld [tilespmem:s23+$0x12480]  }
0x17b: {  	v7 =	vadd.f32 v8, v7  }
0x17c: {  	v8 =	vld [tilespmem:s23+$0x12880]  }
0x17d: {  	v7 =	vadd.f32 v9, v7  }
0x17e: {  	v9 =	vld [tilespmem:s23+$0x12C80]  }
0x17f: {  	v7 =	vadd.f32 v10, v7  }
0x180: {  	v10 =	vld [tilespmem:s23+$0x13080]  }
0x181: {  	v7 =	vadd.f32 v8, v7  }
0x182: {  	v8 =	vld [tilespmem:s23+$0x13480]  }
0x183: {  	v7 =	vadd.f32 v9, v7  }
0x184: {  	v9 =	vld [tilespmem:s23+$0x13880]  }
0x185: {  	v7 =	vadd.f32 v10, v7  }
0x186: {  	v10 =	vld [tilespmem:s23+$0x13C80]  }
0x187: {  	v7 =	vadd.f32 v8, v7;
	_ =	sdelay $0x1  }
0x188: {  	v7 =	vadd.f32 v9, v7  }
.Ltmp14:
0x189: {  	(pc) =	sbr.rel @p1 .LBB2_23-.Ltmp14, $4  }
0x18a: {  	v7 =	vadd.f32 v10, v7  }
0x18b: {  	s24 =	sadd.s32 $0x10, s24  }
0x18c: {  	s23 =	sand.u32 $0x3F0, s26;
	[tilespmem:s24+$0x0] =	vst v7  }
0x18d: {  	s25 =	sadd.s32 $0x10, s25;
	s26 =	sadd.s32 $0x10, s26;
	v7 =	vld [tilespmem:s23+$0x10480]  }
.LBB2_24:
0x18e: {  	v8 =	vld [tilespmem:s25+$0x0];
	_ =	sdelay $0x1  }
0x18f: {  	v9 =	vld [tilespmem:s23+$0x10880];
	_ =	sdelay $0x1  }
0x190: {  	v10 =	vld [tilespmem:s23+$0x10C80]  }
0x191: {  	v7 =	vadd.f32 v7, v8  }
0x192: {  	v50 =	vld [tilespmem:s23+$0x11080]  }
0x193: {  	v7 =	vadd.f32 v9, v7  }
0x194: {  	v51 =	vld [tilespmem:s23+$0x11480]  }
0x195: {  	v7 =	vadd.f32 v10, v7  }
0x196: {  	v52 =	vld [tilespmem:s23+$0x11880]  }
0x197: {  	v7 =	vadd.f32 v50, v7  }
0x198: {  	v53 =	vld [tilespmem:s23+$0x11C80]  }
0x199: {  	v7 =	vadd.f32 v51, v7  }
0x19a: {  	v54 =	vld [tilespmem:s23+$0x12080]  }
0x19b: {  	v7 =	vadd.f32 v52, v7  }
0x19c: {  	v55 =	vld [tilespmem:s23+$0x12480]  }
0x19d: {  	v7 =	vadd.f32 v53, v7  }
0x19e: {  	v56 =	vld [tilespmem:s23+$0x12880]  }
0x19f: {  	v7 =	vadd.f32 v54, v7  }
0x1a0: {  	v57 =	vld [tilespmem:s23+$0x12C80]  }
0x1a1: {  	v7 =	vadd.f32 v55, v7  }
0x1a2: {  	v58 =	vld [tilespmem:s23+$0x13080]  }
0x1a3: {  	v7 =	vadd.f32 v56, v7  }
0x1a4: {  	v59 =	vld [tilespmem:s23+$0x13480]  }
0x1a5: {  	v7 =	vadd.f32 v57, v7  }
0x1a6: {  	v60 =	vld [tilespmem:s23+$0x13880]  }
0x1a7: {  	v7 =	vadd.f32 v58, v7  }
0x1a8: {  	v61 =	vld [tilespmem:s23+$0x13C80]  }
0x1a9: {  	v7 =	vadd.f32 v59, v7  }
0x1aa: {  	v3 =	vadd.f32 v6, v3  }
0x1ab: {  	v62 =	vadd.f32 v60, v7  }
0x1ac: {  	v3 =	vadd.f32 v5, v3  }
0x1ad: {  	s23 =	sadd.s32 @p0 $0x10, s24;
	v63 =	vadd.f32 v61, v62  }
0x1ae: {  	s22 =	smov.u32 @p0 s23;
	v3 =	vadd.f32 v4, v3  }
0x1af: {  	[tilespmem:s22+$0x0] =	vst v63  }
0x1b0: {  	[tilespmem:$0x14480] =	vst v3  }
0x1b1: {  	[hbm4b:s8+s17] =	stream.strided.scatter [tilespmem:s19], [sflag:$0x3], $0x400, s18, s17, $0x38;
	[tilespmem:$0x14500] =	vst v63  }
0x1b2: {  	_ =	swait.ge [sflag:s12], $0x400  }
0x1b3: {  	s21 =	sadd.s32 $0x1, s21;
	[sflag:s12] =	ssyncset.done $0x0  }
0x1b4: {  	p0 =	sne.s32 s21, s10;
	[sflag:s12] =	ssyncadd.s32 $0xFFFFFC00  }
0x1b5: {  	[hbm4b:s9+s3] =	stream.linear.scatter [tilespmem:s20], [sflag:$0x3], $0x80, $0x38;
	[tilespmem:$0x14500] =	vst v63  }
.Ltmp15:
0x1b6: {  	_ = 	snop;
	(pc) =	sbr.rel @p0 .LBB2_1-.Ltmp15, $4  }
.Ltmp16:
0x1b7: {  	_ = 	snop;
	(pc) =	sbr.rel @!p0 .LBB2_25-.Ltmp16, $4  }
0x1b8: {  	_ =	swait.ge [sflag:s12], $0x80  }
0x1b9: {  	[sflag:s12] =	ssyncset.done $0x0  }
0x1ba: {  	[sflag:s12] =	ssyncadd.s32 $0xFFFFFF80  }
0x1bb: {  	_ = 	snop  }
.LBB2_20:
.Ltmp17:
0x1bc: {  	(pc) =	sbr.rel .LBB2_24-.Ltmp17, $2  }
0x1bd: {  	_ =	sdelay $0x2  }
0x1be: {  	s24 =	simm.s32 $0x14080  }
.LBB2_22:
.Ltmp18:
0x1bf: {  	(pc) =	sbr.rel .LBB2_24-.Ltmp18, $2  }
0x1c0: {  	_ =	sdelay $0x2  }
0x1c1: {  	s24 =	simm.s32 $0x14080  }
.LBB2_25:
0x1c2: {  	_ =	sfence.sel $0x180000  }
0x1c3: {  	[bflag:$0x0] =	sbarrier.arrive $0xFFFF  }
0x1c4: {  	p0 =	sne.s32 s0, $0x0;
	_ =	strace $0x9000004D  }
0x1c5: {  	s0 =	sadd.s32 @!p0 $0x100000, s1;
	[bflag:$0x2] =	sbarrier.arrive $0xFFFF  }
0x1c6: {  	[sflag:s0] =	ssyncadd.tile.s32 @!p0 $0x1;
	_ =	shalt  }
.Lfunc_end2:
_tile_overlayer_lowered:
.L_overlay_start_2:
0x1c7: {  	(tag) =	ssettag $0x2  }
0x1c8: {  	s0 =	rddreg [dreg:$0x0];
	s2 =	stileid.u32  }
0x1c9: {  	s1 =	rddreg [dreg:$0x1];
	p0 =	sne.s32 s2, $0x0  }
0x1ca: {  	s3 =	rddreg [dreg:$0x2];
	[bflag:$0x3] =	sbarrier.arrive $0xFFFF;
	s2 =	simm.s32 @!p0 $0x1C03  }
0x1cb: {  	[timem:s3], [sflag:s2] =	dma.local @!p0 [hbm:s0], s1  }
0x1cc: {  	s0 =	simm.s32 @!p0 $0x3  }
0x1cd: {  	_ =	swait.ge @!p0 [sflag:s0], s1  }
0x1ce: {  	s1 =	ssub.s32 @!p0 $0x0, s1;
	[sflag:s0] =	ssyncset.done @!p0 $0x0  }
0x1cf: {  	[sflag:s0] =	ssyncadd.s32 @!p0 s1  }
0x1d0: {  	[bflag:$0x3] =	sbarrier.arrive $0xFFFF  }
0x1d1: {  	_ =	shalt  }

// kernel: branch_0_fun.6.cloned.1.call-start
scs
__scs_entry_jumppad:
0x0: {  	(pc) =	sbr.rel $0x88, $3  }
0x1: {  	(tag) =	ssettag $0x0;
	lr =	simm.s32 $0x1  }
0x2: {  	[smem:$0x3F9F] =	sst lr;
	_ =	strace $0xD0000000  }
0x3: {  	_ = 	snop  }
0x4: {  	_ = 	snop  }
0x5: {  	_ = 	snop  }
0x6: {  	_ = 	snop  }
0x7: {  	_ = 	snop  }
__scs_overlays_trampoline_lowered:
0x8: {  	[smem:$0x3FAE] =	sst s0  }
0x9: {  	[smem:$0x3FAF] =	sst s1  }
0xa: {  	[smem:$0x3FB0] =	sst s2  }
0xb: {  	[smem:$0x3FB1] =	sst s3  }
0xc: {  	[smem:$0x3FB2] =	sst s4  }
0xd: {  	[smem:$0x3FB3] =	sst s5  }
0xe: {  	[smem:$0x3FB4] =	sst s6  }
0xf: {  	[smem:$0x3FB5] =	sst s7  }
0x10: {  	[smem:$0x3FB6] =	sst s8  }
0x11: {  	[smem:$0x3FB7] =	sst s9;
	s0 =	simm.s32 @!p0 $0x0  }
0x12: {  	s1 =	sld [smem:$0x3F9D];
	s0 =	simm.s32 @p0 $0x1  }
0x13: {  	[smem:$0x3FB8] =	sst s0;
	s0 =	simm.s32 @!p1 $0x0  }
0x14: {  	s2 =	sld [smem:$0x3F9C];
	s0 =	simm.s32 @p1 $0x1  }
0x15: {  	[smem:$0x3FB9] =	sst s0;
	s0 =	simm.s32 @!p2 $0x0  }
0x16: {  	s3 =	sld [smem:$0x3FDB];
	s0 =	simm.s32 @p2 $0x1  }
0x17: {  	s4 =	simm.s32 $0x1BF5;
	[smem:$0x3FBB] =	sst s0  }
0x18: {  	s0 =	sld [smem:$0x3F9E];
	_ =	swait.ge [sflag:s4], $0x0  }
0x19: {  	s7 =	sld [smem:$0x3F9F]  }
0x1a: {  	s8 =	sadd.s32 $0xFFFFE003, lr  }
0x1b: {  	s9 =	sadd.s32 $0xFFFFFEF7, lr;
	s5 =	simm.s32 $0xFFFFFFFF;
	p2 =	slt.u32 s8, $0xFFFFF086  }
0x1c: {  	p1 =	slt.u32 s9, $0xF7A;
	s5 =	simm.s32 @!p2 $0x0  }
0x1d: {  	s5 =	simm.s32 @p1 $0x1;
	p0 =	seq.s32 s7, s2  }
0x1e: {  	s7 =	smul.u32 @!p0 $0xF7A, s2;
	p2 =	seq.s32 @!p0 s5, $0x0  }
0x1f: {  	s9 =	smul.u32 $0xF7A, s1;
	s8 =	simm.s32 @!p0 $0x1BF5;
	p2 =	por !p2, p0  }
0x20: {  	[sflag:s8] =	ssyncset.s32 @!p0 $0xFFFFF086;
	s6 =	sadd.s32 @!p0 s3, s7;
	s7 =	simm.s32 @!p0 $0x108  }
0x21: {  	s3 =	sadd.s32 s3, s9;
	s6 =	sadd.s32 @!p0 $0x88, s6;
	s7 =	simm.s32 @p2 $0x1082  }
0x22: {  	[simem:s7], [sflag:s8] =	dma.local @!p0 [hbm:s6], $0xF7A  }
0x23: {  	s9 =	sor.u32 $0xD0000000, s2;
	s6 =	simm.s32 $0x108;
	_ =	swait.ge @!p0 [sflag:s8], $0x0  }
0x24: {  	s3 =	sadd.s32 $0x88, s3;
	s6 =	simm.s32 @!p1 $0x1082;
	[sflag:s4] =	ssyncset.s32 $0xFFFFF086  }
0x25: {  	[simem:s6], [sflag:s4] =	dma.local [hbm:s3], $0xF7A  }
0x26: {  	[smem:$0x3F9F] =	sst s1;
	(tag) =	ssettag s2;
	_ =	strace s9  }
0x27: {  	s1 =	sld [smem:$0x3FAF]  }
0x28: {  	s2 =	sld [smem:$0x3FB0]  }
0x29: {  	s4 =	sld [smem:$0x3FB2]  }
0x2a: {  	p0 =	seq.s32 s5, $0x0;
	s5 =	sld [smem:$0x3FB3]  }
0x2b: {  	s6 =	sld [smem:$0x3FB4]  }
0x2c: {  	s7 =	sld [smem:$0x3FB5]  }
0x2d: {  	s3 =	simm.s32 $0x108;
	s8 =	sld [smem:$0x3FB6]  }
0x2e: {  	s3 =	simm.s32 @!p0 $0x1082;
	s9 =	sld [smem:$0x3FB7]  }
0x2f: {  	lr =	sadd.s32 s0, s3;
	s0 =	sld [smem:$0x3FAE]  }
0x30: {  	s3 =	sld [smem:$0x3FB1]  }
0x31: {  	[smem:$0x3FBA] =	sst s10  }
0x32: {  	s10 =	sld [smem:$0x3FB8];
	_ =	sdelay $0x3  }
0x33: {  	p0 =	seq.s32 s10, $0x1;
	s10 =	sld [smem:$0x3FBA];
	_ =	sdelay $0x3  }
0x34: {  	[smem:$0x3FBA] =	sst s10  }
0x35: {  	s10 =	sld [smem:$0x3FB9];
	_ =	sdelay $0x3  }
0x36: {  	p1 =	seq.s32 s10, $0x1;
	s10 =	sld [smem:$0x3FBA];
	_ =	sdelay $0x3  }
0x37: {  	[smem:$0x3FBA] =	sst s10  }
0x38: {  	s10 =	sld [smem:$0x3FBB]  }
0x39: {  	_ = 	snop;
	(pc) =	sbr.ind lr, $3  }
0x3a: {  	_ = 	snop  }
0x3b: {  	_ = 	snop  }
0x3c: {  	p2 =	seq.s32 s10, $0x1;
	s10 =	sld [smem:$0x3FBA]  }
0x3d: {  	_ =	shalt  }
0x3e: {  	_ =	shalt  }
0x3f: {  	_ =	shalt  }
0x40: {  	_ =	shalt  }
0x41: {  	_ =	shalt  }
0x42: {  	_ =	shalt  }
0x43: {  	_ =	shalt  }
0x44: {  	_ =	shalt  }
0x45: {  	_ =	shalt  }
0x46: {  	_ =	shalt  }
0x47: {  	_ =	shalt  }
0x48: {  	_ =	shalt  }
0x49: {  	_ =	shalt  }
0x4a: {  	_ =	shalt  }
0x4b: {  	_ =	shalt  }
0x4c: {  	_ =	shalt  }
0x4d: {  	_ =	shalt  }
0x4e: {  	_ =	shalt  }
0x4f: {  	_ =	shalt  }
0x50: {  	_ =	shalt  }
0x51: {  	_ =	shalt  }
0x52: {  	_ =	shalt  }
0x53: {  	_ =	shalt  }
0x54: {  	_ =	shalt  }
0x55: {  	_ =	shalt  }
0x56: {  	_ =	shalt  }
0x57: {  	_ =	shalt  }
0x58: {  	_ =	shalt  }
0x59: {  	_ =	shalt  }
0x5a: {  	_ =	shalt  }
0x5b: {  	_ =	shalt  }
0x5c: {  	_ =	shalt  }
0x5d: {  	_ =	shalt  }
0x5e: {  	_ =	shalt  }
0x5f: {  	_ =	shalt  }
0x60: {  	_ =	shalt  }
0x61: {  	_ =	shalt  }
0x62: {  	_ =	shalt  }
0x63: {  	_ =	shalt  }
0x64: {  	_ =	shalt  }
0x65: {  	_ =	shalt  }
0x66: {  	_ =	shalt  }
0x67: {  	_ =	shalt  }
0x68: {  	_ =	shalt  }
0x69: {  	_ =	shalt  }
0x6a: {  	_ =	shalt  }
0x6b: {  	_ =	shalt  }
0x6c: {  	_ =	shalt  }
0x6d: {  	_ =	shalt  }
0x6e: {  	_ =	shalt  }
0x6f: {  	_ =	shalt  }
0x70: {  	_ =	shalt  }
0x71: {  	_ =	shalt  }
0x72: {  	_ =	shalt  }
0x73: {  	_ =	shalt  }
0x74: {  	_ =	shalt  }
0x75: {  	_ =	shalt  }
0x76: {  	_ =	shalt  }
0x77: {  	_ =	shalt  }
0x78: {  	_ =	shalt  }
0x79: {  	_ =	shalt  }
0x7a: {  	_ =	shalt  }
0x7b: {  	_ =	shalt  }
0x7c: {  	_ =	shalt  }
0x7d: {  	_ =	shalt  }
0x7e: {  	_ =	shalt  }
0x7f: {  	_ =	shalt  }
0x80: {  	_ =	shalt  }
0x81: {  	_ =	shalt  }
0x82: {  	_ =	shalt  }
0x83: {  	_ =	shalt  }
0x84: {  	_ =	shalt  }
0x85: {  	_ =	shalt  }
0x86: {  	_ =	shalt  }
0x87: {  	_ =	shalt  }
.Lfunc_end0:
.L_simem_size_0:
called_computation_lowered:
.L_overlay_start_0:
0x88: {  	s2 =	sld [smem:$0x3FD9]  }
0x89: {  	s3 =	sld [smem:$0x3FFE];
	_ =	sdelay $0x1  }
0x8a: {  	s1 =	srdreg.scid  }
0x8b: {  	s0 =	sand.u32 $0x1, s1  }
0x8c: {  	s17 =	sshll.u32 s0, $0xA;
	s2 =	sadd.s32 s3, s2  }
0x8d: {  	s2 =	sadd.s32 s2, s17  }
0x8e: {  	[smem:$0x3FC6] =	sst s2  }
0x8f: {  	_ = 	snop  }
0x90: {  	s2 =	sld [smem:$0x3FD0];
	(tm) =	ssettm $0x1  }
0x91: {  	s18 =	sld [smem:$0x3FFB];
	_ =	sdelay $0x3  }
0x92: {  	_ =	strace s18  }
0x93: {  	s3 =	sld [smem:$0x3FFC];
	_ =	sdelay $0x3  }
0x94: {  	_ =	strace s3  }
0x95: {  	s3 =	sld [smem:$0x3FFD];
	_ =	sdelay $0x3  }
0x96: {  	_ =	strace s3  }
0x97: {  	_ =	strace $0x8FFFFFFF  }
0x98: {  	s19 =	sld [smem:$0x3FDB];
	_ =	sdelay $0x1  }
0x99: {  	s4 =	simm.s32 $_scs_section_size  }
0x9a: {  	s5 =	simm.s32 $_size__tile_overlayer_lowered;
	s6 =	simm.s32 $_tile_overlayer_lowered  }
0x9b: {  	s22 =	simm.s32 $0x1BFF;
	s21 =	sshll.u32 s6, $0x1;
	s3 =	sadd.s32 s4, s19  }
0x9c: {  	s7 =	simm.s32 $0x0;
	s20 =	sshll.u32 s5, $0x1;
	s5 =	sadd.s32 s21, s3  }
0x9d: {  	[timem:s7], [sflag:s22] =	dma.local [hbm:s5], s20  }
0x9e: {  	_ =	swait.ge [sflag:s22], s20  }
0x9f: {  	s4 =	ssub.s32 $0x0, s20;
	[sflag:s22] =	ssyncset.done $0x0  }
0xa0: {  	[sflag:s22] =	ssyncadd.s32 s4;
	_ =	sdelay $0x1  }
0xa1: {  	s23 =	simm.s32 $0x1B8B  }
0xa2: {  	_ =	swait.ge [sflag:s23], $0x1  }
0xa3: {  	[sflag:s23] =	ssyncset.done $0x0  }
0xa4: {  	s25 =	simm.s32 $0x1B8E;
	s24 =	sld [smem:$0x3FFE];
	[sflag:s23] =	ssyncadd.s32 $0xFFFFFFFF  }
0xa5: {  	s26 =	simm.s32 $execute0_lowered;
	[smem:$0x3FD2] =	sst s25  }
0xa6: {  	s5 =	sshll.u32 s26, $0x1;
	_ =	strace $0x80000046;
	[dreg:$0x1] =	wrdreg $0xFFFFFFFF  }
0xa7: {  	s28 =	simm.s32 $_size_execute0_lowered;
	s3 =	sadd.s32 s3, s5;
	[dreg:$0x0] =	wrdreg $0x0  }
0xa8: {  	s5 =	sshll.u32 s28, $0x1;
	[dreg:$0x2] =	wrdreg s3  }
0xa9: {  	[dreg:$0x3] =	wrdreg s5  }
0xaa: {  	[dreg:$0x4] =	wrdreg $0xC0  }
0xab: {  	_ =	task [dreg:s7], $0x5FFFF  }
0xac: {  	[dreg:$0x1] =	wrdreg $0xFFFFFFFF  }
0xad: {  	[dreg:$0x0] =	wrdreg $0x60  }
0xae: {  	[dreg:$0x2] =	wrdreg s24  }
0xaf: {  	[dreg:$0x3] =	wrdreg s2  }
0xb0: {  	[dreg:$0x4] =	wrdreg $0x9  }
0xb1: {  	_ =	task.clear_ibuf [dreg:s7], $0x5FFFF;
	_ =	strace $0x90000046  }
0xb2: {  	s29 =	simm.s32 $0x9;
	_ =	strace $0x80000048  }
0xb3: {  	_ =	swait.ge [sflag:s29], $0x1  }
0xb4: {  	[sflag:s29] =	ssyncadd.s32 $0xFFFFFFFF  }
0xb5: {  	_ =	strace $0x90000048  }
0xb6: {  	_ =	sfence  }
0xb7: {  	s30 =	sld [smem:$0x0];
	_ =	sdelay $0x2  }
0xb8: {  	s31 =	sshll.u32 s1, $0xD;
	s1 =	sshrl.u32 s1, $0x2  }
0xb9: {  	s3 =	sand.u32 $0x4000, s31;
	s1 =	sadd.s32 s1, s30  }
0xba: {  	s0 =	sor.u32 s3, s0;
	s1 =	sshll.u32 s1, $0x11  }
0xbb: {  	s0 =	sor.u32 s1, s0  }
0xbc: {  	s0 =	sadd.s32 $0x8F2B, s0  }
0xbd: {  	[sflag:s0] =	ssyncadd.remote.s32 $0x1  }
0xbe: {  	_ =	sfence.sel $0xFFFF  }
0xbf: {  	[dreg:$0x0] =	wrdreg $0xFFFFFFFF;
	(pc) =	sbr.abs _section_cstart, $3  }
0xc0: {  	[dreg:$0x1] =	wrdreg $0xFFFFFFFF  }
0xc1: {  	_ =	task.clear_ibuf [dreg:s7], $0x2FFFF;
	_ =	strace $0x9FFFFFFF  }
0xc2: {  	(tm) =	ssettm $0x7FFFFFFF  }
0xc3: {  	_ =	shalt  }
tec
execute0_lowered:
.L_overlay_start_1:
0x0: {  	(tag) =	ssettag $0x1  }
0x1: {  	s4 =	rddreg [dreg:$0x0]  }
0x2: {  	s2 =	rddreg [dreg:$0x1]  }
0x3: {  	s0 =	rddreg [dreg:$0x2]  }
0x4: {  	s5 =	srdreg.scid;
	s1 =	stileid.u32  }
0x5: {  	s3 =	simm.s32 $0x0;
	s12 =	simm.s32 $0x1;
	s13 =	simm.s32 $0x8000  }
0x6: {  	s14 =	simm.s32 $0x10080;
	s15 =	simm.s32 $0x2;
	s16 =	simm.s32 $0x80  }
0x7: {  	s17 =	simm.s32 $0x400;
	s18 =	simm.s32 $0x18080;
	s19 =	simm.s32 $0x0  }
0x8: {  	s5 =	sand.u32 $0x1, s5;
	s6 =	sshll.u32 s1, $0x1;
	[smem:$0x7FF] =	sst s3  }
0x9: {  	s7 =	sshll.u32 s1, $0x9;
	s6 =	sor.u32 s5, s6;
	_ =	strace $0x80000047  }
0xa: {  	s7 =	sand.u32 $0x1800, s7;
	s5 =	ssub.s32 $0x2, s5;
	s8 =	sshll.u32 s6, $0xE  }
0xb: {  	s9 =	sadd.s32 s7, s4;
	s6 =	sshll.u32 s6, $0x4;
	s8 =	sadd.s32 s8, s4  }
0xc: {  	s30 =	sshrl.u32 s5, $0x1;
	s11 =	sand.u32 $0x70, s6;
	s4 =	sadd.s32 $0x100400, s8  }
0xd: {  	s10 =	ssub.s32 s5, s30;
	s5 =	sadd.s32 $0x101400, s8;
	s6 =	sadd.s32 $0x102400, s8  }
0xe: {  	v1 =	vlaneseq.u32;
	s7 =	sadd.s32 $0x103400, s8;
	s31 =	sadd.s32 s11, s9;
	s9 =	smax.u32 s10, $0x1  }
0xf: {  	v0 =	vimm.f32 $0.0e+00;
	v2 =	vimm.f32 $1.000000000e+00;
	v1 =	vmul.u32 $0x800, v1;
	s10 =	simm.s32 $0x10000;
	s11 =	simm.s32 $0x3;
	s8 =	sadd.s32 $0x180400, s31  }
.LBB2_1:
0x10: {  	[tilespmem:s3], [sflag:$0x1] =	stream.linear.gather [hbm4b:s4+s3], $0x8000, $0x38;
	[tilespmem:$0x18880] =	vst v63  }
0x11: {  	s20 =	simm.s32 $0x0;
	s21 =	simm.s32 $0x200  }
.LBB2_2:
0x12: {  	p0 =	sne.s32 s21, $0x1FE00;
	[tilespmem:s20+$0x100F0] =	vst v0  }
0x13: {  	[tilespmem:s20+$0x10080] =	vst v0  }
0x14: {  	[tilespmem:s20+$0x10090] =	vst v0  }
.Ltmp0:
0x15: {  	[tilespmem:s20+$0x100A0] =	vst v0;
	(pc) =	sbr.rel @p0 .LBB2_2-.Ltmp0, $4  }
0x16: {  	[tilespmem:s20+$0x100B0] =	vst v0  }
0x17: {  	[tilespmem:s20+$0x100C0] =	vst v0  }
0x18: {  	[tilespmem:s20+$0x100D0] =	vst v0  }
0x19: {  	[tilespmem:s20+$0x100E0] =	vst v0;
	s20 =	sshra.s32 s21, $0x2;
	s21 =	sadd.s32 $0x200, s21  }
0x1a: {  	[tilespmem:s20+$0x100F0] =	vst v0  }
0x1b: {  	[tilespmem:s20+$0x10080] =	vst v0  }
0x1c: {  	[tilespmem:s20+$0x10090] =	vst v0  }
0x1d: {  	[tilespmem:s20+$0x100A0] =	vst v0  }
0x1e: {  	[tilespmem:s20+$0x100B0] =	vst v0  }
0x1f: {  	[tilespmem:s20+$0x100C0] =	vst v0  }
0x20: {  	[tilespmem:s20+$0x100D0] =	vst v0  }
0x21: {  	[tilespmem:s20+$0x100E0] =	vst v0  }
0x22: {  	[tilespmem:s10], [sflag:$0x3] =	stream.linear.gather [hbm4b:s2+s3], $0x80, $0x38;
	[tilespmem:$0x18880] =	vst v63  }
0x23: {  	_ =	swait.ge [sflag:s11], $0x80  }
0x24: {  	[sflag:s11] =	ssyncset.done $0x0  }
0x25: {  	[sflag:s11] =	ssyncadd.s32 $0xFFFFFF80  }
0x26: {  	_ =	swait.ge [sflag:s12], $0x8000  }
0x27: {  	[sflag:s12] =	ssyncset.done $0x0  }
0x28: {  	s30 =	simm.s32 $0x20;
	[sflag:s12] =	ssyncadd.s32 $0xFFFF8000  }
0x29: {  	[tilespmem:s13], [sflag:$0x2] =	stream.linear.gather [hbm4b:s5+s3], $0x8000, $0x38;
	[tilespmem:$0x18880] =	vst v63  }
0x2a: {  	v3 =	vld [tilespmem:s30+$0x10]  }
0x2b: {  	v4 =	vld [tilespmem:s30+$0xFFFFFFF0]  }
0x2c: {  	v5 =	vld [tilespmem:s30+$0x0]  }
0x2d: {  	v6 =	vld [tilespmem:s30+$0xFFFFFFE0];
	_ =	sdelay $0x1  }
0x2e: {  	s31 =	simm.s32 $0x60  }
0x2f: {  	v8 =	vld [tilespmem:s31+$0x10]  }
0x30: {  	v3 =	vshrl.u32 v3, $0x15;
	v4 =	vshrl.u32 v4, $0x15  }
0x31: {  	v5 =	vshrl.u32 v5, $0x15;
	v6 =	vshrl.u32 v6, $0x15;
	v7 =	vand.u32 $0x780, v3  }
0x32: {  	v10 =	vld [tilespmem:s31+$0xFFFFFFF0];
	v3 =	vand.u32 $0x7F, v3;
	v9 =	vand.u32 $0x780, v4;
	v7 =	vor.u32 v1, v7  }
0x33: {  	v11 =	vld [tilespmem:s31+$0x0];
	v4 =	vand.u32 $0x7F, v4;
	v9 =	vor.u32 v1, v9;
	v7 =	vor.u32 v3, v7  }
0x34: {  	v12 =	vand.u32 $0x780, v5;
	v4 =	vor.u32 v4, v9;
	v9 =	vshrl.u32 v8, $0x15;
	v8 =	vld [tilespmem:s31+$0xFFFFFFE0]  }
0x35: {  	v5 =	vand.u32 $0x7F, v5;
	v12 =	vor.u32 v1, v12;
	v3 =	vand.u32 $0x780, v6  }
0x36: {  	v6 =	vand.u32 $0x7F, v6;
	v5 =	vor.u32 v5, v12;
	v3 =	vor.u32 v1, v3  }
0x37: {  	v3 =	vor.u32 v6, v3;
	v6 =	vshrl.u32 v10, $0x15;
	v10 =	vand.u32 $0x780, v9  }
0x38: {  	s20 =	simm.s32 $0x4;
	s21 =	simm.s32 $0xA0;
	v9 =	vand.u32 $0x7F, v9;
	v10 =	vor.u32 v1, v10;
	[tilespmem:v7+s14+$0x0] =	vst.idx.add.f32.msk $0xffff, v2;
	v7 =	vshrl.u32 v11, $0x15  }
.LBB2_4:
0x39: {  	v11 =	vld [tilespmem:s21+$0x10];
	s20 =	sadd.s32 $0x4, s20;
	v8 =	vshrl.u32 v8, $0x15;
	v12 =	vand.u32 $0x780, v6;
	v9 =	vor.u32 v9, v10  }
0x3a: {  	v14 =	vand.u32 $0x780, v7;
	v10 =	vld [tilespmem:s21+$0xFFFFFFF0];
	p0 =	slt.u32 s20, $0x7FC;
	v13 =	vand.u32 $0x780, v8;
	v12 =	vor.u32 v1, v12  }
0x3b: {  	v16 =	vand.u32 $0x7F, v8;
	v14 =	vor.u32 v1, v14;
	v15 =	vld [tilespmem:s21+$0x0];
	v13 =	vor.u32 v1, v13  }
.Ltmp1:
0x3c: {  	v6 =	vand.u32 $0x7F, v6;
	v7 =	vand.u32 $0x7F, v7;
	v8 =	vld [tilespmem:s21+$0xFFFFFFE0];
	v13 =	vor.u32 v16, v13;
	(pc) =	sbr.rel @p0 .LBB2_4-.Ltmp1, $4  }
0x3d: {  	v12 =	vor.u32 v6, v12;
	v14 =	vor.u32 v7, v14;
	[tilespmem:v3+s14+$0x0] =	vst.idx.add.f32.msk $0xffff, v2;
	v3 =	vmov v13  }
0x3e: {  	v11 =	vshrl.u32 v11, $0x15;
	[tilespmem:v9+s14+$0x0] =	vst.idx.add.f32.msk $0xffff, v2  }
0x3f: {  	v6 =	vshrl.u32 v10, $0x15;
	v10 =	vand.u32 $0x780, v11;
	[tilespmem:v4+s14+$0x0] =	vst.idx.add.f32.msk $0xffff, v2;
	v4 =	vmov v12  }
0x40: {  	s21 =	sadd.s32 $0x40, s21;
	v9 =	vand.u32 $0x7F, v11;
	v7 =	vshrl.u32 v15, $0x15;
	v10 =	vor.u32 v1, v10;
	[tilespmem:v5+s14+$0x0] =	vst.idx.add.f32.msk $0xffff, v2;
	v5 =	vmovc v14  }
0x41: {  	v8 =	vshrl.u32 v8, $0x15  }
0x42: {  	v9 =	vor.u32 v9, v10;
	v10 =	vand.u32 $0x780, v6;
	v12 =	vand.u32 $0x780, v7  }
0x43: {  	v6 =	vand.u32 $0x7F, v6;
	v11 =	vand.u32 $0x780, v8;
	v10 =	vor.u32 v1, v10  }
0x44: {  	v8 =	vand.u32 $0x7F, v8;
	v11 =	vor.u32 v1, v11;
	v6 =	vor.u32 v6, v10  }
0x45: {  	v7 =	vand.u32 $0x7F, v7;
	[tilespmem:v3+s14+$0x0] =	vst.idx.add.f32.msk $0xffff, v2;
	v8 =	vor.u32 v8, v11;
	v11 =	vor.u32 v1, v12  }
0x46: {  	[tilespmem:v4+s14+$0x0] =	vst.idx.add.f32.msk $0xffff, v2;
	v3 =	vor.u32 v7, v11  }
0x47: {  	[tilespmem:v5+s14+$0x0] =	vst.idx.add.f32.msk $0xffff, v2  }
0x48: {  	[tilespmem:v9+s14+$0x0] =	vst.idx.add.f32.msk $0xffff, v2  }
0x49: {  	[tilespmem:v6+s14+$0x0] =	vst.idx.add.f32.msk $0xffff, v2  }
0x4a: {  	[tilespmem:v8+s14+$0x0] =	vst.idx.add.f32.msk $0xffff, v2  }
0x4b: {  	[tilespmem:v3+s14+$0x0] =	vst.idx.add.f32.msk $0xffff, v2  }
0x4c: {  	_ =	swait.ge [sflag:s15], $0x8000  }
0x4d: {  	[sflag:s15] =	ssyncset.done $0x0  }
0x4e: {  	s20 =	simm.s32 $0x8020;
	[sflag:s15] =	ssyncadd.s32 $0xFFFF8000  }
0x4f: {  	[tilespmem:s3], [sflag:$0x1] =	stream.linear.gather [hbm4b:s6+s3], $0x8000, $0x38;
	[tilespmem:$0x18880] =	vst v63  }
0x50: {  	v3 =	vld [tilespmem:s20+$0x10]  }
0x51: {  	v4 =	vld [tilespmem:s20+$0xFFFFFFF0]  }
0x52: {  	v5 =	vld [tilespmem:s20+$0x0]  }
0x53: {  	v6 =	vld [tilespmem:s20+$0xFFFFFFE0];
	_ =	sdelay $0x1  }
0x54: {  	s31 =	simm.s32 $0x8060  }
0x55: {  	v8 =	vld [tilespmem:s31+$0x10]  }
0x56: {  	v3 =	vshrl.u32 v3, $0x15;
	v4 =	vshrl.u32 v4, $0x15  }
0x57: {  	v5 =	vshrl.u32 v5, $0x15;
	v6 =	vshrl.u32 v6, $0x15;
	v7 =	vand.u32 $0x780, v3  }
0x58: {  	v10 =	vld [tilespmem:s31+$0xFFFFFFF0];
	v3 =	vand.u32 $0x7F, v3;
	v9 =	vand.u32 $0x780, v4;
	v7 =	vor.u32 v1, v7  }
0x59: {  	v11 =	vld [tilespmem:s31+$0x0];
	v4 =	vand.u32 $0x7F, v4;
	v9 =	vor.u32 v1, v9;
	v7 =	vor.u32 v3, v7  }
0x5a: {  	v63 =	vand.u32 $0x780, v5;
	v4 =	vor.u32 v4, v9;
	v9 =	vshrl.u32 v8, $0x15;
	v8 =	vld [tilespmem:s31+$0xFFFFFFE0]  }
0x5b: {  	v5 =	vand.u32 $0x7F, v5;
	v12 =	vor.u32 v1, v63;
	v3 =	vand.u32 $0x780, v6  }
0x5c: {  	v6 =	vand.u32 $0x7F, v6;
	v5 =	vor.u32 v5, v12;
	v3 =	vor.u32 v1, v3  }
0x5d: {  	v3 =	vor.u32 v6, v3;
	v6 =	vshrl.u32 v10, $0x15;
	v10 =	vand.u32 $0x780, v9  }
0x5e: {  	s21 =	simm.s32 $0x80A0;
	s20 =	simm.s32 $0x4;
	v9 =	vand.u32 $0x7F, v9;
	v10 =	vor.u32 v1, v10;
	[tilespmem:v7+s14+$0x0] =	vst.idx.add.f32.msk $0xffff, v2;
	v7 =	vshrl.u32 v11, $0x15  }
.LBB2_6:
0x5f: {  	v11 =	vld [tilespmem:s21+$0x10];
	s20 =	sadd.s32 $0x4, s20;
	v8 =	vshrl.u32 v8, $0x15;
	v12 =	vand.u32 $0x780, v6;
	v9 =	vor.u32 v9, v10  }
0x60: {  	v14 =	vand.u32 $0x780, v7;
	v10 =	vld [tilespmem:s21+$0xFFFFFFF0];
	p0 =	slt.u32 s20, $0x7FC;
	v13 =	vand.u32 $0x780, v8;
	v12 =	vor.u32 v1, v12  }
0x61: {  	v16 =	vand.u32 $0x7F, v8;
	v14 =	vor.u32 v1, v14;
	v15 =	vld [tilespmem:s21+$0x0];
	v13 =	vor.u32 v1, v13  }
.Ltmp2:
0x62: {  	v6 =	vand.u32 $0x7F, v6;
	v7 =	vand.u32 $0x7F, v7;
	v8 =	vld [tilespmem:s21+$0xFFFFFFE0];
	v13 =	vor.u32 v16, v13;
	(pc) =	sbr.rel @p0 .LBB2_6-.Ltmp2, $4  }
0x63: {  	v12 =	vor.u32 v6, v12;
	v14 =	vor.u32 v7, v14;
	[tilespmem:v3+s14+$0x0] =	vst.idx.add.f32.msk $0xffff, v2;
	v3 =	vmov v13  }
0x64: {  	v11 =	vshrl.u32 v11, $0x15;
	[tilespmem:v9+s14+$0x0] =	vst.idx.add.f32.msk $0xffff, v2  }
0x65: {  	v6 =	vshrl.u32 v10, $0x15;
	v10 =	vand.u32 $0x780, v11;
	[tilespmem:v4+s14+$0x0] =	vst.idx.add.f32.msk $0xffff, v2;
	v4 =	vmov v12  }
0x66: {  	s21 =	sadd.s32 $0x40, s21;
	v9 =	vand.u32 $0x7F, v11;
	v7 =	vshrl.u32 v15, $0x15;
	v10 =	vor.u32 v1, v10;
	[tilespmem:v5+s14+$0x0] =	vst.idx.add.f32.msk $0xffff, v2;
	v5 =	vmovc v14  }
0x67: {  	v8 =	vshrl.u32 v8, $0x15  }
0x68: {  	v9 =	vor.u32 v9, v10;
	v10 =	vand.u32 $0x780, v6;
	v12 =	vand.u32 $0x780, v7  }
0x69: {  	v6 =	vand.u32 $0x7F, v6;
	v11 =	vand.u32 $0x780, v8;
	v10 =	vor.u32 v1, v10  }
0x6a: {  	v8 =	vand.u32 $0x7F, v8;
	v11 =	vor.u32 v1, v11;
	v6 =	vor.u32 v6, v10  }
0x6b: {  	v7 =	vand.u32 $0x7F, v7;
	[tilespmem:v3+s14+$0x0] =	vst.idx.add.f32.msk $0xffff, v2;
	v8 =	vor.u32 v8, v11;
	v11 =	vor.u32 v1, v12  }
0x6c: {  	[tilespmem:v4+s14+$0x0] =	vst.idx.add.f32.msk $0xffff, v2;
	v3 =	vor.u32 v7, v11  }
0x6d: {  	[tilespmem:v5+s14+$0x0] =	vst.idx.add.f32.msk $0xffff, v2  }
0x6e: {  	[tilespmem:v9+s14+$0x0] =	vst.idx.add.f32.msk $0xffff, v2  }
0x6f: {  	[tilespmem:v6+s14+$0x0] =	vst.idx.add.f32.msk $0xffff, v2  }
0x70: {  	[tilespmem:v8+s14+$0x0] =	vst.idx.add.f32.msk $0xffff, v2  }
0x71: {  	[tilespmem:v3+s14+$0x0] =	vst.idx.add.f32.msk $0xffff, v2  }
0x72: {  	_ =	swait.ge [sflag:s12], $0x8000  }
0x73: {  	[sflag:s12] =	ssyncset.done $0x0  }
0x74: {  	s20 =	simm.s32 $0x20;
	[sflag:s12] =	ssyncadd.s32 $0xFFFF8000  }
0x75: {  	[tilespmem:s13], [sflag:$0x2] =	stream.linear.gather [hbm4b:s7+s3], $0x8000, $0x38;
	[tilespmem:$0x18880] =	vst v63  }
0x76: {  	v3 =	vld [tilespmem:s20+$0x10]  }
0x77: {  	v4 =	vld [tilespmem:s20+$0xFFFFFFF0]  }
0x78: {  	v5 =	vld [tilespmem:s20+$0x0]  }
0x79: {  	v6 =	vld [tilespmem:s20+$0xFFFFFFE0];
	_ =	sdelay $0x1  }
0x7a: {  	s31 =	simm.s32 $0x60  }
0x7b: {  	v8 =	vld [tilespmem:s31+$0x10]  }
0x7c: {  	v3 =	vshrl.u32 v3, $0x15;
	v4 =	vshrl.u32 v4, $0x15  }
0x7d: {  	v5 =	vshrl.u32 v5, $0x15;
	v6 =	vshrl.u32 v6, $0x15;
	v7 =	vand.u32 $0x780, v3  }
0x7e: {  	v10 =	vld [tilespmem:s31+$0xFFFFFFF0];
	v3 =	vand.u32 $0x7F, v3;
	v9 =	vand.u32 $0x780, v4;
	v7 =	vor.u32 v1, v7  }
0x7f: {  	v11 =	vld [tilespmem:s31+$0x0];
	v4 =	vand.u32 $0x7F, v4;
	v9 =	vor.u32 v1, v9;
	v7 =	vor.u32 v3, v7  }
0x80: {  	v63 =	vand.u32 $0x780, v5;
	v4 =	vor.u32 v4, v9;
	v9 =	vshrl.u32 v8, $0x15;
	v8 =	vld [tilespmem:s31+$0xFFFFFFE0]  }
0x81: {  	v5 =	vand.u32 $0x7F, v5;
	v12 =	vor.u32 v1, v63;
	v3 =	vand.u32 $0x780, v6  }
0x82: {  	v6 =	vand.u32 $0x7F, v6;
	v5 =	vor.u32 v5, v12;
	v3 =	vor.u32 v1, v3  }
0x83: {  	v3 =	vor.u32 v6, v3;
	v6 =	vshrl.u32 v10, $0x15;
	v10 =	vand.u32 $0x780, v9  }
0x84: {  	s21 =	simm.s32 $0xA0;
	s20 =	simm.s32 $0x4;
	v9 =	vand.u32 $0x7F, v9;
	v10 =	vor.u32 v1, v10;
	[tilespmem:v7+s14+$0x0] =	vst.idx.add.f32.msk $0xffff, v2;
	v7 =	vshrl.u32 v11, $0x15  }
.LBB2_8:
0x85: {  	v11 =	vld [tilespmem:s21+$0x10];
	s20 =	sadd.s32 $0x4, s20;
	v8 =	vshrl.u32 v8, $0x15;
	v12 =	vand.u32 $0x780, v6;
	v9 =	vor.u32 v9, v10  }
0x86: {  	v14 =	vand.u32 $0x780, v7;
	v10 =	vld [tilespmem:s21+$0xFFFFFFF0];
	p0 =	slt.u32 s20, $0x7FC;
	v13 =	vand.u32 $0x780, v8;
	v12 =	vor.u32 v1, v12  }
0x87: {  	v16 =	vand.u32 $0x7F, v8;
	v14 =	vor.u32 v1, v14;
	v15 =	vld [tilespmem:s21+$0x0];
	v13 =	vor.u32 v1, v13  }
.Ltmp3:
0x88: {  	v6 =	vand.u32 $0x7F, v6;
	v7 =	vand.u32 $0x7F, v7;
	v8 =	vld [tilespmem:s21+$0xFFFFFFE0];
	v13 =	vor.u32 v16, v13;
	(pc) =	sbr.rel @p0 .LBB2_8-.Ltmp3, $4  }
0x89: {  	v12 =	vor.u32 v6, v12;
	v14 =	vor.u32 v7, v14;
	[tilespmem:v3+s14+$0x0] =	vst.idx.add.f32.msk $0xffff, v2;
	v3 =	vmov v13  }
0x8a: {  	v11 =	vshrl.u32 v11, $0x15;
	[tilespmem:v9+s14+$0x0] =	vst.idx.add.f32.msk $0xffff, v2  }
0x8b: {  	v6 =	vshrl.u32 v10, $0x15;
	v10 =	vand.u32 $0x780, v11;
	[tilespmem:v4+s14+$0x0] =	vst.idx.add.f32.msk $0xffff, v2;
	v4 =	vmov v12  }
0x8c: {  	s21 =	sadd.s32 $0x40, s21;
	v9 =	vand.u32 $0x7F, v11;
	v7 =	vshrl.u32 v15, $0x15;
	v10 =	vor.u32 v1, v10;
	[tilespmem:v5+s14+$0x0] =	vst.idx.add.f32.msk $0xffff, v2;
	v5 =	vmovc v14  }
0x8d: {  	v8 =	vshrl.u32 v8, $0x15  }
0x8e: {  	v9 =	vor.u32 v9, v10;
	v10 =	vand.u32 $0x780, v6;
	v12 =	vand.u32 $0x780, v7  }
0x8f: {  	v6 =	vand.u32 $0x7F, v6;
	v11 =	vand.u32 $0x780, v8;
	v10 =	vor.u32 v1, v10  }
0x90: {  	v8 =	vand.u32 $0x7F, v8;
	v11 =	vor.u32 v1, v11;
	v6 =	vor.u32 v6, v10  }
0x91: {  	v7 =	vand.u32 $0x7F, v7;
	[tilespmem:v3+s14+$0x0] =	vst.idx.add.f32.msk $0xffff, v2;
	v8 =	vor.u32 v8, v11;
	v11 =	vor.u32 v1, v12  }
0x92: {  	[tilespmem:v4+s14+$0x0] =	vst.idx.add.f32.msk $0xffff, v2;
	v3 =	vor.u32 v7, v11  }
0x93: {  	[tilespmem:v5+s14+$0x0] =	vst.idx.add.f32.msk $0xffff, v2  }
0x94: {  	[tilespmem:v9+s14+$0x0] =	vst.idx.add.f32.msk $0xffff, v2  }
0x95: {  	[tilespmem:v6+s14+$0x0] =	vst.idx.add.f32.msk $0xffff, v2  }
0x96: {  	[tilespmem:v8+s14+$0x0] =	vst.idx.add.f32.msk $0xffff, v2  }
0x97: {  	[tilespmem:v3+s14+$0x0] =	vst.idx.add.f32.msk $0xffff, v2  }
0x98: {  	_ =	swait.ge [sflag:s15], $0x8000  }
0x99: {  	[sflag:s15] =	ssyncset.done $0x0  }
0x9a: {  	s20 =	simm.s32 $0x8020;
	[sflag:s15] =	ssyncadd.s32 $0xFFFF8000  }
0x9b: {  	v3 =	vld [tilespmem:s20+$0x10]  }
0x9c: {  	v4 =	vld [tilespmem:s20+$0xFFFFFFF0]  }
0x9d: {  	v5 =	vld [tilespmem:s20+$0x0]  }
0x9e: {  	v6 =	vld [tilespmem:s20+$0xFFFFFFE0];
	_ =	sdelay $0x1  }
0x9f: {  	s31 =	simm.s32 $0x8060  }
0xa0: {  	v8 =	vld [tilespmem:s31+$0x10]  }
0xa1: {  	v3 =	vshrl.u32 v3, $0x15;
	v4 =	vshrl.u32 v4, $0x15  }
0xa2: {  	v5 =	vshrl.u32 v5, $0x15;
	v6 =	vshrl.u32 v6, $0x15;
	v7 =	vand.u32 $0x780, v3  }
0xa3: {  	v10 =	vld [tilespmem:s31+$0xFFFFFFF0];
	v3 =	vand.u32 $0x7F, v3;
	v9 =	vand.u32 $0x780, v4;
	v7 =	vor.u32 v1, v7  }
0xa4: {  	v11 =	vld [tilespmem:s31+$0x0];
	v4 =	vand.u32 $0x7F, v4;
	v9 =	vor.u32 v1, v9;
	v7 =	vor.u32 v3, v7  }
0xa5: {  	v63 =	vand.u32 $0x780, v5;
	v4 =	vor.u32 v4, v9;
	v9 =	vshrl.u32 v8, $0x15;
	v8 =	vld [tilespmem:s31+$0xFFFFFFE0]  }
0xa6: {  	v5 =	vand.u32 $0x7F, v5;
	v12 =	vor.u32 v1, v63;
	v3 =	vand.u32 $0x780, v6  }
0xa7: {  	v6 =	vand.u32 $0x7F, v6;
	v5 =	vor.u32 v5, v12;
	v3 =	vor.u32 v1, v3  }
0xa8: {  	s21 =	simm.s32 $0x10080;
	v3 =	vor.u32 v6, v3;
	v6 =	vshrl.u32 v10, $0x15;
	v10 =	vand.u32 $0x780, v9  }
0xa9: {  	s22 =	simm.s32 $0x4;
	s23 =	simm.s32 $0x80A0;
	s20 =	simm.s32 $0x10080;
	v9 =	vand.u32 $0x7F, v9;
	v10 =	vor.u32 v1, v10;
	[tilespmem:v7+s21+$0x0] =	vst.idx.add.f32.msk $0xffff, v2;
	v7 =	vshrl.u32 v11, $0x15  }
.LBB2_10:
0xaa: {  	v11 =	vld [tilespmem:s23+$0x10];
	s22 =	sadd.s32 $0x4, s22;
	v8 =	vshrl.u32 v8, $0x15;
	v12 =	vand.u32 $0x780, v6;
	v9 =	vor.u32 v9, v10  }
0xab: {  	v14 =	vand.u32 $0x780, v7;
	v10 =	vld [tilespmem:s23+$0xFFFFFFF0];
	p0 =	slt.u32 s22, $0x7FC;
	v13 =	vand.u32 $0x780, v8;
	v12 =	vor.u32 v1, v12  }
0xac: {  	v16 =	vand.u32 $0x7F, v8;
	v14 =	vor.u32 v1, v14;
	v15 =	vld [tilespmem:s23+$0x0];
	v13 =	vor.u32 v1, v13  }
.Ltmp4:
0xad: {  	v6 =	vand.u32 $0x7F, v6;
	v7 =	vand.u32 $0x7F, v7;
	v8 =	vld [tilespmem:s23+$0xFFFFFFE0];
	v13 =	vor.u32 v16, v13;
	(pc) =	sbr.rel @p0 .LBB2_10-.Ltmp4, $4  }
0xae: {  	v12 =	vor.u32 v6, v12;
	v14 =	vor.u32 v7, v14;
	[tilespmem:v3+s20+$0x0] =	vst.idx.add.f32.msk $0xffff, v2;
	v3 =	vmov v13  }
0xaf: {  	v11 =	vshrl.u32 v11, $0x15;
	[tilespmem:v9+s21+$0x0] =	vst.idx.add.f32.msk $0xffff, v2  }
0xb0: {  	v6 =	vshrl.u32 v10, $0x15;
	v10 =	vand.u32 $0x780, v11;
	[tilespmem:v4+s20+$0x0] =	vst.idx.add.f32.msk $0xffff, v2;
	v4 =	vmov v12  }
0xb1: {  	s23 =	sadd.s32 $0x40, s23;
	v9 =	vand.u32 $0x7F, v11;
	v7 =	vshrl.u32 v15, $0x15;
	v10 =	vor.u32 v1, v10;
	[tilespmem:v5+s20+$0x0] =	vst.idx.add.f32.msk $0xffff, v2;
	v5 =	vmovc v14;
	s20 =	smov.u32 s21  }
0xb2: {  	v8 =	vshrl.u32 v8, $0x15  }
0xb3: {  	v9 =	vor.u32 v9, v10;
	v60 =	vand.u32 $0x780, v6;
	v12 =	vand.u32 $0x780, v7  }
0xb4: {  	v61 =	vand.u32 $0x7F, v6;
	v63 =	vand.u32 $0x7F, v7;
	v10 =	vor.u32 v1, v60  }
0xb5: {  	v11 =	vand.u32 $0x780, v8;
	v62 =	vor.u32 v1, v12;
	v6 =	vor.u32 v61, v10  }
0xb6: {  	[tilespmem:v3+s20+$0x0] =	vst.idx.add.f32.msk $0xffff, v2;
	v8 =	vand.u32 $0x7F, v8;
	v11 =	vor.u32 v1, v11;
	v3 =	vor.u32 v63, v62  }
0xb7: {  	[tilespmem:v4+s20+$0x0] =	vst.idx.add.f32.msk $0xffff, v2;
	v8 =	vor.u32 v8, v11  }
0xb8: {  	s23 =	simm.s32 $0x10080;
	[tilespmem:v5+s20+$0x0] =	vst.idx.add.f32.msk $0xffff, v2;
	p1 =	por $0x1, $0x1  }
.Ltmp5:
0xb9: {  	[tilespmem:v9+s23+$0x0] =	vst.idx.add.f32.msk $0xffff, v2;
	(pc) =	sbr.rel @!p1 .LBB2_12-.Ltmp5, $4  }
0xba: {  	[tilespmem:v6+s23+$0x0] =	vst.idx.add.f32.msk $0xffff, v2  }
0xbb: {  	s31 =	simm.s32 $0x0;
	[tilespmem:v3+s23+$0x0] =	vst.idx.add.f32.msk $0xffff, v2  }
0xbc: {  	s21 =	sand.u32 $0x7F0, s31;
	[tilespmem:v8+s23+$0x0] =	vst.idx.add.f32.msk $0xffff, v2  }
0xbd: {  	s20 =	simm.s32 $0x18080;
	s22 =	simm.s32 $0x10;
	p0 =	por $0x0, $0x0;
	v3 =	vld [tilespmem:s21+$0x10880]  }
0xbe: {  	v4 =	vld [tilespmem:s23+$0x0];
	_ =	sdelay $0x1  }
0xbf: {  	v5 =	vld [tilespmem:s21+$0x11080];
	_ =	sdelay $0x1  }
0xc0: {  	v6 =	vld [tilespmem:s21+$0x11880]  }
0xc1: {  	v3 =	vadd.f32 v3, v4  }
0xc2: {  	v4 =	vld [tilespmem:s21+$0x12080]  }
0xc3: {  	v3 =	vadd.f32 v5, v3  }
0xc4: {  	v5 =	vld [tilespmem:s21+$0x12880]  }
0xc5: {  	v3 =	vadd.f32 v6, v3  }
0xc6: {  	v60 =	vld [tilespmem:s21+$0x13080]  }
0xc7: {  	v3 =	vadd.f32 v4, v3  }
0xc8: {  	v4 =	vld [tilespmem:s21+$0x13880]  }
0xc9: {  	v3 =	vadd.f32 v5, v3  }
0xca: {  	v5 =	vld [tilespmem:s21+$0x14080]  }
0xcb: {  	v3 =	vadd.f32 v60, v3  }
0xcc: {  	v61 =	vld [tilespmem:s21+$0x14880]  }
0xcd: {  	v3 =	vadd.f32 v4, v3  }
0xce: {  	v4 =	vld [tilespmem:s21+$0x15080]  }
0xcf: {  	v3 =	vadd.f32 v5, v3  }
0xd0: {  	v5 =	vld [tilespmem:s21+$0x15880]  }
0xd1: {  	v3 =	vadd.f32 v61, v3  }
0xd2: {  	v62 =	vld [tilespmem:s21+$0x16080]  }
0xd3: {  	v3 =	vadd.f32 v4, v3  }
0xd4: {  	v4 =	vld [tilespmem:s21+$0x16880]  }
0xd5: {  	v3 =	vadd.f32 v5, v3  }
0xd6: {  	v5 =	vld [tilespmem:s21+$0x17080]  }
0xd7: {  	v3 =	vadd.f32 v62, v3  }
0xd8: {  	v63 =	vld [tilespmem:s21+$0x17880]  }
0xd9: {  	v3 =	vadd.f32 v4, v3;
	_ =	sdelay $0x1  }
0xda: {  	p1 =	por $0x1, $0x1;
	v3 =	vadd.f32 v5, v3  }
.Ltmp6:
0xdb: {  	_ = 	snop;
	(pc) =	sbr.rel @!p1 .LBB2_14-.Ltmp6, $3  }
0xdc: {  	v3 =	vadd.f32 v63, v3;
	_ =	sdelay $0x1  }
0xdd: {  	s24 =	simm.s32 $0x20;
	s21 =	sand.u32 $0x7F0, s22;
	[tilespmem:s20+$0x0] =	vst v3  }
0xde: {  	s23 =	simm.s32 $0x10090;
	p0 =	por $0x1, $0x1;
	s22 =	simm.s32 $0x18080;
	v3 =	vld [tilespmem:s21+$0x10880]  }
.LBB2_15:
0xdf: {  	p1 =	sne.s32 s24, $0x7F0;
	v4 =	vld [tilespmem:s23+$0x0];
	_ =	sdelay $0x1  }
0xe0: {  	v5 =	vld [tilespmem:s21+$0x11080];
	_ =	sdelay $0x1  }
0xe1: {  	v6 =	vld [tilespmem:s21+$0x11880]  }
0xe2: {  	v3 =	vadd.f32 v3, v4  }
0xe3: {  	v4 =	vld [tilespmem:s21+$0x12080]  }
0xe4: {  	v3 =	vadd.f32 v5, v3  }
0xe5: {  	v5 =	vld [tilespmem:s21+$0x12880]  }
0xe6: {  	v3 =	vadd.f32 v6, v3  }
0xe7: {  	v6 =	vld [tilespmem:s21+$0x13080]  }
0xe8: {  	v3 =	vadd.f32 v4, v3  }
0xe9: {  	v4 =	vld [tilespmem:s21+$0x13880]  }
0xea: {  	v3 =	vadd.f32 v5, v3  }
0xeb: {  	v5 =	vld [tilespmem:s21+$0x14080]  }
0xec: {  	v3 =	vadd.f32 v6, v3  }
0xed: {  	v6 =	vld [tilespmem:s21+$0x14880]  }
0xee: {  	v3 =	vadd.f32 v4, v3  }
0xef: {  	v4 =	vld [tilespmem:s21+$0x15080]  }
0xf0: {  	v3 =	vadd.f32 v5, v3  }
0xf1: {  	v5 =	vld [tilespmem:s21+$0x15880]  }
0xf2: {  	v3 =	vadd.f32 v6, v3  }
0xf3: {  	v6 =	vld [tilespmem:s21+$0x16080]  }
0xf4: {  	v3 =	vadd.f32 v4, v3  }
0xf5: {  	v4 =	vld [tilespmem:s21+$0x16880]  }
0xf6: {  	v3 =	vadd.f32 v5, v3  }
0xf7: {  	v5 =	vld [tilespmem:s21+$0x17080]  }
0xf8: {  	v3 =	vadd.f32 v6, v3  }
0xf9: {  	v6 =	vld [tilespmem:s21+$0x17880]  }
0xfa: {  	v3 =	vadd.f32 v4, v3;
	_ =	sdelay $0x1  }
0xfb: {  	v3 =	vadd.f32 v5, v3  }
.Ltmp7:
0xfc: {  	(pc) =	sbr.rel @p1 .LBB2_15-.Ltmp7, $4  }
0xfd: {  	v3 =	vadd.f32 v6, v3  }
0xfe: {  	s22 =	sadd.s32 $0x10, s22  }
0xff: {  	s21 =	sand.u32 $0x7F0, s24;
	[tilespmem:s22+$0x0] =	vst v3  }
0x100: {  	s23 =	sadd.s32 $0x10, s23;
	s24 =	sadd.s32 $0x10, s24;
	v3 =	vld [tilespmem:s21+$0x10880]  }
.LBB2_16:
0x101: {  	v4 =	vld [tilespmem:s23+$0x0];
	_ =	sdelay $0x1  }
0x102: {  	v5 =	vld [tilespmem:s21+$0x11080];
	_ =	sdelay $0x1  }
0x103: {  	v6 =	vld [tilespmem:s21+$0x11880]  }
0x104: {  	v3 =	vadd.f32 v3, v4  }
0x105: {  	v52 =	vld [tilespmem:s21+$0x12080]  }
0x106: {  	v3 =	vadd.f32 v5, v3  }
0x107: {  	v53 =	vld [tilespmem:s21+$0x12880]  }
0x108: {  	v3 =	vadd.f32 v6, v3  }
0x109: {  	v54 =	vld [tilespmem:s21+$0x13080]  }
0x10a: {  	v3 =	vadd.f32 v52, v3  }
0x10b: {  	v55 =	vld [tilespmem:s21+$0x13880]  }
0x10c: {  	v3 =	vadd.f32 v53, v3  }
0x10d: {  	v56 =	vld [tilespmem:s21+$0x14080]  }
0x10e: {  	v3 =	vadd.f32 v54, v3  }
0x10f: {  	v57 =	vld [tilespmem:s21+$0x14880]  }
0x110: {  	v3 =	vadd.f32 v55, v3  }
0x111: {  	v58 =	vld [tilespmem:s21+$0x15080]  }
0x112: {  	v3 =	vadd.f32 v56, v3  }
0x113: {  	v59 =	vld [tilespmem:s21+$0x15880]  }
0x114: {  	v3 =	vadd.f32 v57, v3  }
0x115: {  	v60 =	vld [tilespmem:s21+$0x16080]  }
0x116: {  	v3 =	vadd.f32 v58, v3  }
0x117: {  	v61 =	vld [tilespmem:s21+$0x16880]  }
0x118: {  	v3 =	vadd.f32 v59, v3  }
0x119: {  	v62 =	vld [tilespmem:s21+$0x17080]  }
0x11a: {  	v3 =	vadd.f32 v60, v3  }
0x11b: {  	v63 =	vld [tilespmem:s21+$0x17880]  }
0x11c: {  	v3 =	vadd.f32 v61, v3;
	_ =	sdelay $0x1  }
0x11d: {  	v3 =	vadd.f32 v62, v3;
	_ =	sdelay $0x1  }
0x11e: {  	s21 =	sadd.s32 @p0 $0x10, s22;
	v3 =	vadd.f32 v63, v3  }
0x11f: {  	s19 =	sadd.s32 $0x1, s19;
	s20 =	smov.u32 @p0 s21  }
0x120: {  	p0 =	sne.s32 s19, s9;
	[tilespmem:s20+$0x0] =	vst v3  }
0x121: {  	[hbm4b:s8+s16] =	stream.strided.scatter [tilespmem:s18], [sflag:$0x3], $0x800, s17, s16, $0x38;
	[tilespmem:$0x18880] =	vst v63  }
.Ltmp8:
0x122: {  	_ = 	snop;
	(pc) =	sbr.rel @p0 .LBB2_1-.Ltmp8, $4  }
.Ltmp9:
0x123: {  	_ = 	snop;
	(pc) =	sbr.rel @!p0 .LBB2_17-.Ltmp9, $4  }
0x124: {  	_ =	swait.ge [sflag:s11], $0x800  }
0x125: {  	[sflag:s11] =	ssyncset.done $0x0  }
0x126: {  	[sflag:s11] =	ssyncadd.s32 $0xFFFFF800  }
0x127: {  	_ = 	snop  }
.LBB2_12:
.Ltmp10:
0x128: {  	(pc) =	sbr.rel .LBB2_16-.Ltmp10, $2  }
0x129: {  	_ =	sdelay $0x2  }
0x12a: {  	s22 =	simm.s32 $0x18080  }
.LBB2_14:
.Ltmp11:
0x12b: {  	(pc) =	sbr.rel .LBB2_16-.Ltmp11, $2  }
0x12c: {  	_ =	sdelay $0x2  }
0x12d: {  	s22 =	simm.s32 $0x18080  }
.LBB2_17:
0x12e: {  	_ =	sfence.sel $0x180000  }
0x12f: {  	[bflag:$0x0] =	sbarrier.arrive $0xFFFF  }
0x130: {  	p0 =	sne.s32 s1, $0x0;
	_ =	strace $0x90000047  }
0x131: {  	s0 =	sadd.s32 @!p0 $0x100000, s0;
	[bflag:$0x2] =	sbarrier.arrive $0xFFFF  }
0x132: {  	[sflag:s0] =	ssyncadd.tile.s32 @!p0 $0x1;
	_ =	shalt  }
.Lfunc_end2:
_tile_overlayer_lowered:
.L_overlay_start_2:
0x133: {  	(tag) =	ssettag $0x2  }
0x134: {  	s0 =	rddreg [dreg:$0x0];
	s2 =	stileid.u32  }
0x135: {  	s1 =	rddreg [dreg:$0x1];
	p0 =	sne.s32 s2, $0x0  }
0x136: {  	s3 =	rddreg [dreg:$0x2];
	[bflag:$0x3] =	sbarrier.arrive $0xFFFF;
	s2 =	simm.s32 @!p0 $0x1C03  }
0x137: {  	[timem:s3], [sflag:s2] =	dma.local @!p0 [hbm:s0], s1  }
0x138: {  	s0 =	simm.s32 @!p0 $0x3  }
0x139: {  	_ =	swait.ge @!p0 [sflag:s0], s1  }
0x13a: {  	s1 =	ssub.s32 @!p0 $0x0, s1;
	[sflag:s0] =	ssyncset.done @!p0 $0x0  }
0x13b: {  	[sflag:s0] =	ssyncadd.s32 @!p0 s1  }
0x13c: {  	[bflag:$0x3] =	sbarrier.arrive $0xFFFF  }
0x13d: {  	_ =	shalt  }

// kernel: branch_0_fun.9.cloned.1.call-start
scs
__scs_entry_jumppad:
0x0: {  	(pc) =	sbr.rel $0x88, $3  }
0x1: {  	(tag) =	ssettag $0x0;
	lr =	simm.s32 $0x1  }
0x2: {  	[smem:$0x3F9F] =	sst lr;
	_ =	strace $0xD0000000  }
0x3: {  	_ = 	snop  }
0x4: {  	_ = 	snop  }
0x5: {  	_ = 	snop  }
0x6: {  	_ = 	snop  }
0x7: {  	_ = 	snop  }
__scs_overlays_trampoline_lowered:
0x8: {  	[smem:$0x3FAE] =	sst s0  }
0x9: {  	[smem:$0x3FAF] =	sst s1  }
0xa: {  	[smem:$0x3FB0] =	sst s2  }
0xb: {  	[smem:$0x3FB1] =	sst s3  }
0xc: {  	[smem:$0x3FB2] =	sst s4  }
0xd: {  	[smem:$0x3FB3] =	sst s5  }
0xe: {  	[smem:$0x3FB4] =	sst s6  }
0xf: {  	[smem:$0x3FB5] =	sst s7  }
0x10: {  	[smem:$0x3FB6] =	sst s8  }
0x11: {  	[smem:$0x3FB7] =	sst s9;
	s0 =	simm.s32 @!p0 $0x0  }
0x12: {  	s1 =	sld [smem:$0x3F9D];
	s0 =	simm.s32 @p0 $0x1  }
0x13: {  	[smem:$0x3FB8] =	sst s0;
	s0 =	simm.s32 @!p1 $0x0  }
0x14: {  	s2 =	sld [smem:$0x3F9C];
	s0 =	simm.s32 @p1 $0x1  }
0x15: {  	[smem:$0x3FB9] =	sst s0;
	s0 =	simm.s32 @!p2 $0x0  }
0x16: {  	s3 =	sld [smem:$0x3FDB];
	s0 =	simm.s32 @p2 $0x1  }
0x17: {  	s4 =	simm.s32 $0x1BF5;
	[smem:$0x3FBB] =	sst s0  }
0x18: {  	s0 =	sld [smem:$0x3F9E];
	_ =	swait.ge [sflag:s4], $0x0  }
0x19: {  	s7 =	sld [smem:$0x3F9F]  }
0x1a: {  	s8 =	sadd.s32 $0xFFFFE003, lr  }
0x1b: {  	s9 =	sadd.s32 $0xFFFFFEF7, lr;
	s5 =	simm.s32 $0xFFFFFFFF;
	p2 =	slt.u32 s8, $0xFFFFF086  }
0x1c: {  	p1 =	slt.u32 s9, $0xF7A;
	s5 =	simm.s32 @!p2 $0x0  }
0x1d: {  	s5 =	simm.s32 @p1 $0x1;
	p0 =	seq.s32 s7, s2  }
0x1e: {  	s7 =	smul.u32 @!p0 $0xF7A, s2;
	p2 =	seq.s32 @!p0 s5, $0x0  }
0x1f: {  	s9 =	smul.u32 $0xF7A, s1;
	s8 =	simm.s32 @!p0 $0x1BF5;
	p2 =	por !p2, p0  }
0x20: {  	[sflag:s8] =	ssyncset.s32 @!p0 $0xFFFFF086;
	s6 =	sadd.s32 @!p0 s3, s7;
	s7 =	simm.s32 @!p0 $0x108  }
0x21: {  	s3 =	sadd.s32 s3, s9;
	s6 =	sadd.s32 @!p0 $0x88, s6;
	s7 =	simm.s32 @p2 $0x1082  }
0x22: {  	[simem:s7], [sflag:s8] =	dma.local @!p0 [hbm:s6], $0xF7A  }
0x23: {  	s9 =	sor.u32 $0xD0000000, s2;
	s6 =	simm.s32 $0x108;
	_ =	swait.ge @!p0 [sflag:s8], $0x0  }
0x24: {  	s3 =	sadd.s32 $0x88, s3;
	s6 =	simm.s32 @!p1 $0x1082;
	[sflag:s4] =	ssyncset.s32 $0xFFFFF086  }
0x25: {  	[simem:s6], [sflag:s4] =	dma.local [hbm:s3], $0xF7A  }
0x26: {  	[smem:$0x3F9F] =	sst s1;
	(tag) =	ssettag s2;
	_ =	strace s9  }
0x27: {  	s1 =	sld [smem:$0x3FAF]  }
0x28: {  	s2 =	sld [smem:$0x3FB0]  }
0x29: {  	s4 =	sld [smem:$0x3FB2]  }
0x2a: {  	p0 =	seq.s32 s5, $0x0;
	s5 =	sld [smem:$0x3FB3]  }
0x2b: {  	s6 =	sld [smem:$0x3FB4]  }
0x2c: {  	s7 =	sld [smem:$0x3FB5]  }
0x2d: {  	s3 =	simm.s32 $0x108;
	s8 =	sld [smem:$0x3FB6]  }
0x2e: {  	s3 =	simm.s32 @!p0 $0x1082;
	s9 =	sld [smem:$0x3FB7]  }
0x2f: {  	lr =	sadd.s32 s0, s3;
	s0 =	sld [smem:$0x3FAE]  }
0x30: {  	s3 =	sld [smem:$0x3FB1]  }
0x31: {  	[smem:$0x3FBA] =	sst s10  }
0x32: {  	s10 =	sld [smem:$0x3FB8];
	_ =	sdelay $0x3  }
0x33: {  	p0 =	seq.s32 s10, $0x1;
	s10 =	sld [smem:$0x3FBA];
	_ =	sdelay $0x3  }
0x34: {  	[smem:$0x3FBA] =	sst s10  }
0x35: {  	s10 =	sld [smem:$0x3FB9];
	_ =	sdelay $0x3  }
0x36: {  	p1 =	seq.s32 s10, $0x1;
	s10 =	sld [smem:$0x3FBA];
	_ =	sdelay $0x3  }
0x37: {  	[smem:$0x3FBA] =	sst s10  }
0x38: {  	s10 =	sld [smem:$0x3FBB]  }
0x39: {  	_ = 	snop;
	(pc) =	sbr.ind lr, $3  }
0x3a: {  	_ = 	snop  }
0x3b: {  	_ = 	snop  }
0x3c: {  	p2 =	seq.s32 s10, $0x1;
	s10 =	sld [smem:$0x3FBA]  }
0x3d: {  	_ =	shalt  }
0x3e: {  	_ =	shalt  }
0x3f: {  	_ =	shalt  }
0x40: {  	_ =	shalt  }
0x41: {  	_ =	shalt  }
0x42: {  	_ =	shalt  }
0x43: {  	_ =	shalt  }
0x44: {  	_ =	shalt  }
0x45: {  	_ =	shalt  }
0x46: {  	_ =	shalt  }
0x47: {  	_ =	shalt  }
0x48: {  	_ =	shalt  }
0x49: {  	_ =	shalt  }
0x4a: {  	_ =	shalt  }
0x4b: {  	_ =	shalt  }
0x4c: {  	_ =	shalt  }
0x4d: {  	_ =	shalt  }
0x4e: {  	_ =	shalt  }
0x4f: {  	_ =	shalt  }
0x50: {  	_ =	shalt  }
0x51: {  	_ =	shalt  }
0x52: {  	_ =	shalt  }
0x53: {  	_ =	shalt  }
0x54: {  	_ =	shalt  }
0x55: {  	_ =	shalt  }
0x56: {  	_ =	shalt  }
0x57: {  	_ =	shalt  }
0x58: {  	_ =	shalt  }
0x59: {  	_ =	shalt  }
0x5a: {  	_ =	shalt  }
0x5b: {  	_ =	shalt  }
0x5c: {  	_ =	shalt  }
0x5d: {  	_ =	shalt  }
0x5e: {  	_ =	shalt  }
0x5f: {  	_ =	shalt  }
0x60: {  	_ =	shalt  }
0x61: {  	_ =	shalt  }
0x62: {  	_ =	shalt  }
0x63: {  	_ =	shalt  }
0x64: {  	_ =	shalt  }
0x65: {  	_ =	shalt  }
0x66: {  	_ =	shalt  }
0x67: {  	_ =	shalt  }
0x68: {  	_ =	shalt  }
0x69: {  	_ =	shalt  }
0x6a: {  	_ =	shalt  }
0x6b: {  	_ =	shalt  }
0x6c: {  	_ =	shalt  }
0x6d: {  	_ =	shalt  }
0x6e: {  	_ =	shalt  }
0x6f: {  	_ =	shalt  }
0x70: {  	_ =	shalt  }
0x71: {  	_ =	shalt  }
0x72: {  	_ =	shalt  }
0x73: {  	_ =	shalt  }
0x74: {  	_ =	shalt  }
0x75: {  	_ =	shalt  }
0x76: {  	_ =	shalt  }
0x77: {  	_ =	shalt  }
0x78: {  	_ =	shalt  }
0x79: {  	_ =	shalt  }
0x7a: {  	_ =	shalt  }
0x7b: {  	_ =	shalt  }
0x7c: {  	_ =	shalt  }
0x7d: {  	_ =	shalt  }
0x7e: {  	_ =	shalt  }
0x7f: {  	_ =	shalt  }
0x80: {  	_ =	shalt  }
0x81: {  	_ =	shalt  }
0x82: {  	_ =	shalt  }
0x83: {  	_ =	shalt  }
0x84: {  	_ =	shalt  }
0x85: {  	_ =	shalt  }
0x86: {  	_ =	shalt  }
0x87: {  	_ =	shalt  }
.Lfunc_end0:
.L_simem_size_0:
called_computation.1_lowered:
.L_overlay_start_0:
0x88: {  	s2 =	sld [smem:$0x3FD9]  }
0x89: {  	s3 =	sld [smem:$0x3FFE];
	_ =	sdelay $0x1  }
0x8a: {  	s1 =	srdreg.scid  }
0x8b: {  	s0 =	sand.u32 $0x1, s1  }
0x8c: {  	s17 =	sshll.u32 s0, $0xA;
	s2 =	sadd.s32 s3, s2  }
0x8d: {  	s2 =	sadd.s32 s2, s17  }
0x8e: {  	[smem:$0x3FC6] =	sst s2  }
0x8f: {  	_ = 	snop  }
0x90: {  	s2 =	sld [smem:$0x3FD0];
	(tm) =	ssettm $0x1  }
0x91: {  	s18 =	sld [smem:$0x3FFB];
	_ =	sdelay $0x3  }
0x92: {  	_ =	strace s18  }
0x93: {  	s3 =	sld [smem:$0x3FFC];
	_ =	sdelay $0x3  }
0x94: {  	_ =	strace s3  }
0x95: {  	s3 =	sld [smem:$0x3FFD];
	_ =	sdelay $0x3  }
0x96: {  	_ =	strace s3  }
0x97: {  	_ =	strace $0x8FFFFFFF  }
0x98: {  	s19 =	sld [smem:$0x3FDB];
	_ =	sdelay $0x1  }
0x99: {  	s4 =	simm.s32 $_scs_section_size  }
0x9a: {  	s5 =	simm.s32 $_size__tile_overlayer_lowered;
	s6 =	simm.s32 $_tile_overlayer_lowered  }
0x9b: {  	s22 =	simm.s32 $0x1BFF;
	s21 =	sshll.u32 s6, $0x1;
	s3 =	sadd.s32 s4, s19  }
0x9c: {  	s7 =	simm.s32 $0x0;
	s20 =	sshll.u32 s5, $0x1;
	s5 =	sadd.s32 s21, s3  }
0x9d: {  	[timem:s7], [sflag:s22] =	dma.local [hbm:s5], s20  }
0x9e: {  	_ =	swait.ge [sflag:s22], s20  }
0x9f: {  	s4 =	ssub.s32 $0x0, s20;
	[sflag:s22] =	ssyncset.done $0x0  }
0xa0: {  	[sflag:s22] =	ssyncadd.s32 s4;
	_ =	sdelay $0x1  }
0xa1: {  	s23 =	simm.s32 $0x1B8B  }
0xa2: {  	_ =	swait.ge [sflag:s23], $0x1  }
0xa3: {  	[sflag:s23] =	ssyncset.done $0x0  }
0xa4: {  	s25 =	simm.s32 $0x1B8E;
	s24 =	sld [smem:$0x3FFE];
	[sflag:s23] =	ssyncadd.s32 $0xFFFFFFFF  }
0xa5: {  	s26 =	simm.s32 $execute0_lowered;
	[smem:$0x3FD2] =	sst s25  }
0xa6: {  	s5 =	sshll.u32 s26, $0x1;
	_ =	strace $0x80000049;
	[dreg:$0x1] =	wrdreg $0xFFFFFFFF  }
0xa7: {  	s28 =	simm.s32 $_size_execute0_lowered;
	s3 =	sadd.s32 s3, s5;
	[dreg:$0x0] =	wrdreg $0x0  }
0xa8: {  	s5 =	sshll.u32 s28, $0x1;
	[dreg:$0x2] =	wrdreg s3  }
0xa9: {  	[dreg:$0x3] =	wrdreg s5  }
0xaa: {  	[dreg:$0x4] =	wrdreg $0xC0  }
0xab: {  	_ =	task [dreg:s7], $0x5FFFF  }
0xac: {  	[dreg:$0x1] =	wrdreg $0xFFFFFFFF  }
0xad: {  	[dreg:$0x0] =	wrdreg $0x60  }
0xae: {  	[dreg:$0x2] =	wrdreg s24  }
0xaf: {  	[dreg:$0x3] =	wrdreg s2  }
0xb0: {  	[dreg:$0x4] =	wrdreg $0x9  }
0xb1: {  	_ =	task.clear_ibuf [dreg:s7], $0x5FFFF;
	_ =	strace $0x90000049  }
0xb2: {  	s29 =	simm.s32 $0x9;
	_ =	strace $0x8000004B  }
0xb3: {  	_ =	swait.ge [sflag:s29], $0x1  }
0xb4: {  	[sflag:s29] =	ssyncadd.s32 $0xFFFFFFFF  }
0xb5: {  	_ =	strace $0x9000004B  }
0xb6: {  	_ =	sfence  }
0xb7: {  	s30 =	sld [smem:$0x0];
	_ =	sdelay $0x2  }
0xb8: {  	s31 =	sshll.u32 s1, $0xD;
	s1 =	sshrl.u32 s1, $0x2  }
0xb9: {  	s3 =	sand.u32 $0x4000, s31;
	s1 =	sadd.s32 s1, s30  }
0xba: {  	s0 =	sor.u32 s3, s0;
	s1 =	sshll.u32 s1, $0x11  }
0xbb: {  	s0 =	sor.u32 s1, s0  }
0xbc: {  	s0 =	sadd.s32 $0x8F2B, s0  }
0xbd: {  	[sflag:s0] =	ssyncadd.remote.s32 $0x1  }
0xbe: {  	_ =	sfence.sel $0xFFFF  }
0xbf: {  	[dreg:$0x0] =	wrdreg $0xFFFFFFFF;
	(pc) =	sbr.abs _section_cstart, $3  }
0xc0: {  	[dreg:$0x1] =	wrdreg $0xFFFFFFFF  }
0xc1: {  	_ =	task.clear_ibuf [dreg:s7], $0x2FFFF;
	_ =	strace $0x9FFFFFFF  }
0xc2: {  	(tm) =	ssettm $0x7FFFFFFF  }
0xc3: {  	_ =	shalt  }
tec
execute0_lowered:
.L_overlay_start_1:
0x0: {  	(tag) =	ssettag $0x1  }
0x1: {  	s4 =	rddreg [dreg:$0x0]  }
0x2: {  	s2 =	rddreg [dreg:$0x1]  }
0x3: {  	s0 =	rddreg [dreg:$0x2]  }
0x4: {  	s5 =	srdreg.scid;
	s1 =	stileid.u32  }
0x5: {  	s3 =	simm.s32 $0x0;
	s12 =	simm.s32 $0x1;
	s13 =	simm.s32 $0x8000  }
0x6: {  	s14 =	simm.s32 $0x10080;
	s15 =	simm.s32 $0x2;
	s16 =	simm.s32 $0x80  }
0x7: {  	s17 =	simm.s32 $0x400;
	s18 =	simm.s32 $0x18080;
	s19 =	simm.s32 $0x0  }
0x8: {  	s5 =	sand.u32 $0x1, s5;
	s6 =	sshll.u32 s1, $0x1;
	[smem:$0x7FF] =	sst s3  }
0x9: {  	s7 =	sshll.u32 s1, $0x9;
	s6 =	sor.u32 s5, s6;
	_ =	strace $0x8000004A  }
0xa: {  	s7 =	sand.u32 $0x1800, s7;
	s5 =	ssub.s32 $0x2, s5;
	s8 =	sshll.u32 s6, $0xE  }
0xb: {  	s9 =	sadd.s32 s7, s4;
	s6 =	sshll.u32 s6, $0x4;
	s8 =	sadd.s32 s8, s4  }
0xc: {  	s30 =	sshrl.u32 s5, $0x1;
	s11 =	sand.u32 $0x70, s6;
	s4 =	sadd.s32 $0x100400, s8  }
0xd: {  	s10 =	ssub.s32 s5, s30;
	s5 =	sadd.s32 $0x101400, s8;
	s6 =	sadd.s32 $0x102400, s8  }
0xe: {  	v1 =	vlaneseq.u32;
	s7 =	sadd.s32 $0x103400, s8;
	s31 =	sadd.s32 s11, s9;
	s9 =	smax.u32 s10, $0x1  }
0xf: {  	v0 =	vimm.f32 $0.0e+00;
	v2 =	vimm.f32 $1.000000000e+00;
	v1 =	vmul.u32 $0x800, v1;
	s10 =	simm.s32 $0x10000;
	s11 =	simm.s32 $0x3;
	s8 =	sadd.s32 $0x180400, s31  }
.LBB2_1:
0x10: {  	[tilespmem:s3], [sflag:$0x1] =	stream.linear.gather [hbm4b:s4+s3], $0x8000, $0x38;
	[tilespmem:$0x18880] =	vst v63  }
0x11: {  	s20 =	simm.s32 $0x0;
	s21 =	simm.s32 $0x200  }
.LBB2_2:
0x12: {  	p0 =	sne.s32 s21, $0x1FE00;
	[tilespmem:s20+$0x100F0] =	vst v0  }
0x13: {  	[tilespmem:s20+$0x10080] =	vst v0  }
0x14: {  	[tilespmem:s20+$0x10090] =	vst v0  }
.Ltmp0:
0x15: {  	[tilespmem:s20+$0x100A0] =	vst v0;
	(pc) =	sbr.rel @p0 .LBB2_2-.Ltmp0, $4  }
0x16: {  	[tilespmem:s20+$0x100B0] =	vst v0  }
0x17: {  	[tilespmem:s20+$0x100C0] =	vst v0  }
0x18: {  	[tilespmem:s20+$0x100D0] =	vst v0  }
0x19: {  	[tilespmem:s20+$0x100E0] =	vst v0;
	s20 =	sshra.s32 s21, $0x2;
	s21 =	sadd.s32 $0x200, s21  }
0x1a: {  	[tilespmem:s20+$0x100F0] =	vst v0  }
0x1b: {  	[tilespmem:s20+$0x10080] =	vst v0  }
0x1c: {  	[tilespmem:s20+$0x10090] =	vst v0  }
0x1d: {  	[tilespmem:s20+$0x100A0] =	vst v0  }
0x1e: {  	[tilespmem:s20+$0x100B0] =	vst v0  }
0x1f: {  	[tilespmem:s20+$0x100C0] =	vst v0  }
0x20: {  	[tilespmem:s20+$0x100D0] =	vst v0  }
0x21: {  	[tilespmem:s20+$0x100E0] =	vst v0  }
0x22: {  	[tilespmem:s10], [sflag:$0x3] =	stream.linear.gather [hbm4b:s2+s3], $0x80, $0x38;
	[tilespmem:$0x18880] =	vst v63  }
0x23: {  	_ =	swait.ge [sflag:s11], $0x80  }
0x24: {  	[sflag:s11] =	ssyncset.done $0x0  }
0x25: {  	[sflag:s11] =	ssyncadd.s32 $0xFFFFFF80  }
0x26: {  	v3 =	vld [tilespmem:$0x10000];
	_ =	swait.ge [sflag:s12], $0x8000  }
0x27: {  	[sflag:s12] =	ssyncset.done $0x0  }
0x28: {  	s31 =	simm.s32 $0x20;
	[sflag:s12] =	ssyncadd.s32 $0xFFFF8000  }
0x29: {  	[tilespmem:s13], [sflag:$0x2] =	stream.linear.gather [hbm4b:s5+s3], $0x8000, $0x38;
	[tilespmem:$0x18880] =	vst v63  }
0x2a: {  	v4 =	vld [tilespmem:s31+$0x10];
	_ =	sdelay $0x3  }
0x2b: {  	v5 =	vld [tilespmem:s31+$0xFFFFFFF0]  }
0x2c: {  	v7 =	vld [tilespmem:s31+$0xFFFFFFE0];
	v8 =	vshrl.u32 v4, $0xA;
	v4 =	vshra.s32 v4, $0x15  }
0x2d: {  	v6 =	vld [tilespmem:s31+$0x0];
	vm1 =	veq.s32 v4, v3;
	v4 =	vand.u32 $0x7FF, v8  }
0x2e: {  	s21 =	simm.s32 $0x60;
	v10 =	vor.u32 v1, v4  }
0x2f: {  	v13 =	vld [tilespmem:s21+$0xFFFFFFF0]  }
0x30: {  	v11 =	vld [tilespmem:s21+$0x10]  }
0x31: {  	v9 =	vshrl.u32 v5, $0xA;
	v5 =	vshra.s32 v5, $0x15;
	v12 =	vshra.s32 v7, $0x15  }
0x32: {  	v8 =	vshrl.u32 v6, $0xA;
	v9 =	vand.u32 $0x7FF, v9;
	v4 =	vshrl.u32 v7, $0xA;
	v7 =	vld [tilespmem:s21+$0x0]  }
0x33: {  	v6 =	vshra.s32 v6, $0x15;
	vm0 =	veq.s32 v12, v3;
	vm2 =	veq.s32 v5, v3;
	[tilespmem:v10+s14+$0x0] =	vst.idx.add.f32.msk vm1, v2  }
0x34: {  	v12 =	vshrl.u32 v13, $0xA;
	v8 =	vand.u32 $0x7FF, v8;
	v5 =	vor.u32 v1, v9;
	v10 =	vld [tilespmem:s21+$0xFFFFFFE0]  }
0x35: {  	vm3 =	veq.s32 v6, v3;
	v6 =	vor.u32 v1, v8;
	v8 =	vshrl.u32 v11, $0xA  }
0x36: {  	v9 =	vshra.s32 v11, $0x15;
	v4 =	vand.u32 $0x7FF, v4;
	v8 =	vand.u32 $0x7FF, v8  }
0x37: {  	vm0 =	vmmov vm0;
	v4 =	vor.u32 v1, v4;
	v8 =	vor.u32 v1, v8  }
0x38: {  	s20 =	simm.s32 $0x4;
	vm1 =	veq.s32 v9, v3;
	v9 =	vshra.s32 v13, $0x15;
	v11 =	vshrl.u32 v7, $0xA;
	s21 =	simm.s32 $0xA0  }
.LBB2_4:
0x39: {  	v14 =	vshrl.u32 v10, $0xA;
	v10 =	vshra.s32 v10, $0x15  }
0x3a: {  	v13 =	vld [tilespmem:s21+$0x10];
	s20 =	sadd.s32 $0x4, s20;
	v12 =	vand.u32 $0x7FF, v12;
	vm5 =	vmmov vm2;
	vm4 =	vmmov vm3  }
0x3b: {  	v16 =	vshra.s32 v7, $0x15;
	v11 =	vand.u32 $0x7FF, v11;
	v15 =	vld [tilespmem:s21+$0xFFFFFFF0];
	p0 =	slt.u32 s20, $0x7FC;
	v14 =	vand.u32 $0x7FF, v14  }
0x3c: {  	vm2 =	veq.s32 v9, v3;
	vm6 =	veq.s32 v10, v3;
	v7 =	vld [tilespmem:s21+$0x0];
	v14 =	vor.u32 v1, v14  }
.Ltmp1:
0x3d: {  	v9 =	vor.u32 v1, v12;
	vm3 =	veq.s32 v16, v3;
	v16 =	vor.u32 v1, v11;
	v10 =	vld [tilespmem:s21+$0xFFFFFFE0];
	(pc) =	sbr.rel @p0 .LBB2_4-.Ltmp1, $4  }
0x3e: {  	[tilespmem:v8+s14+$0x0] =	vst.idx.add.f32.msk vm1, v2  }
0x3f: {  	v8 =	vshrl.u32 v13, $0xA;
	v11 =	vshra.s32 v13, $0x15;
	[tilespmem:v4+s14+$0x0] =	vst.idx.add.f32.msk vm0, v2;
	v4 =	vmovc v14;
	vm0 =	vmmov vm6  }
0x40: {  	v12 =	vshrl.u32 v15, $0xA;
	vm1 =	veq.s32 v11, v3;
	v8 =	vand.u32 $0x7FF, v8;
	[tilespmem:v5+s14+$0x0] =	vst.idx.add.f32.msk vm5, v2;
	v5 =	vmovc v9  }
0x41: {  	s21 =	sadd.s32 $0x40, s21;
	v9 =	vshra.s32 v15, $0x15;
	v11 =	vshrl.u32 v7, $0xA;
	v8 =	vor.u32 v1, v8;
	[tilespmem:v6+s14+$0x0] =	vst.idx.add.f32.msk vm4, v2;
	v6 =	vmovc v16  }
0x42: {  	_ = 	snop  }
0x43: {  	v13 =	vshrl.u32 v10, $0xA;
	v10 =	vshra.s32 v10, $0x15;
	vm2 =	vmmov vm2  }
0x44: {  	v12 =	vand.u32 $0x7FF, v12;
	vm3 =	vmmov vm3;
	vm5 =	veq.s32 v9, v3  }
0x45: {  	v7 =	vshra.s32 v7, $0x15;
	vm4 =	veq.s32 v10, v3;
	vm5 =	vmmov vm5  }
0x46: {  	vm6 =	veq.s32 v7, v3;
	v7 =	vand.u32 $0x7FF, v11;
	v10 =	vor.u32 v1, v12  }
0x47: {  	[tilespmem:v8+s14+$0x0] =	vst.idx.add.f32.msk vm1, v2;
	v13 =	vand.u32 $0x7FF, v13;
	vm4 =	vmmov vm4;
	v7 =	vor.u32 v1, v7  }
0x48: {  	[tilespmem:v4+s14+$0x0] =	vst.idx.add.f32.msk vm0, v2;
	v9 =	vor.u32 v1, v13  }
0x49: {  	[tilespmem:v5+s14+$0x0] =	vst.idx.add.f32.msk vm2, v2  }
0x4a: {  	[tilespmem:v6+s14+$0x0] =	vst.idx.add.f32.msk vm3, v2  }
0x4b: {  	[tilespmem:v10+s14+$0x0] =	vst.idx.add.f32.msk vm5, v2  }
0x4c: {  	[tilespmem:v7+s14+$0x0] =	vst.idx.add.f32.msk vm6, v2  }
0x4d: {  	[tilespmem:v9+s14+$0x0] =	vst.idx.add.f32.msk vm4, v2  }
0x4e: {  	_ =	swait.ge [sflag:s15], $0x8000  }
0x4f: {  	[sflag:s15] =	ssyncset.done $0x0  }
0x50: {  	s20 =	simm.s32 $0x8020;
	[sflag:s15] =	ssyncadd.s32 $0xFFFF8000  }
0x51: {  	[tilespmem:s3], [sflag:$0x1] =	stream.linear.gather [hbm4b:s6+s3], $0x8000, $0x38;
	[tilespmem:$0x18880] =	vst v63  }
0x52: {  	v4 =	vld [tilespmem:s20+$0x10]  }
0x53: {  	v5 =	vld [tilespmem:s20+$0xFFFFFFF0]  }
0x54: {  	v7 =	vld [tilespmem:s20+$0xFFFFFFE0]  }
0x55: {  	v6 =	vld [tilespmem:s20+$0x0];
	_ =	sdelay $0x1  }
0x56: {  	s31 =	simm.s32 $0x8060  }
0x57: {  	vm1 =	vmmov vm6;
	v13 =	vld [tilespmem:s31+$0xFFFFFFF0];
	v8 =	vshrl.u32 v4, $0xA;
	v4 =	vshra.s32 v4, $0x15  }
0x58: {  	v9 =	vshrl.u32 v5, $0xA;
	v5 =	vshra.s32 v5, $0x15;
	v12 =	vshra.s32 v7, $0x15  }
0x59: {  	v11 =	vld [tilespmem:s31+$0x10];
	vm4 =	veq.s32 v4, v3;
	v4 =	vand.u32 $0x7FF, v8;
	v8 =	vshrl.u32 v6, $0xA  }
0x5a: {  	v9 =	vand.u32 $0x7FF, v9;
	v6 =	vshra.s32 v6, $0x15;
	vm0 =	veq.s32 v12, v3  }
0x5b: {  	vm2 =	veq.s32 v5, v3;
	v10 =	vor.u32 v1, v4;
	v4 =	vshrl.u32 v7, $0xA;
	v7 =	vld [tilespmem:s31+$0x0]  }
0x5c: {  	v12 =	vshrl.u32 v13, $0xA;
	v8 =	vand.u32 $0x7FF, v8;
	v5 =	vor.u32 v1, v9;
	v9 =	vld [tilespmem:s31+$0xFFFFFFE0]  }
0x5d: {  	vm3 =	veq.s32 v6, v3;
	vm0 =	vmmov vm0;
	v4 =	vand.u32 $0x7FF, v4  }
0x5e: {  	v6 =	vor.u32 v1, v8;
	v8 =	vshrl.u32 v11, $0xA;
	v11 =	vshra.s32 v11, $0x15  }
0x5f: {  	v4 =	vor.u32 v1, v4;
	vm1 =	veq.s32 v11, v3;
	v8 =	vand.u32 $0x7FF, v8  }
0x60: {  	s21 =	simm.s32 $0x80A0;
	s20 =	simm.s32 $0x4;
	v8 =	vor.u32 v1, v8;
	[tilespmem:v10+s14+$0x0] =	vst.idx.add.f32.msk vm4, v2;
	v10 =	vshra.s32 v13, $0x15;
	v11 =	vshrl.u32 v7, $0xA  }
.LBB2_6:
0x61: {  	v14 =	vshrl.u32 v9, $0xA;
	v9 =	vshra.s32 v9, $0x15  }
0x62: {  	v13 =	vld [tilespmem:s21+$0x10];
	s20 =	sadd.s32 $0x4, s20;
	v12 =	vand.u32 $0x7FF, v12;
	vm5 =	vmmov vm2;
	vm4 =	vmmov vm3  }
0x63: {  	v16 =	vshra.s32 v7, $0x15;
	v11 =	vand.u32 $0x7FF, v11;
	v15 =	vld [tilespmem:s21+$0xFFFFFFF0];
	p0 =	slt.u32 s20, $0x7FC;
	v14 =	vand.u32 $0x7FF, v14  }
0x64: {  	vm2 =	veq.s32 v10, v3;
	vm6 =	veq.s32 v9, v3;
	v7 =	vld [tilespmem:s21+$0x0];
	v14 =	vor.u32 v1, v14  }
.Ltmp2:
0x65: {  	v10 =	vor.u32 v1, v12;
	vm3 =	veq.s32 v16, v3;
	v16 =	vor.u32 v1, v11;
	v9 =	vld [tilespmem:s21+$0xFFFFFFE0];
	(pc) =	sbr.rel @p0 .LBB2_6-.Ltmp2, $4  }
0x66: {  	[tilespmem:v8+s14+$0x0] =	vst.idx.add.f32.msk vm1, v2  }
0x67: {  	v8 =	vshrl.u32 v13, $0xA;
	v11 =	vshra.s32 v13, $0x15;
	[tilespmem:v4+s14+$0x0] =	vst.idx.add.f32.msk vm0, v2;
	v4 =	vmovc v14;
	vm0 =	vmmov vm6  }
0x68: {  	v12 =	vshrl.u32 v15, $0xA;
	vm1 =	veq.s32 v11, v3;
	v8 =	vand.u32 $0x7FF, v8;
	[tilespmem:v5+s14+$0x0] =	vst.idx.add.f32.msk vm5, v2;
	v5 =	vmovc v10  }
0x69: {  	s21 =	sadd.s32 $0x40, s21;
	v10 =	vshra.s32 v15, $0x15;
	v11 =	vshrl.u32 v7, $0xA;
	v8 =	vor.u32 v1, v8;
	[tilespmem:v6+s14+$0x0] =	vst.idx.add.f32.msk vm4, v2;
	v6 =	vmovc v16  }
0x6a: {  	_ = 	snop  }
0x6b: {  	v13 =	vshrl.u32 v9, $0xA;
	v9 =	vshra.s32 v9, $0x15;
	vm2 =	vmmov vm2  }
0x6c: {  	v12 =	vand.u32 $0x7FF, v12;
	vm3 =	vmmov vm3;
	vm5 =	veq.s32 v10, v3  }
0x6d: {  	v7 =	vshra.s32 v7, $0x15;
	vm4 =	veq.s32 v9, v3;
	vm5 =	vmmov vm5  }
0x6e: {  	vm6 =	veq.s32 v7, v3;
	v7 =	vand.u32 $0x7FF, v11;
	v10 =	vor.u32 v1, v12  }
0x6f: {  	[tilespmem:v8+s14+$0x0] =	vst.idx.add.f32.msk vm1, v2;
	v13 =	vand.u32 $0x7FF, v13;
	vm4 =	vmmov vm4;
	v7 =	vor.u32 v1, v7  }
0x70: {  	[tilespmem:v4+s14+$0x0] =	vst.idx.add.f32.msk vm0, v2;
	v9 =	vor.u32 v1, v13  }
0x71: {  	[tilespmem:v5+s14+$0x0] =	vst.idx.add.f32.msk vm2, v2  }
0x72: {  	[tilespmem:v6+s14+$0x0] =	vst.idx.add.f32.msk vm3, v2  }
0x73: {  	[tilespmem:v10+s14+$0x0] =	vst.idx.add.f32.msk vm5, v2  }
0x74: {  	[tilespmem:v7+s14+$0x0] =	vst.idx.add.f32.msk vm6, v2  }
0x75: {  	[tilespmem:v9+s14+$0x0] =	vst.idx.add.f32.msk vm4, v2  }
0x76: {  	_ =	swait.ge [sflag:s12], $0x8000  }
0x77: {  	[sflag:s12] =	ssyncset.done $0x0  }
0x78: {  	s20 =	simm.s32 $0x20;
	[sflag:s12] =	ssyncadd.s32 $0xFFFF8000  }
0x79: {  	[tilespmem:s13], [sflag:$0x2] =	stream.linear.gather [hbm4b:s7+s3], $0x8000, $0x38;
	[tilespmem:$0x18880] =	vst v63  }
0x7a: {  	v4 =	vld [tilespmem:s20+$0x10]  }
0x7b: {  	v5 =	vld [tilespmem:s20+$0xFFFFFFF0]  }
0x7c: {  	v7 =	vld [tilespmem:s20+$0xFFFFFFE0]  }
0x7d: {  	v6 =	vld [tilespmem:s20+$0x0];
	_ =	sdelay $0x1  }
0x7e: {  	s31 =	simm.s32 $0x60  }
0x7f: {  	vm1 =	vmmov vm6;
	v13 =	vld [tilespmem:s31+$0xFFFFFFF0];
	v8 =	vshrl.u32 v4, $0xA;
	v4 =	vshra.s32 v4, $0x15  }
0x80: {  	v9 =	vshrl.u32 v5, $0xA;
	v5 =	vshra.s32 v5, $0x15;
	v12 =	vshra.s32 v7, $0x15  }
0x81: {  	v11 =	vld [tilespmem:s31+$0x10];
	vm4 =	veq.s32 v4, v3;
	v4 =	vand.u32 $0x7FF, v8;
	v8 =	vshrl.u32 v6, $0xA  }
0x82: {  	v9 =	vand.u32 $0x7FF, v9;
	v6 =	vshra.s32 v6, $0x15;
	vm0 =	veq.s32 v12, v3  }
0x83: {  	vm2 =	veq.s32 v5, v3;
	v10 =	vor.u32 v1, v4;
	v4 =	vshrl.u32 v7, $0xA;
	v7 =	vld [tilespmem:s31+$0x0]  }
0x84: {  	v12 =	vshrl.u32 v13, $0xA;
	v8 =	vand.u32 $0x7FF, v8;
	v5 =	vor.u32 v1, v9;
	v9 =	vld [tilespmem:s31+$0xFFFFFFE0]  }
0x85: {  	vm3 =	veq.s32 v6, v3;
	vm0 =	vmmov vm0;
	v4 =	vand.u32 $0x7FF, v4  }
0x86: {  	v6 =	vor.u32 v1, v8;
	v8 =	vshrl.u32 v11, $0xA;
	v11 =	vshra.s32 v11, $0x15  }
0x87: {  	v4 =	vor.u32 v1, v4;
	vm1 =	veq.s32 v11, v3;
	v8 =	vand.u32 $0x7FF, v8  }
0x88: {  	s21 =	simm.s32 $0xA0;
	s20 =	simm.s32 $0x4;
	v8 =	vor.u32 v1, v8;
	[tilespmem:v10+s14+$0x0] =	vst.idx.add.f32.msk vm4, v2;
	v10 =	vshra.s32 v13, $0x15;
	v11 =	vshrl.u32 v7, $0xA  }
.LBB2_8:
0x89: {  	v14 =	vshrl.u32 v9, $0xA;
	v9 =	vshra.s32 v9, $0x15  }
0x8a: {  	v13 =	vld [tilespmem:s21+$0x10];
	s20 =	sadd.s32 $0x4, s20;
	v12 =	vand.u32 $0x7FF, v12;
	vm5 =	vmmov vm2;
	vm4 =	vmmov vm3  }
0x8b: {  	v16 =	vshra.s32 v7, $0x15;
	v11 =	vand.u32 $0x7FF, v11;
	v15 =	vld [tilespmem:s21+$0xFFFFFFF0];
	p0 =	slt.u32 s20, $0x7FC;
	v14 =	vand.u32 $0x7FF, v14  }
0x8c: {  	vm2 =	veq.s32 v10, v3;
	vm6 =	veq.s32 v9, v3;
	v7 =	vld [tilespmem:s21+$0x0];
	v14 =	vor.u32 v1, v14  }
.Ltmp3:
0x8d: {  	v10 =	vor.u32 v1, v12;
	vm3 =	veq.s32 v16, v3;
	v16 =	vor.u32 v1, v11;
	v9 =	vld [tilespmem:s21+$0xFFFFFFE0];
	(pc) =	sbr.rel @p0 .LBB2_8-.Ltmp3, $4  }
0x8e: {  	[tilespmem:v8+s14+$0x0] =	vst.idx.add.f32.msk vm1, v2  }
0x8f: {  	v8 =	vshrl.u32 v13, $0xA;
	v11 =	vshra.s32 v13, $0x15;
	[tilespmem:v4+s14+$0x0] =	vst.idx.add.f32.msk vm0, v2;
	v4 =	vmovc v14;
	vm0 =	vmmov vm6  }
0x90: {  	v12 =	vshrl.u32 v15, $0xA;
	vm1 =	veq.s32 v11, v3;
	v8 =	vand.u32 $0x7FF, v8;
	[tilespmem:v5+s14+$0x0] =	vst.idx.add.f32.msk vm5, v2;
	v5 =	vmovc v10  }
0x91: {  	s21 =	sadd.s32 $0x40, s21;
	v10 =	vshra.s32 v15, $0x15;
	v11 =	vshrl.u32 v7, $0xA;
	v8 =	vor.u32 v1, v8;
	[tilespmem:v6+s14+$0x0] =	vst.idx.add.f32.msk vm4, v2;
	v6 =	vmovc v16  }
0x92: {  	_ = 	snop  }
0x93: {  	v13 =	vshrl.u32 v9, $0xA;
	v9 =	vshra.s32 v9, $0x15;
	vm2 =	vmmov vm2  }
0x94: {  	v12 =	vand.u32 $0x7FF, v12;
	vm3 =	vmmov vm3;
	vm5 =	veq.s32 v10, v3  }
0x95: {  	v7 =	vshra.s32 v7, $0x15;
	vm4 =	veq.s32 v9, v3;
	vm5 =	vmmov vm5  }
0x96: {  	vm6 =	veq.s32 v7, v3;
	v7 =	vand.u32 $0x7FF, v11;
	v10 =	vor.u32 v1, v12  }
0x97: {  	[tilespmem:v8+s14+$0x0] =	vst.idx.add.f32.msk vm1, v2;
	v13 =	vand.u32 $0x7FF, v13;
	vm4 =	vmmov vm4;
	v7 =	vor.u32 v1, v7  }
0x98: {  	[tilespmem:v4+s14+$0x0] =	vst.idx.add.f32.msk vm0, v2;
	v9 =	vor.u32 v1, v13  }
0x99: {  	[tilespmem:v5+s14+$0x0] =	vst.idx.add.f32.msk vm2, v2  }
0x9a: {  	[tilespmem:v6+s14+$0x0] =	vst.idx.add.f32.msk vm3, v2  }
0x9b: {  	[tilespmem:v10+s14+$0x0] =	vst.idx.add.f32.msk vm5, v2  }
0x9c: {  	[tilespmem:v7+s14+$0x0] =	vst.idx.add.f32.msk vm6, v2  }
0x9d: {  	[tilespmem:v9+s14+$0x0] =	vst.idx.add.f32.msk vm4, v2  }
0x9e: {  	_ =	swait.ge [sflag:s15], $0x8000  }
0x9f: {  	[sflag:s15] =	ssyncset.done $0x0  }
0xa0: {  	s20 =	simm.s32 $0x8020;
	[sflag:s15] =	ssyncadd.s32 $0xFFFF8000  }
0xa1: {  	v4 =	vld [tilespmem:s20+$0x10]  }
0xa2: {  	v5 =	vld [tilespmem:s20+$0xFFFFFFF0]  }
0xa3: {  	v7 =	vld [tilespmem:s20+$0xFFFFFFE0]  }
0xa4: {  	v6 =	vld [tilespmem:s20+$0x0];
	_ =	sdelay $0x1  }
0xa5: {  	s31 =	simm.s32 $0x8060  }
0xa6: {  	vm1 =	vmmov vm6;
	v13 =	vld [tilespmem:s31+$0xFFFFFFF0];
	v8 =	vshrl.u32 v4, $0xA;
	v4 =	vshra.s32 v4, $0x15  }
0xa7: {  	v9 =	vshrl.u32 v5, $0xA;
	v5 =	vshra.s32 v5, $0x15;
	v12 =	vshra.s32 v7, $0x15  }
0xa8: {  	v11 =	vld [tilespmem:s31+$0x10];
	vm4 =	veq.s32 v4, v3;
	v4 =	vand.u32 $0x7FF, v8;
	v8 =	vshrl.u32 v6, $0xA  }
0xa9: {  	v9 =	vand.u32 $0x7FF, v9;
	v6 =	vshra.s32 v6, $0x15;
	vm0 =	veq.s32 v12, v3  }
0xaa: {  	vm2 =	veq.s32 v5, v3;
	v10 =	vor.u32 v1, v4;
	v4 =	vshrl.u32 v7, $0xA;
	v7 =	vld [tilespmem:s31+$0x0]  }
0xab: {  	v12 =	vshrl.u32 v13, $0xA;
	v8 =	vand.u32 $0x7FF, v8;
	v5 =	vor.u32 v1, v9;
	v9 =	vld [tilespmem:s31+$0xFFFFFFE0]  }
0xac: {  	vm3 =	veq.s32 v6, v3;
	vm0 =	vmmov vm0;
	v4 =	vand.u32 $0x7FF, v4  }
0xad: {  	v6 =	vor.u32 v1, v8;
	v8 =	vshrl.u32 v11, $0xA;
	v11 =	vshra.s32 v11, $0x15  }
0xae: {  	s21 =	simm.s32 $0x10080;
	v4 =	vor.u32 v1, v4;
	vm1 =	veq.s32 v11, v3;
	v8 =	vand.u32 $0x7FF, v8  }
0xaf: {  	s22 =	simm.s32 $0x4;
	s23 =	simm.s32 $0x80A0;
	s20 =	simm.s32 $0x10080;
	v8 =	vor.u32 v1, v8;
	[tilespmem:v10+s21+$0x0] =	vst.idx.add.f32.msk vm4, v2;
	v10 =	vshra.s32 v13, $0x15;
	v11 =	vshrl.u32 v7, $0xA  }
.LBB2_10:
0xb0: {  	v14 =	vshrl.u32 v9, $0xA;
	v9 =	vshra.s32 v9, $0x15  }
0xb1: {  	v13 =	vld [tilespmem:s23+$0x10];
	s22 =	sadd.s32 $0x4, s22;
	v12 =	vand.u32 $0x7FF, v12;
	vm5 =	vmmov vm2;
	vm4 =	vmmov vm3  }
0xb2: {  	v16 =	vshra.s32 v7, $0x15;
	v11 =	vand.u32 $0x7FF, v11;
	v15 =	vld [tilespmem:s23+$0xFFFFFFF0];
	p0 =	slt.u32 s22, $0x7FC;
	v14 =	vand.u32 $0x7FF, v14  }
0xb3: {  	vm2 =	veq.s32 v10, v3;
	vm6 =	veq.s32 v9, v3;
	v7 =	vld [tilespmem:s23+$0x0];
	v14 =	vor.u32 v1, v14  }
.Ltmp4:
0xb4: {  	v10 =	vor.u32 v1, v12;
	vm3 =	veq.s32 v16, v3;
	v16 =	vor.u32 v1, v11;
	v9 =	vld [tilespmem:s23+$0xFFFFFFE0];
	(pc) =	sbr.rel @p0 .LBB2_10-.Ltmp4, $4  }
0xb5: {  	[tilespmem:v8+s21+$0x0] =	vst.idx.add.f32.msk vm1, v2  }
0xb6: {  	v8 =	vshrl.u32 v13, $0xA;
	v11 =	vshra.s32 v13, $0x15;
	[tilespmem:v4+s20+$0x0] =	vst.idx.add.f32.msk vm0, v2;
	v4 =	vmovc v14;
	vm0 =	vmmov vm6  }
0xb7: {  	v12 =	vshrl.u32 v15, $0xA;
	vm1 =	veq.s32 v11, v3;
	v8 =	vand.u32 $0x7FF, v8;
	[tilespmem:v5+s20+$0x0] =	vst.idx.add.f32.msk vm5, v2;
	v5 =	vmovc v10  }
0xb8: {  	s23 =	sadd.s32 $0x40, s23;
	v10 =	vshra.s32 v15, $0x15;
	v11 =	vshrl.u32 v7, $0xA;
	v8 =	vor.u32 v1, v8;
	[tilespmem:v6+s20+$0x0] =	vst.idx.add.f32.msk vm4, v2;
	v6 =	vmovc v16;
	s20 =	smov.u32 s21  }
0xb9: {  	_ = 	snop  }
0xba: {  	v13 =	vshrl.u32 v9, $0xA;
	v61 =	vshra.s32 v9, $0x15;
	vm2 =	vmmov vm2  }
0xbb: {  	v12 =	vand.u32 $0x7FF, v12;
	vm3 =	vmmov vm3;
	vm5 =	veq.s32 v10, v3  }
0xbc: {  	v7 =	vshra.s32 v7, $0x15;
	vm4 =	veq.s32 v61, v3;
	vm5 =	vmmov vm5  }
0xbd: {  	vm6 =	veq.s32 v7, v3;
	v3 =	vand.u32 $0x7FF, v11;
	v63 =	vor.u32 v1, v12  }
0xbe: {  	s23 =	simm.s32 $0x10080;
	[tilespmem:v4+s20+$0x0] =	vst.idx.add.f32.msk vm0, v2;
	v13 =	vand.u32 $0x7FF, v13;
	vm4 =	vmmov vm4;
	v3 =	vor.u32 v1, v3  }
0xbf: {  	[tilespmem:v8+s23+$0x0] =	vst.idx.add.f32.msk vm1, v2;
	v62 =	vor.u32 v1, v13  }
0xc0: {  	p1 =	por $0x1, $0x1;
	[tilespmem:v5+s20+$0x0] =	vst.idx.add.f32.msk vm2, v2  }
.Ltmp5:
0xc1: {  	[tilespmem:v6+s20+$0x0] =	vst.idx.add.f32.msk vm3, v2;
	(pc) =	sbr.rel @!p1 .LBB2_12-.Ltmp5, $4  }
0xc2: {  	[tilespmem:v63+s23+$0x0] =	vst.idx.add.f32.msk vm5, v2  }
0xc3: {  	s31 =	simm.s32 $0x0;
	[tilespmem:v3+s23+$0x0] =	vst.idx.add.f32.msk vm6, v2  }
0xc4: {  	s21 =	sand.u32 $0x7F0, s31;
	[tilespmem:v62+s23+$0x0] =	vst.idx.add.f32.msk vm4, v2  }
0xc5: {  	s22 =	simm.s32 $0x10;
	p0 =	por $0x0, $0x0;
	vm15 =	vmmov vm6;
	s20 =	simm.s32 $0x18080;
	v3 =	vld [tilespmem:s21+$0x10880]  }
0xc6: {  	v4 =	vld [tilespmem:s23+$0x0];
	_ =	sdelay $0x1  }
0xc7: {  	v5 =	vld [tilespmem:s21+$0x11080];
	_ =	sdelay $0x1  }
0xc8: {  	v6 =	vld [tilespmem:s21+$0x11880]  }
0xc9: {  	v3 =	vadd.f32 v3, v4  }
0xca: {  	v4 =	vld [tilespmem:s21+$0x12080]  }
0xcb: {  	v3 =	vadd.f32 v5, v3  }
0xcc: {  	v5 =	vld [tilespmem:s21+$0x12880]  }
0xcd: {  	v3 =	vadd.f32 v6, v3  }
0xce: {  	v60 =	vld [tilespmem:s21+$0x13080]  }
0xcf: {  	v3 =	vadd.f32 v4, v3  }
0xd0: {  	v4 =	vld [tilespmem:s21+$0x13880]  }
0xd1: {  	v3 =	vadd.f32 v5, v3  }
0xd2: {  	v5 =	vld [tilespmem:s21+$0x14080]  }
0xd3: {  	v3 =	vadd.f32 v60, v3  }
0xd4: {  	v61 =	vld [tilespmem:s21+$0x14880]  }
0xd5: {  	v3 =	vadd.f32 v4, v3  }
0xd6: {  	v4 =	vld [tilespmem:s21+$0x15080]  }
0xd7: {  	v3 =	vadd.f32 v5, v3  }
0xd8: {  	v5 =	vld [tilespmem:s21+$0x15880]  }
0xd9: {  	v3 =	vadd.f32 v61, v3  }
0xda: {  	v62 =	vld [tilespmem:s21+$0x16080]  }
0xdb: {  	v3 =	vadd.f32 v4, v3  }
0xdc: {  	v4 =	vld [tilespmem:s21+$0x16880]  }
0xdd: {  	v3 =	vadd.f32 v5, v3  }
0xde: {  	v5 =	vld [tilespmem:s21+$0x17080]  }
0xdf: {  	v3 =	vadd.f32 v62, v3  }
0xe0: {  	v63 =	vld [tilespmem:s21+$0x17880]  }
0xe1: {  	v3 =	vadd.f32 v4, v3;
	_ =	sdelay $0x1  }
0xe2: {  	p1 =	por $0x1, $0x1;
	v3 =	vadd.f32 v5, v3  }
.Ltmp6:
0xe3: {  	_ = 	snop;
	(pc) =	sbr.rel @!p1 .LBB2_14-.Ltmp6, $3  }
0xe4: {  	v3 =	vadd.f32 v63, v3;
	_ =	sdelay $0x1  }
0xe5: {  	s24 =	simm.s32 $0x20;
	s21 =	sand.u32 $0x7F0, s22;
	[tilespmem:s20+$0x0] =	vst v3  }
0xe6: {  	s23 =	simm.s32 $0x10090;
	p0 =	por $0x1, $0x1;
	s22 =	simm.s32 $0x18080;
	v3 =	vld [tilespmem:s21+$0x10880]  }
.LBB2_15:
0xe7: {  	p1 =	sne.s32 s24, $0x7F0;
	v4 =	vld [tilespmem:s23+$0x0];
	_ =	sdelay $0x1  }
0xe8: {  	v5 =	vld [tilespmem:s21+$0x11080];
	_ =	sdelay $0x1  }
0xe9: {  	v6 =	vld [tilespmem:s21+$0x11880]  }
0xea: {  	v3 =	vadd.f32 v3, v4  }
0xeb: {  	v4 =	vld [tilespmem:s21+$0x12080]  }
0xec: {  	v3 =	vadd.f32 v5, v3  }
0xed: {  	v5 =	vld [tilespmem:s21+$0x12880]  }
0xee: {  	v3 =	vadd.f32 v6, v3  }
0xef: {  	v6 =	vld [tilespmem:s21+$0x13080]  }
0xf0: {  	v3 =	vadd.f32 v4, v3  }
0xf1: {  	v4 =	vld [tilespmem:s21+$0x13880]  }
0xf2: {  	v3 =	vadd.f32 v5, v3  }
0xf3: {  	v5 =	vld [tilespmem:s21+$0x14080]  }
0xf4: {  	v3 =	vadd.f32 v6, v3  }
0xf5: {  	v6 =	vld [tilespmem:s21+$0x14880]  }
0xf6: {  	v3 =	vadd.f32 v4, v3  }
0xf7: {  	v4 =	vld [tilespmem:s21+$0x15080]  }
0xf8: {  	v3 =	vadd.f32 v5, v3  }
0xf9: {  	v5 =	vld [tilespmem:s21+$0x15880]  }
0xfa: {  	v3 =	vadd.f32 v6, v3  }
0xfb: {  	v6 =	vld [tilespmem:s21+$0x16080]  }
0xfc: {  	v3 =	vadd.f32 v4, v3  }
0xfd: {  	v4 =	vld [tilespmem:s21+$0x16880]  }
0xfe: {  	v3 =	vadd.f32 v5, v3  }
0xff: {  	v5 =	vld [tilespmem:s21+$0x17080]  }
0x100: {  	v3 =	vadd.f32 v6, v3  }
0x101: {  	v6 =	vld [tilespmem:s21+$0x17880]  }
0x102: {  	v3 =	vadd.f32 v4, v3;
	_ =	sdelay $0x1  }
0x103: {  	v3 =	vadd.f32 v5, v3  }
.Ltmp7:
0x104: {  	(pc) =	sbr.rel @p1 .LBB2_15-.Ltmp7, $4  }
0x105: {  	v3 =	vadd.f32 v6, v3  }
0x106: {  	s22 =	sadd.s32 $0x10, s22  }
0x107: {  	s21 =	sand.u32 $0x7F0, s24;
	[tilespmem:s22+$0x0] =	vst v3  }
0x108: {  	s23 =	sadd.s32 $0x10, s23;
	s24 =	sadd.s32 $0x10, s24;
	v3 =	vld [tilespmem:s21+$0x10880]  }
.LBB2_16:
0x109: {  	v4 =	vld [tilespmem:s23+$0x0];
	_ =	sdelay $0x1  }
0x10a: {  	v5 =	vld [tilespmem:s21+$0x11080];
	_ =	sdelay $0x1  }
0x10b: {  	v6 =	vld [tilespmem:s21+$0x11880]  }
0x10c: {  	v3 =	vadd.f32 v3, v4  }
0x10d: {  	v52 =	vld [tilespmem:s21+$0x12080]  }
0x10e: {  	v3 =	vadd.f32 v5, v3  }
0x10f: {  	v53 =	vld [tilespmem:s21+$0x12880]  }
0x110: {  	v3 =	vadd.f32 v6, v3  }
0x111: {  	v54 =	vld [tilespmem:s21+$0x13080]  }
0x112: {  	v3 =	vadd.f32 v52, v3  }
0x113: {  	v55 =	vld [tilespmem:s21+$0x13880]  }
0x114: {  	v3 =	vadd.f32 v53, v3  }
0x115: {  	v56 =	vld [tilespmem:s21+$0x14080]  }
0x116: {  	v3 =	vadd.f32 v54, v3  }
0x117: {  	v57 =	vld [tilespmem:s21+$0x14880]  }
0x118: {  	v3 =	vadd.f32 v55, v3  }
0x119: {  	v58 =	vld [tilespmem:s21+$0x15080]  }
0x11a: {  	v3 =	vadd.f32 v56, v3  }
0x11b: {  	v59 =	vld [tilespmem:s21+$0x15880]  }
0x11c: {  	v3 =	vadd.f32 v57, v3  }
0x11d: {  	v60 =	vld [tilespmem:s21+$0x16080]  }
0x11e: {  	v3 =	vadd.f32 v58, v3  }
0x11f: {  	v61 =	vld [tilespmem:s21+$0x16880]  }
0x120: {  	v3 =	vadd.f32 v59, v3  }
0x121: {  	v62 =	vld [tilespmem:s21+$0x17080]  }
0x122: {  	v3 =	vadd.f32 v60, v3  }
0x123: {  	v63 =	vld [tilespmem:s21+$0x17880]  }
0x124: {  	v3 =	vadd.f32 v61, v3;
	_ =	sdelay $0x1  }
0x125: {  	v3 =	vadd.f32 v62, v3;
	_ =	sdelay $0x1  }
0x126: {  	s21 =	sadd.s32 @p0 $0x10, s22;
	v3 =	vadd.f32 v63, v3  }
0x127: {  	s19 =	sadd.s32 $0x1, s19;
	s20 =	smov.u32 @p0 s21  }
0x128: {  	p0 =	sne.s32 s19, s9;
	[tilespmem:s20+$0x0] =	vst v3  }
0x129: {  	[hbm4b:s8+s16] =	stream.strided.scatter [tilespmem:s18], [sflag:$0x3], $0x800, s17, s16, $0x38;
	[tilespmem:$0x18880] =	vst v63  }
.Ltmp8:
0x12a: {  	_ = 	snop;
	(pc) =	sbr.rel @p0 .LBB2_1-.Ltmp8, $4  }
.Ltmp9:
0x12b: {  	_ = 	snop;
	(pc) =	sbr.rel @!p0 .LBB2_17-.Ltmp9, $4  }
0x12c: {  	_ =	swait.ge [sflag:s11], $0x800  }
0x12d: {  	[sflag:s11] =	ssyncset.done $0x0  }
0x12e: {  	[sflag:s11] =	ssyncadd.s32 $0xFFFFF800  }
0x12f: {  	_ = 	snop  }
.LBB2_12:
.Ltmp10:
0x130: {  	(pc) =	sbr.rel .LBB2_16-.Ltmp10, $2  }
0x131: {  	_ =	sdelay $0x2  }
0x132: {  	s22 =	simm.s32 $0x18080  }
.LBB2_14:
.Ltmp11:
0x133: {  	(pc) =	sbr.rel .LBB2_16-.Ltmp11, $2  }
0x134: {  	_ =	sdelay $0x2  }
0x135: {  	s22 =	simm.s32 $0x18080  }
.LBB2_17:
0x136: {  	_ =	sfence.sel $0x180000  }
0x137: {  	[bflag:$0x0] =	sbarrier.arrive $0xFFFF  }
0x138: {  	p0 =	sne.s32 s1, $0x0;
	_ =	strace $0x9000004A  }
0x139: {  	s0 =	sadd.s32 @!p0 $0x100000, s0;
	[bflag:$0x2] =	sbarrier.arrive $0xFFFF  }
0x13a: {  	[sflag:s0] =	ssyncadd.tile.s32 @!p0 $0x1;
	_ =	shalt  }
.Lfunc_end2:
_tile_overlayer_lowered:
.L_overlay_start_2:
0x13b: {  	(tag) =	ssettag $0x2  }
0x13c: {  	s0 =	rddreg [dreg:$0x0];
	s2 =	stileid.u32  }
0x13d: {  	s1 =	rddreg [dreg:$0x1];
	p0 =	sne.s32 s2, $0x0  }
0x13e: {  	s3 =	rddreg [dreg:$0x2];
	[bflag:$0x3] =	sbarrier.arrive $0xFFFF;
	s2 =	simm.s32 @!p0 $0x1C03  }
0x13f: {  	[timem:s3], [sflag:s2] =	dma.local @!p0 [hbm:s0], s1  }
0x140: {  	s0 =	simm.s32 @!p0 $0x3  }
0x141: {  	_ =	swait.ge @!p0 [sflag:s0], s1  }
0x142: {  	s1 =	ssub.s32 @!p0 $0x0, s1;
	[sflag:s0] =	ssyncset.done @!p0 $0x0  }
0x143: {  	[sflag:s0] =	ssyncadd.s32 @!p0 s1  }
0x144: {  	[bflag:$0x3] =	sbarrier.arrive $0xFFFF  }
0x145: {  	_ =	shalt  }

</sc_bundles>
